<compile_context>
chip_gen: v7x
topology: tpu7x:2x2x1
jax: 0.10.2.dev20260603
libtpu: 0.0.44.dev20260713+nightly
codegen_flags: <defaults>
</compile_context>

<pallas_src>
import numpy as np
import jax
import jax.numpy as jnp
from jax.experimental import pallas as pl
from jax.experimental.pallas import tpu as pltpu
from jax.experimental.pallas import tpu_sc as plsc

_B = 16384
_F = 26
_D = 64
_NF = _F + 1
_V = 2600000

_SPLIT4 = 655360
_PACK_C = 8192
_N_IN_BLOCKS = (_V + _PACK_C - 1) // _PACK_C - 1

_GATHER_WINDOW = 128


def _pack_kernel(x0_ref, x1_ref, x2_ref, x3_ref, o_ref):
    t = jnp.transpose(jnp.concatenate([x0_ref[...], x2_ref[...]],
                                      axis=0))
    u = jnp.transpose(jnp.concatenate([x1_ref[...], x3_ref[...]],
                                      axis=0))
    tb = jax.lax.bitcast_convert_type(t, jnp.int32) + jnp.int32(0x8000)
    ub = jax.lax.bitcast_convert_type(u, jnp.int32) + jnp.int32(0x8000)
    o_ref[...] = jnp.bitwise_or(
        jax.lax.shift_right_logical(tb, 16),
        jnp.bitwise_and(ub, jnp.int32(-65536)))


def _pack(wt):
    nj = _SPLIT4 // _PACK_C

    def imap(k):
        return lambda j: (0, jnp.minimum(j + k * nj, _N_IN_BLOCKS))

    return pl.pallas_call(
        _pack_kernel,
        grid=(nj,),
        in_specs=[pl.BlockSpec((_D, _PACK_C), imap(0)),
                  pl.BlockSpec((_D, _PACK_C), imap(1)),
                  pl.BlockSpec((_D, _PACK_C), imap(2)),
                  pl.BlockSpec((_D, _PACK_C), imap(3))],
        out_specs=pl.BlockSpec((_PACK_C, 128), lambda j: (j, 0)),
        out_shape=jax.ShapeDtypeStruct((_SPLIT4, 128), jnp.int32),
    )(wt, wt, wt, wt)


def _sc_gather(table, flat_idx):
    n = flat_idx.shape[0]
    d = table.shape[1]
    idx2 = flat_idx.reshape(1, n)

    @pl.kernel(
        out_type=jax.ShapeDtypeStruct((n, d), table.dtype),
        mesh=plsc.VectorSubcoreMesh(core_axis_name="core",
                                    subcore_axis_name="subcore"),
    )
    def gather_kernel(x_hbm, i_hbm, o_hbm):
        def body(i_vmem, o_vmem):
            pltpu.sync_copy(x_hbm.at[i_vmem.at[0]], o_vmem)

        pltpu.emit_pipeline(
            body,
            grid=(n // _GATHER_WINDOW,),
            in_specs=[pl.BlockSpec((1, _GATHER_WINDOW),
                                   index_map=lambda i: (0, i))],
            out_specs=[pl.BlockSpec((_GATHER_WINDOW, d),
                                    index_map=lambda i: (i, 0))],
            core_axis_name=("core", "subcore"),
            dimension_semantics=(pltpu.PARALLEL,),
        )(i_hbm, o_hbm)

    return gather_kernel(table, idx2)


def _dense_mlp_kernel(x_ref, w1_ref, b1_ref, w2_ref, b2_ref, w3_ref, b3_ref,
                      o_ref):
    x = x_ref[...]
    h = jnp.maximum(x @ w1_ref[...] + b1_ref[...], 0.0)
    h = jnp.maximum(h @ w2_ref[...] + b2_ref[...], 0.0)
    h = jnp.maximum(h @ w3_ref[...] + b3_ref[...], 0.0)
    o_ref[...] = h


def _dense_mlp(x_pad, w1p, b1, w2, b2, w3, b3):
    bb = 2048
    full = lambda a: pl.BlockSpec(a.shape, lambda i: (0,) * a.ndim)
    return pl.pallas_call(
        _dense_mlp_kernel,
        grid=(_B // bb,),
        in_specs=[pl.BlockSpec((bb, x_pad.shape[1]), lambda i: (i, 0)),
                  full(w1p), full(b1), full(w2), full(b2), full(w3), full(b3)],
        out_specs=pl.BlockSpec((bb, _D), lambda i: (i, 0)),
        out_shape=jax.ShapeDtypeStruct((_B, _D), jnp.float32),
    )(x_pad, w1p, b1, w2, b2, w3, b3)


def _main_kernel(wide_ref, h_ref, d_ref, w1_ref, b1_ref, w2_ref, b2_ref,
                 w3_ref, b3_ref, w4_ref, b4_ref, w5_ref, b5_ref, o_ref):
    wide = wide_ref[...]
    sel = h_ref[...]
    lo = wide[:, :_D]
    hi = wide[:, _D:]
    sel2 = sel[:, None]
    w64 = jnp.where(sel2 >= 2, hi, lo)
    bits = jnp.where(jnp.bitwise_and(sel2, 1) == 1,
                     jnp.bitwise_and(w64, jnp.int32(-65536)),
                     jax.lax.shift_left(w64, 16))
    e2 = jax.lax.bitcast_convert_type(bits, jnp.float32)
    bb = e2.shape[0] // _F
    d = d_ref[...]
    c = jnp.concatenate([d[:, None, :], e2.reshape(bb, _F, _D)],
                        axis=1)
    inter = jax.lax.dot_general(
        c, c, dimension_numbers=(((2,), (2,)), ((0,), (0,))),
        preferred_element_type=jnp.float32)
    parts = [d]
    for i in range(1, _NF):
        parts.append(inter[:, i, :i])
    parts.append(jnp.zeros((bb, 1), jnp.float32))
    x = jnp.concatenate(parts, axis=1)
    x = jnp.maximum(x @ w1_ref[...] + b1_ref[...], 0.0)
    x = jnp.maximum(x @ w2_ref[...] + b2_ref[...], 0.0)
    x = jnp.maximum(x @ w3_ref[...] + b3_ref[...], 0.0)
    x = jnp.maximum(x @ w4_ref[...] + b4_ref[...], 0.0)
    o_ref[...] = x @ w5_ref[...] + b5_ref[...]


def _main(wide, hsel, d, w1p, b1, w2, b2, w3, b3, w4, b4, w5, b5):
    bb = 512
    n = wide.shape[0] // _F
    full = lambda a: pl.BlockSpec(a.shape, lambda i: (0,) * a.ndim)
    return pl.pallas_call(
        _main_kernel,
        grid=(n // bb,),
        in_specs=[pl.BlockSpec((bb * _F, 128), lambda i: (i, 0)),
                  pl.BlockSpec((bb * _F,), lambda i: (i,)),
                  pl.BlockSpec((bb, _D), lambda i: (i, 0)),
                  full(w1p), full(b1), full(w2), full(b2), full(w3), full(b3),
                  full(w4), full(b4), full(w5), full(b5)],
        out_specs=pl.BlockSpec((bb, 1), lambda i: (i, 0)),
        out_shape=jax.ShapeDtypeStruct((n, 1), jnp.float32),
    )(wide, hsel, d, w1p, b1, w2, b2, w3, b3, w4, b4, w5, b5)


def kernel(dense_features, sparse_indices, offsets, W_embed, dense_params,
           over_params):
    flat_idx = (sparse_indices + offsets[None, :]).reshape(-1).astype(jnp.int32)
    sel = flat_idx // _SPLIT4
    q = (flat_idx - sel * _SPLIT4).astype(jnp.int32)

    (w1d, b1d), (w2d, b2d), (w3d, b3d) = dense_params
    x_pad = jnp.pad(dense_features, ((0, 0), (0, 16 - dense_features.shape[1])))
    w1d_pad = jnp.pad(w1d, ((0, 16 - w1d.shape[0]), (0, 0)))

    (w1o, b1o), (w2o, b2o), (w3o, b3o), (w4o, b4o), (w5o, b5o) = over_params
    w1o_pad = jnp.pad(w1o, ((0, 416 - w1o.shape[0]), (0, 0)))

    r2 = lambda b: b.reshape(1, -1)

    wp = _pack(W_embed.T)

    nq = 4
    qn = (_B * _F) // nq
    bn = _B // nq
    wides = [_sc_gather(wp, q[i * qn:(i + 1) * qn]) for i in range(nq)]

    d = _dense_mlp(x_pad, w1d_pad, r2(b1d), w2d, r2(b2d), w3d, r2(b3d))

    hsel = sel.astype(jnp.int32)
    ow = (w1o_pad, r2(b1o), w2o, r2(b2o), w3o, r2(b3o), w4o, r2(b4o), w5o,
          r2(b5o))
    logits = [
        _main(wides[i], hsel[i * qn:(i + 1) * qn], d[i * bn:(i + 1) * bn], *ow)
        for i in range(nq)
    ]
    return jnp.concatenate(logits, axis=0)

# --- scband reference (transcript-rebuilt; emitter-appended) ---
"""Pipeline reference for scband-hybrid-parallel-dlrm-1683627180426 (READ-ONLY COPY).

The authoritative reference and input builder live on the scoring server;
editing this copy changes nothing except your own understanding.
"""

import jax, jax.numpy as jnp
import numpy as np

B = 16384
F = 26
D = 64
DENSE_IN = 13
VOCAB = 100000
DENSE_LAYERS = [512, 256, 64]
OVER_LAYERS = [1024, 1024, 512, 256, 1]
TRIL_I, TRIL_J = np.tril_indices(F + 1, -1)


def _make_mlp(key, in_f, sizes):
    params = []
    for s in sizes:
        key, k1 = jax.random.split(key)
        W = jax.random.normal(k1, (in_f, s), jnp.float32) * (1.0 / np.sqrt(in_f))
        b = jnp.zeros((s,), jnp.float32)
        params.append((W, b))
        in_f = s
    return params


def setup_inputs(seed: int = 0):
    key = jax.random.key(seed)
    k0, k1, k2, k3, k4 = jax.random.split(key, 5)
    dense_features = jax.random.normal(k0, (B, DENSE_IN), jnp.float32)
    sparse_indices = jax.random.randint(k1, (B, F), 0, VOCAB)
    offsets = jnp.asarray(np.concatenate([[0], np.cumsum([VOCAB] * F)[:-1]]), dtype=jnp.int32)
    W_embed = jax.random.normal(k2, (VOCAB * F, D), jnp.float32) * 0.01
    dense_params = _make_mlp(k3, DENSE_IN, DENSE_LAYERS)
    over_params = _make_mlp(k4, D + (F + 1) * F // 2, OVER_LAYERS)
    return {"dense_features": dense_features, "sparse_indices": sparse_indices, "offsets": offsets, "W_embed": W_embed, "dense_params": dense_params, "over_params": over_params}


def _mlp(x, params, final_relu):
    n = len(params)
    for i, (W, b) in enumerate(params):
        x = x @ W + b
        if final_relu or i < n - 1:
            x = jax.nn.relu(x)
    return x


def reference(dense_features, sparse_indices, offsets, W_embed, dense_params, over_params):
    # SparseArch: fused embedding lookup with per-feature row offsets
    emb = jnp.take(W_embed, sparse_indices + offsets[None, :], axis=0)  # [B, F, D]
    # DenseArch: MLP with ReLU on every layer
    d = _mlp(dense_features, dense_params, final_relu=True)  # [B, D]
    # InteractionArch: pairwise dot products among [dense_emb, sparse_embs]
    combined = jnp.concatenate([d[:, None, :], emb], axis=1)  # [B, F+1, D]
    inter = jnp.einsum('bnd,bmd->bnm', combined, combined)  # [B, F+1, F+1]
    flat = inter[:, TRIL_I, TRIL_J]  # [B, choose(F+1, 2)]
    over_in = jnp.concatenate([d, flat], axis=1)  # [B, D + choose(F+1,2)]
    # OverArch: ReLU on hidden layers, linear final layer
    logits = _mlp(over_in, over_params, final_relu=False)  # [B, 1]
    return logits

if __name__ == "__main__":
    import jax
    _d = setup_inputs()
    print(jax.jit(kernel)(*tuple(_d.values())))

</pallas_src>

<mosaic_0001>
#map = affine_map<(d0, d1) -> (0, 0)>
module attributes {stable_mosaic.version = 14 : i64} {
  func.func @gather_kernel(%arg0: i32, %arg1: i32, %arg2: memref<655360x128xi32, #tpu.memory_space<hbm>>, %arg3: memref<1x106496xi32, #tpu.memory_space<hbm>>, %arg4: memref<106496x128xi32, #tpu.memory_space<hbm>>) attributes {dimension_semantics = [#tpu.dimension_semantics<core_parallel>, #tpu.dimension_semantics<subcore_parallel>], iteration_bounds = array<i64: 2, 16>, scalar_prefetch = 0 : i64, scratch_operands = 0 : i64, tpu.core_type = #tpu.core_type<sc_vector_subcore>, window_params = [{transform_indices = #map}, {transform_indices = #map}, {transform_indices = #map}]} {
    %mul3A = arith.constant 1 : i32
    %mul3A_0 = arith.muli %arg1, %mul3A : i32
    %add3A = arith.constant 0 : i32
    %add3A_1 = arith.addi %add3A, %mul3A_0 : i32
    %mul3A_2 = arith.constant 16 : i32
    %mul3A_3 = arith.muli %arg0, %mul3A_2 : i32
    %add3A_4 = arith.addi %add3A_1, %mul3A_3 : i32
    %mul3A_5 = arith.constant 26 : i32
    %mul3A_6 = arith.muli %add3A_4, %mul3A_5 : i32
    "tpu.region"() ({
      %run_scoped3A = memref.alloca() : memref<2x1x128xi32, #tpu.memory_space<vmem>>
      %run_scoped3A_7 = tpu.sem_alloc : memref<2x!tpu.dma_semaphore, #tpu.memory_space<semaphore_mem>>
      %run_scoped3A_8 = memref.alloca() : memref<2x128x128xi32, #tpu.memory_space<vmem>>
      %run_scoped3A_9 = tpu.sem_alloc : memref<2x!tpu.dma_semaphore, #tpu.memory_space<semaphore_mem>>
      %add3A_10 = arith.constant 0 : i32
      %add3A_11 = arith.addi %add3A_10, %mul3A_6 : i32
      %select_n3A = arith.constant true
      %select_n3A_12 = arith.constant 0 : i32
      %select_n3A_13 = arith.constant -1 : i32
      %select_n3A_14 = arith.select %select_n3A, %select_n3A_13, %select_n3A_12 : i32
      %eq3A = arith.constant -1 : i32
      %eq3A_15 = arith.cmpi eq, %select_n3A_14, %eq3A : i32
      %select_n3A_16 = arith.constant 25 : i32
      %select_n3A_17 = arith.select %eq3A_15, %select_n3A_16, %select_n3A_14 : i32
      %add3A_18 = arith.addi %select_n3A_17, %mul3A_6 : i32
      %select_n3A_19 = arith.constant true
      %select_n3A_20 = arith.constant 0 : i32
      %select_n3A_21 = arith.constant 1 : i32
      %select_n3A_22 = arith.select %select_n3A_19, %select_n3A_21, %select_n3A_20 : i32
      %eq3A_23 = arith.constant 26 : i32
      %eq3A_24 = arith.cmpi eq, %select_n3A_22, %eq3A_23 : i32
      %select_n3A_25 = arith.constant 0 : i32
      %select_n3A_26 = arith.select %eq3A_24, %select_n3A_25, %select_n3A_22 : i32
      %add3A_27 = arith.addi %select_n3A_26, %mul3A_6 : i32
      %add3A_28 = arith.constant 1 : i32
      %add3A_29 = arith.addi %select_n3A_26, %add3A_28 : i32
      %select_n3A_30 = arith.constant true
      %select_n3A_31 = arith.select %select_n3A_30, %add3A_29, %select_n3A_26 : i32
      %eq3A_32 = arith.constant 26 : i32
      %eq3A_33 = arith.cmpi eq, %select_n3A_31, %eq3A_32 : i32
      %select_n3A_34 = arith.constant 0 : i32
      %select_n3A_35 = arith.select %eq3A_33, %select_n3A_34, %select_n3A_31 : i32
      %add3A_36 = arith.addi %select_n3A_35, %mul3A_6 : i32
      "tpu.trace_start"() <{level = 10 : i32, message = "ep_initialize_0"}> : () -> ()
      %rem3A = arith.constant 0 : i32
      %rem3A_37 = arith.constant 2 : i32
      %rem3A_38 = arith.remui %rem3A, %rem3A_37 : i32
      %mul3A_39 = arith.constant 128 : i32
      %mul3A_40 = arith.muli %mul3A_39, %add3A_11 : i32
      %dma_start3A = arith.constant 0 : i32
      %dma_start3A_41 = arith.constant 0 : i32
      %dma_start3A_42 = tpu.memref_slice %run_scoped3A[%rem3A_38, %dma_start3A, %dma_start3A_41] : memref<2x1x128xi32, #tpu.memory_space<vmem>> -> memref<1x1x128xi32, #tpu.memory_space<vmem>>
      %dma_start3A_43 = tpu.memref_squeeze %dma_start3A_42 : memref<1x1x128xi32, #tpu.memory_space<vmem>> -> memref<1x128xi32, #tpu.memory_space<vmem>>
      %dma_start3A_44 = arith.constant 0 : i32
      %dma_start3A_45 = tpu.memref_slice %arg3[%dma_start3A_44, %mul3A_40] : memref<1x106496xi32, #tpu.memory_space<hbm>> -> memref<1x128xi32, #tpu.memory_space<hbm>>
      %dma_start3A_46 = tpu.memref_slice %run_scoped3A_7[%rem3A_38] : memref<2x!tpu.dma_semaphore, #tpu.memory_space<semaphore_mem>> -> memref<1x!tpu.dma_semaphore, #tpu.memory_space<semaphore_mem>>
      %dma_start3A_47 = tpu.memref_squeeze %dma_start3A_46 : memref<1x!tpu.dma_semaphore, #tpu.memory_space<semaphore_mem>> -> memref<!tpu.dma_semaphore, #tpu.memory_space<semaphore_mem>>
      %dma_start3A_48 = arith.constant 0 : i32
      %dma_start3A_49 = arith.constant 0 : i32
      %dma_start3A_50 = tpu.memref_slice %run_scoped3A[%rem3A_38, %dma_start3A_48, %dma_start3A_49] : memref<2x1x128xi32, #tpu.memory_space<vmem>> -> memref<1x1x128xi32, #tpu.memory_space<vmem>>
      %dma_start3A_51 = tpu.memref_squeeze %dma_start3A_50 : memref<1x1x128xi32, #tpu.memory_space<vmem>> -> memref<1x128xi32, #tpu.memory_space<vmem>>
      %dma_start3A_52 = arith.constant 0 : i32
      %dma_start3A_53 = tpu.memref_slice %arg3[%dma_start3A_52, %mul3A_40] : memref<1x106496xi32, #tpu.memory_space<hbm>> -> memref<1x128xi32, #tpu.memory_space<hbm>>
      tpu.enqueue_dma source(%dma_start3A_53 : memref<1x128xi32, #tpu.memory_space<hbm>>) target(%dma_start3A_51 : memref<1x128xi32, #tpu.memory_space<vmem>>) target_semaphore(%dma_start3A_47 : memref<!tpu.dma_semaphore, #tpu.memory_space<semaphore_mem>>)
      %add3A_54 = arith.constant 0 : i32
      %add3A_55 = arith.constant 1 : i32
      %add3A_56 = arith.addi %add3A_54, %add3A_55 : i32
      %select_n3A_57 = arith.constant true
      %select_n3A_58 = arith.constant 0 : i32
      %select_n3A_59 = arith.select %select_n3A_57, %add3A_56, %select_n3A_58 : i32
      "tpu.trace_stop"() : () -> ()
      %scan3A = arith.constant 0 : i32
      %scan3A_60 = arith.constant 0 : i32
      %scan3A_61 = arith.constant 0 : i32
      %scan3A_62 = arith.constant 0 : i32
      %scan3A_63 = arith.constant 0 : i32
      %scan3A_64 = arith.constant 26 : i32
      %scan3A_65 = arith.addi %scan3A_63, %scan3A_64 : i32
      %scan3A_66 = arith.constant 1 : i32
      %scan3A_67:5 = scf.for %scan3A_121 = %scan3A_63 to %scan3A_65 step %scan3A_66 iter_args(%scan3A_122 = %select_n3A_59, %scan3A_123 = %scan3A, %scan3A_124 = %scan3A_60, %scan3A_125 = %scan3A_61, %scan3A_126 = %scan3A_62) -> (i32, i32, i32, i32, i32)  : i32 {
        %eq3A_127 = arith.constant 0 : i32
        %eq3A_128 = arith.cmpi eq, %scan3A_121, %eq3A_127 : i32
        %eq3A_129 = arith.constant 25 : i32
        %eq3A_130 = arith.cmpi eq, %scan3A_121, %eq3A_129 : i32
        %add3A_131 = arith.addi %scan3A_126, %mul3A_6 : i32
        %sub3A_132 = arith.constant 1 : i32
        %sub3A_133 = arith.subi %scan3A_126, %sub3A_132 : i32
        %select_n3A_134 = arith.constant true
        %select_n3A_135 = arith.select %select_n3A_134, %sub3A_133, %scan3A_126 : i32
        %eq3A_136 = arith.constant -1 : i32
        %eq3A_137 = arith.cmpi eq, %select_n3A_135, %eq3A_136 : i32
        %select_n3A_138 = arith.constant 25 : i32
        %select_n3A_139 = arith.select %eq3A_137, %select_n3A_138, %select_n3A_135 : i32
        %add3A_140 = arith.addi %select_n3A_139, %mul3A_6 : i32
        %add3A_141 = arith.constant 1 : i32
        %add3A_142 = arith.addi %scan3A_126, %add3A_141 : i32
        %select_n3A_143 = arith.constant true
        %select_n3A_144 = arith.select %select_n3A_143, %add3A_142, %scan3A_126 : i32
        %eq3A_145 = arith.constant 26 : i32
        %eq3A_146 = arith.cmpi eq, %select_n3A_144, %eq3A_145 : i32
        %select_n3A_147 = arith.constant 0 : i32
        %select_n3A_148 = arith.select %eq3A_146, %select_n3A_147, %select_n3A_144 : i32
        %add3A_149 = arith.addi %select_n3A_148, %mul3A_6 : i32
        %add3A_150 = arith.constant 1 : i32
        %add3A_151 = arith.addi %select_n3A_148, %add3A_150 : i32
        %select_n3A_152 = arith.constant true
        %select_n3A_153 = arith.select %select_n3A_152, %add3A_151, %select_n3A_148 : i32
        %eq3A_154 = arith.constant 26 : i32
        %eq3A_155 = arith.cmpi eq, %select_n3A_153, %eq3A_154 : i32
        %select_n3A_156 = arith.constant 0 : i32
        %select_n3A_157 = arith.select %eq3A_155, %select_n3A_156, %select_n3A_153 : i32
        %add3A_158 = arith.addi %select_n3A_157, %mul3A_6 : i32
        %ne3A = arith.cmpi ne, %add3A_131, %add3A_149 : i32
        %or3A = arith.constant false
        %or3A_159 = arith.ori %or3A, %ne3A : i1
        %ge3A = arith.constant 25 : i32
        %ge3A_160 = arith.cmpi sge, %scan3A_121, %ge3A : i32
        %not3A = arith.constant true
        %not3A_161 = arith.xori %ge3A_160, %not3A : i1
        %and3A = arith.andi %or3A_159, %not3A_161 : i1
        %convert_element_type3A = arith.extui %and3A : i1 to i32
        %cond3A = arith.constant 0 : i32
        %cond3A_162 = arith.cmpi ne, %convert_element_type3A, %cond3A : i32
        scf.if %cond3A_162 {
          "tpu.trace_start"() <{level = 10 : i32, message = "ep_copy_in"}> : () -> ()
          %rem3A_264 = arith.constant 2 : i32
          %rem3A_265 = arith.remui %scan3A_122, %rem3A_264 : i32
          %mul3A_266 = arith.constant 128 : i32
          %mul3A_267 = arith.muli %mul3A_266, %add3A_149 : i32
          %dma_start3A_268 = arith.constant 0 : i32
          %dma_start3A_269 = arith.constant 0 : i32
          %dma_start3A_270 = tpu.memref_slice %run_scoped3A[%rem3A_265, %dma_start3A_268, %dma_start3A_269] : memref<2x1x128xi32, #tpu.memory_space<vmem>> -> memref<1x1x128xi32, #tpu.memory_space<vmem>>
          %dma_start3A_271 = tpu.memref_squeeze %dma_start3A_270 : memref<1x1x128xi32, #tpu.memory_space<vmem>> -> memref<1x128xi32, #tpu.memory_space<vmem>>
          %dma_start3A_272 = arith.constant 0 : i32
          %dma_start3A_273 = tpu.memref_slice %arg3[%dma_start3A_272, %mul3A_267] : memref<1x106496xi32, #tpu.memory_space<hbm>> -> memref<1x128xi32, #tpu.memory_space<hbm>>
          %dma_start3A_274 = tpu.memref_slice %run_scoped3A_7[%rem3A_265] : memref<2x!tpu.dma_semaphore, #tpu.memory_space<semaphore_mem>> -> memref<1x!tpu.dma_semaphore, #tpu.memory_space<semaphore_mem>>
          %dma_start3A_275 = tpu.memref_squeeze %dma_start3A_274 : memref<1x!tpu.dma_semaphore, #tpu.memory_space<semaphore_mem>> -> memref<!tpu.dma_semaphore, #tpu.memory_space<semaphore_mem>>
          %dma_start3A_276 = arith.constant 0 : i32
          %dma_start3A_277 = arith.constant 0 : i32
          %dma_start3A_278 = tpu.memref_slice %run_scoped3A[%rem3A_265, %dma_start3A_276, %dma_start3A_277] : memref<2x1x128xi32, #tpu.memory_space<vmem>> -> memref<1x1x128xi32, #tpu.memory_space<vmem>>
          %dma_start3A_279 = tpu.memref_squeeze %dma_start3A_278 : memref<1x1x128xi32, #tpu.memory_space<vmem>> -> memref<1x128xi32, #tpu.memory_space<vmem>>
          %dma_start3A_280 = arith.constant 0 : i32
          %dma_start3A_281 = tpu.memref_slice %arg3[%dma_start3A_280, %mul3A_267] : memref<1x106496xi32, #tpu.memory_space<hbm>> -> memref<1x128xi32, #tpu.memory_space<hbm>>
          tpu.enqueue_dma source(%dma_start3A_281 : memref<1x128xi32, #tpu.memory_space<hbm>>) target(%dma_start3A_279 : memref<1x128xi32, #tpu.memory_space<vmem>>) target_semaphore(%dma_start3A_275 : memref<!tpu.dma_semaphore, #tpu.memory_space<semaphore_mem>>)
          "tpu.trace_stop"() : () -> ()
        } else {
        }
        %and3A_163 = arith.constant true
        %and3A_164 = arith.andi %and3A, %and3A_163 : i1
        %add3A_165 = arith.constant 1 : i32
        %add3A_166 = arith.addi %scan3A_122, %add3A_165 : i32
        %select_n3A_167 = arith.select %and3A_164, %add3A_166, %scan3A_122 : i32
        %ne3A_168 = arith.cmpi ne, %add3A_131, %add3A_149 : i32
        %or3A_169 = arith.constant false
        %or3A_170 = arith.ori %or3A_169, %ne3A_168 : i1
        %or3A_171 = arith.constant false
        %or3A_172 = arith.ori %or3A_170, %or3A_171 : i1
        %ge3A_173 = arith.constant 25 : i32
        %ge3A_174 = arith.cmpi sge, %scan3A_121, %ge3A_173 : i32
        %not3A_175 = arith.constant true
        %not3A_176 = arith.xori %ge3A_174, %not3A_175 : i1
        %and3A_177 = arith.andi %or3A_172, %not3A_176 : i1
        %ne3A_178 = arith.cmpi ne, %add3A_131, %add3A_140 : i32
        %or3A_179 = arith.constant false
        %or3A_180 = arith.ori %or3A_179, %ne3A_178 : i1
        %or3A_181 = arith.ori %or3A_180, %eq3A_128 : i1
        %convert_element_type3A_182 = arith.extui %or3A_181 : i1 to i32
        %cond3A_183 = arith.constant 0 : i32
        %cond3A_184 = arith.cmpi ne, %convert_element_type3A_182, %cond3A_183 : i32
        scf.if %cond3A_184 {
          "tpu.trace_start"() <{level = 10 : i32, message = "ep_wait_in"}> : () -> ()
          %mul3A_264 = arith.constant 128 : i32
          %mul3A_265 = arith.muli %mul3A_264, %add3A_131 : i32
          %rem3A_266 = arith.constant 2 : i32
          %rem3A_267 = arith.remui %scan3A_123, %rem3A_266 : i32
          %dma_wait3A_268 = arith.constant 0 : i32
          %dma_wait3A_269 = arith.constant 0 : i32
          %dma_wait3A_270 = tpu.memref_slice %run_scoped3A[%rem3A_267, %dma_wait3A_268, %dma_wait3A_269] : memref<2x1x128xi32, #tpu.memory_space<vmem>> -> memref<1x1x128xi32, #tpu.memory_space<vmem>>
          %dma_wait3A_271 = tpu.memref_squeeze %dma_wait3A_270 : memref<1x1x128xi32, #tpu.memory_space<vmem>> -> memref<1x128xi32, #tpu.memory_space<vmem>>
          %dma_wait3A_272 = arith.constant 0 : i32
          %dma_wait3A_273 = tpu.memref_slice %arg3[%dma_wait3A_272, %mul3A_265] : memref<1x106496xi32, #tpu.memory_space<hbm>> -> memref<1x128xi32, #tpu.memory_space<hbm>>
          %dma_wait3A_274 = tpu.memref_slice %run_scoped3A_7[%rem3A_267] : memref<2x!tpu.dma_semaphore, #tpu.memory_space<semaphore_mem>> -> memref<1x!tpu.dma_semaphore, #tpu.memory_space<semaphore_mem>>
          %dma_wait3A_275 = tpu.memref_squeeze %dma_wait3A_274 : memref<1x!tpu.dma_semaphore, #tpu.memory_space<semaphore_mem>> -> memref<!tpu.dma_semaphore, #tpu.memory_space<semaphore_mem>>
          %dma_wait3A_276 = arith.constant 0 : i32
          %dma_wait3A_277 = arith.constant 0 : i32
          %dma_wait3A_278 = tpu.memref_slice %run_scoped3A[%rem3A_267, %dma_wait3A_276, %dma_wait3A_277] : memref<2x1x128xi32, #tpu.memory_space<vmem>> -> memref<1x1x128xi32, #tpu.memory_space<vmem>>
          %dma_wait3A_279 = tpu.memref_squeeze %dma_wait3A_278 : memref<1x1x128xi32, #tpu.memory_space<vmem>> -> memref<1x128xi32, #tpu.memory_space<vmem>>
          %dma_wait3A_280 = arith.constant 0 : i32
          %dma_wait3A_281 = tpu.memref_slice %arg3[%dma_wait3A_280, %mul3A_265] : memref<1x106496xi32, #tpu.memory_space<hbm>> -> memref<1x128xi32, #tpu.memory_space<hbm>>
          tpu.wait_dma2 semaphore(%dma_wait3A_275 : memref<!tpu.dma_semaphore, #tpu.memory_space<semaphore_mem>>) src(%dma_wait3A_281 : memref<1x128xi32, #tpu.memory_space<hbm>>) dst(%dma_wait3A_279 : memref<1x128xi32, #tpu.memory_space<vmem>>)
          "tpu.trace_stop"() : () -> ()
        } else {
        }
        %ne3A_185 = arith.cmpi ne, %add3A_131, %add3A_140 : i32
        %or3A_186 = arith.constant false
        %or3A_187 = arith.ori %or3A_186, %ne3A_185 : i1
        %or3A_188 = arith.constant false
        %or3A_189 = arith.ori %or3A_187, %or3A_188 : i1
        %or3A_190 = arith.ori %or3A_189, %eq3A_128 : i1
        %convert_element_type3A_191 = arith.extui %or3A_190 : i1 to i32
        %cond3A_192 = arith.constant 0 : i32
        %cond3A_193 = arith.cmpi ne, %convert_element_type3A_191, %cond3A_192 : i32
        scf.if %cond3A_193 {
        } else {
        }
        %rem3A_194 = arith.constant 2 : i32
        %rem3A_195 = arith.remui %scan3A_123, %rem3A_194 : i32
        %rem3A_196 = arith.constant 2 : i32
        %rem3A_197 = arith.remui %scan3A_124, %rem3A_196 : i32
        %run_scoped3A_198 = arith.constant 0 : i32
        "tpu.trace_start"() <{level = 10 : i32, message = "ep_run_kernel"}> : () -> ()
        "tpu.region"() ({
          %run_scoped3A_264 = tpu.sem_alloc : memref<!tpu.dma_semaphore, #tpu.memory_space<semaphore_mem>>
          %dma_start3A_265 = arith.constant 0 : i32
          %dma_start3A_266 = arith.constant 0 : i32
          %dma_start3A_267 = tpu.memref_slice %run_scoped3A_8[%rem3A_197, %dma_start3A_265, %dma_start3A_266] : memref<2x128x128xi32, #tpu.memory_space<vmem>> -> memref<1x128x128xi32, #tpu.memory_space<vmem>>
          %dma_start3A_268 = tpu.memref_squeeze %dma_start3A_267 : memref<1x128x128xi32, #tpu.memory_space<vmem>> -> memref<128x128xi32, #tpu.memory_space<vmem>>
          %dma_start3A_269 = arith.constant 0 : i32
          %dma_start3A_270 = arith.constant 0 : i32
          %dma_start3A_271 = tpu.memref_slice %run_scoped3A[%rem3A_195, %dma_start3A_269, %dma_start3A_270] : memref<2x1x128xi32, #tpu.memory_space<vmem>> -> memref<1x1x128xi32, #tpu.memory_space<vmem>>
          %dma_start3A_272 = tpu.memref_squeeze %dma_start3A_271 : memref<1x1x128xi32, #tpu.memory_space<vmem>> -> memref<1x128xi32, #tpu.memory_space<vmem>>
          %dma_start3A_273 = arith.constant 0 : i32
          %dma_start3A_274 = tpu.memref_slice %dma_start3A_272[%run_scoped3A_198, %dma_start3A_273] : memref<1x128xi32, #tpu.memory_space<vmem>> -> memref<1x128xi32, #tpu.memory_space<vmem>>
          %dma_start3A_275 = tpu.memref_squeeze %dma_start3A_274 : memref<1x128xi32, #tpu.memory_space<vmem>> -> memref<128xi32, #tpu.memory_space<vmem>>
          %dma_start3A_276 = arith.constant 0 : i32
          %dma_start3A_277 = arith.constant 0 : i32
          %dma_start3A_278 = tpu.memref_slice %arg2[%dma_start3A_276, %dma_start3A_277] : memref<655360x128xi32, #tpu.memory_space<hbm>> -> memref<655360x128xi32, #tpu.memory_space<hbm>>
          tpu.enqueue_indirect_dma source(%dma_start3A_278 : memref<655360x128xi32, #tpu.memory_space<hbm>>) target(%dma_start3A_268 : memref<128x128xi32, #tpu.memory_space<vmem>>) offsets(%dma_start3A_275 : memref<128xi32, #tpu.memory_space<vmem>>) semaphore(%run_scoped3A_264 : memref<!tpu.dma_semaphore, #tpu.memory_space<semaphore_mem>>)
          %dma_wait3A_279 = arith.constant 0 : i32
          %dma_wait3A_280 = arith.constant 0 : i32
          %dma_wait3A_281 = tpu.memref_slice %run_scoped3A_8[%rem3A_197, %dma_wait3A_279, %dma_wait3A_280] : memref<2x128x128xi32, #tpu.memory_space<vmem>> -> memref<1x128x128xi32, #tpu.memory_space<vmem>>
          %dma_wait3A_282 = tpu.memref_squeeze %dma_wait3A_281 : memref<1x128x128xi32, #tpu.memory_space<vmem>> -> memref<128x128xi32, #tpu.memory_space<vmem>>
          %dma_wait3A_283 = arith.constant 0 : i32
          %dma_wait3A_284 = arith.constant 0 : i32
          %dma_wait3A_285 = tpu.memref_slice %run_scoped3A[%rem3A_195, %dma_wait3A_283, %dma_wait3A_284] : memref<2x1x128xi32, #tpu.memory_space<vmem>> -> memref<1x1x128xi32, #tpu.memory_space<vmem>>
          %dma_wait3A_286 = tpu.memref_squeeze %dma_wait3A_285 : memref<1x1x128xi32, #tpu.memory_space<vmem>> -> memref<1x128xi32, #tpu.memory_space<vmem>>
          %dma_wait3A_287 = arith.constant 0 : i32
          %dma_wait3A_288 = tpu.memref_slice %dma_wait3A_286[%run_scoped3A_198, %dma_wait3A_287] : memref<1x128xi32, #tpu.memory_space<vmem>> -> memref<1x128xi32, #tpu.memory_space<vmem>>
          %dma_wait3A_289 = tpu.memref_squeeze %dma_wait3A_288 : memref<1x128xi32, #tpu.memory_space<vmem>> -> memref<128xi32, #tpu.memory_space<vmem>>
          %dma_wait3A_290 = arith.constant 0 : i32
          %dma_wait3A_291 = arith.constant 0 : i32
          %dma_wait3A_292 = tpu.memref_slice %arg2[%dma_wait3A_290, %dma_wait3A_291] : memref<655360x128xi32, #tpu.memory_space<hbm>> -> memref<655360x128xi32, #tpu.memory_space<hbm>>
          tpu.wait_indirect_dma semaphore(%run_scoped3A_264 : memref<!tpu.dma_semaphore, #tpu.memory_space<semaphore_mem>>) src(%dma_wait3A_292 : memref<655360x128xi32, #tpu.memory_space<hbm>>) dst(%dma_wait3A_282 : memref<128x128xi32, #tpu.memory_space<vmem>>)
          tpu.yield
        }) : () -> ()
        "tpu.trace_stop"() : () -> ()
        %ne3A_199 = arith.cmpi ne, %add3A_131, %add3A_149 : i32
        %or3A_200 = arith.constant false
        %or3A_201 = arith.ori %or3A_200, %ne3A_199 : i1
        %or3A_202 = arith.ori %or3A_201, %eq3A_130 : i1
        %convert_element_type3A_203 = arith.extui %or3A_202 : i1 to i32
        %cond3A_204 = arith.constant 0 : i32
        %cond3A_205 = arith.cmpi ne, %convert_element_type3A_203, %cond3A_204 : i32
        scf.if %cond3A_205 {
        } else {
        }
        %and3A_206 = arith.constant false
        %and3A_207 = arith.andi %or3A_202, %and3A_206 : i1
        %ne3A_208 = arith.cmpi ne, %add3A_131, %add3A_149 : i32
        %or3A_209 = arith.constant false
        %or3A_210 = arith.ori %or3A_209, %ne3A_208 : i1
        %or3A_211 = arith.constant false
        %or3A_212 = arith.ori %or3A_210, %or3A_211 : i1
        %or3A_213 = arith.ori %or3A_212, %eq3A_130 : i1
        %convert_element_type3A_214 = arith.extui %or3A_213 : i1 to i32
        %cond3A_215 = arith.constant 0 : i32
        %cond3A_216 = arith.cmpi ne, %convert_element_type3A_214, %cond3A_215 : i32
        scf.if %cond3A_216 {
          "tpu.trace_start"() <{level = 10 : i32, message = "ep_copy_out"}> : () -> ()
          %rem3A_264 = arith.constant 2 : i32
          %rem3A_265 = arith.remui %scan3A_124, %rem3A_264 : i32
          %mul3A_266 = arith.constant 128 : i32
          %mul3A_267 = arith.muli %mul3A_266, %add3A_131 : i32
          %dma_start3A_268 = arith.constant 0 : i32
          %dma_start3A_269 = arith.constant 0 : i32
          %dma_start3A_270 = tpu.memref_slice %run_scoped3A_8[%rem3A_265, %dma_start3A_268, %dma_start3A_269] : memref<2x128x128xi32, #tpu.memory_space<vmem>> -> memref<1x128x128xi32, #tpu.memory_space<vmem>>
          %dma_start3A_271 = tpu.memref_squeeze %dma_start3A_270 : memref<1x128x128xi32, #tpu.memory_space<vmem>> -> memref<128x128xi32, #tpu.memory_space<vmem>>
          %dma_start3A_272 = arith.constant 0 : i32
          %dma_start3A_273 = tpu.memref_slice %arg4[%mul3A_267, %dma_start3A_272] : memref<106496x128xi32, #tpu.memory_space<hbm>> -> memref<128x128xi32, #tpu.memory_space<hbm>>
          %dma_start3A_274 = tpu.memref_slice %run_scoped3A_9[%rem3A_265] : memref<2x!tpu.dma_semaphore, #tpu.memory_space<semaphore_mem>> -> memref<1x!tpu.dma_semaphore, #tpu.memory_space<semaphore_mem>>
          %dma_start3A_275 = tpu.memref_squeeze %dma_start3A_274 : memref<1x!tpu.dma_semaphore, #tpu.memory_space<semaphore_mem>> -> memref<!tpu.dma_semaphore, #tpu.memory_space<semaphore_mem>>
          %dma_start3A_276 = arith.constant 0 : i32
          %dma_start3A_277 = tpu.memref_slice %arg4[%mul3A_267, %dma_start3A_276] : memref<106496x128xi32, #tpu.memory_space<hbm>> -> memref<128x128xi32, #tpu.memory_space<hbm>>
          %dma_start3A_278 = arith.constant 0 : i32
          %dma_start3A_279 = arith.constant 0 : i32
          %dma_start3A_280 = tpu.memref_slice %run_scoped3A_8[%rem3A_265, %dma_start3A_278, %dma_start3A_279] : memref<2x128x128xi32, #tpu.memory_space<vmem>> -> memref<1x128x128xi32, #tpu.memory_space<vmem>>
          %dma_start3A_281 = tpu.memref_squeeze %dma_start3A_280 : memref<1x128x128xi32, #tpu.memory_space<vmem>> -> memref<128x128xi32, #tpu.memory_space<vmem>>
          tpu.enqueue_dma source(%dma_start3A_281 : memref<128x128xi32, #tpu.memory_space<vmem>>) target(%dma_start3A_277 : memref<128x128xi32, #tpu.memory_space<hbm>>) target_semaphore(%dma_start3A_275 : memref<!tpu.dma_semaphore, #tpu.memory_space<semaphore_mem>>)
          "tpu.trace_stop"() : () -> ()
        } else {
        }
        %and3A_217 = arith.constant true
        %and3A_218 = arith.andi %or3A_213, %and3A_217 : i1
        %add3A_219 = arith.constant 1 : i32
        %add3A_220 = arith.addi %scan3A_124, %add3A_219 : i32
        %select_n3A_221 = arith.select %and3A_218, %add3A_220, %scan3A_124 : i32
        %ne3A_222 = arith.cmpi ne, %add3A_131, %add3A_140 : i32
        %or3A_223 = arith.constant false
        %or3A_224 = arith.ori %or3A_223, %ne3A_222 : i1
        %not3A_225 = arith.constant true
        %not3A_226 = arith.xori %eq3A_128, %not3A_225 : i1
        %and3A_227 = arith.andi %or3A_224, %not3A_226 : i1
        %convert_element_type3A_228 = arith.extui %and3A_227 : i1 to i32
        %cond3A_229 = arith.constant 0 : i32
        %cond3A_230 = arith.cmpi ne, %convert_element_type3A_228, %cond3A_229 : i32
        scf.if %cond3A_230 {
        } else {
        }
        %and3A_231 = arith.constant false
        %and3A_232 = arith.andi %and3A_227, %and3A_231 : i1
        %ne3A_233 = arith.cmpi ne, %add3A_131, %add3A_140 : i32
        %or3A_234 = arith.constant false
        %or3A_235 = arith.ori %or3A_234, %ne3A_233 : i1
        %or3A_236 = arith.constant false
        %or3A_237 = arith.ori %or3A_235, %or3A_236 : i1
        %not3A_238 = arith.constant true
        %not3A_239 = arith.xori %eq3A_128, %not3A_238 : i1
        %and3A_240 = arith.andi %or3A_237, %not3A_239 : i1
        %convert_element_type3A_241 = arith.extui %and3A_240 : i1 to i32
        %cond3A_242 = arith.constant 0 : i32
        %cond3A_243 = arith.cmpi ne, %convert_element_type3A_241, %cond3A_242 : i32
        scf.if %cond3A_243 {
          "tpu.trace_start"() <{level = 10 : i32, message = "ep_wait_out"}> : () -> ()
          %rem3A_264 = arith.constant 2 : i32
          %rem3A_265 = arith.remui %scan3A_125, %rem3A_264 : i32
          %mul3A_266 = arith.constant 128 : i32
          %mul3A_267 = arith.muli %mul3A_266, %add3A_140 : i32
          %dma_wait3A_268 = arith.constant 0 : i32
          %dma_wait3A_269 = arith.constant 0 : i32
          %dma_wait3A_270 = tpu.memref_slice %run_scoped3A_8[%rem3A_265, %dma_wait3A_268, %dma_wait3A_269] : memref<2x128x128xi32, #tpu.memory_space<vmem>> -> memref<1x128x128xi32, #tpu.memory_space<vmem>>
          %dma_wait3A_271 = tpu.memref_squeeze %dma_wait3A_270 : memref<1x128x128xi32, #tpu.memory_space<vmem>> -> memref<128x128xi32, #tpu.memory_space<vmem>>
          %dma_wait3A_272 = arith.constant 0 : i32
          %dma_wait3A_273 = tpu.memref_slice %arg4[%mul3A_267, %dma_wait3A_272] : memref<106496x128xi32, #tpu.memory_space<hbm>> -> memref<128x128xi32, #tpu.memory_space<hbm>>
          %dma_wait3A_274 = tpu.memref_slice %run_scoped3A_9[%rem3A_265] : memref<2x!tpu.dma_semaphore, #tpu.memory_space<semaphore_mem>> -> memref<1x!tpu.dma_semaphore, #tpu.memory_space<semaphore_mem>>
          %dma_wait3A_275 = tpu.memref_squeeze %dma_wait3A_274 : memref<1x!tpu.dma_semaphore, #tpu.memory_space<semaphore_mem>> -> memref<!tpu.dma_semaphore, #tpu.memory_space<semaphore_mem>>
          %dma_wait3A_276 = arith.constant 0 : i32
          %dma_wait3A_277 = tpu.memref_slice %arg4[%mul3A_267, %dma_wait3A_276] : memref<106496x128xi32, #tpu.memory_space<hbm>> -> memref<128x128xi32, #tpu.memory_space<hbm>>
          %dma_wait3A_278 = arith.constant 0 : i32
          %dma_wait3A_279 = arith.constant 0 : i32
          %dma_wait3A_280 = tpu.memref_slice %run_scoped3A_8[%rem3A_265, %dma_wait3A_278, %dma_wait3A_279] : memref<2x128x128xi32, #tpu.memory_space<vmem>> -> memref<1x128x128xi32, #tpu.memory_space<vmem>>
          %dma_wait3A_281 = tpu.memref_squeeze %dma_wait3A_280 : memref<1x128x128xi32, #tpu.memory_space<vmem>> -> memref<128x128xi32, #tpu.memory_space<vmem>>
          tpu.wait_dma2 semaphore(%dma_wait3A_275 : memref<!tpu.dma_semaphore, #tpu.memory_space<semaphore_mem>>) src(%dma_wait3A_281 : memref<128x128xi32, #tpu.memory_space<vmem>>) dst(%dma_wait3A_277 : memref<128x128xi32, #tpu.memory_space<hbm>>)
          "tpu.trace_stop"() : () -> ()
        } else {
        }
        %and3A_244 = arith.constant true
        %and3A_245 = arith.andi %and3A_240, %and3A_244 : i1
        %add3A_246 = arith.constant 1 : i32
        %add3A_247 = arith.addi %scan3A_125, %add3A_246 : i32
        %select_n3A_248 = arith.select %and3A_245, %add3A_247, %scan3A_125 : i32
        %ne3A_249 = arith.cmpi ne, %add3A_131, %add3A_149 : i32
        %or3A_250 = arith.constant false
        %or3A_251 = arith.ori %or3A_250, %ne3A_249 : i1
        %or3A_252 = arith.ori %or3A_251, %eq3A_130 : i1
        %add3A_253 = arith.constant 1 : i32
        %add3A_254 = arith.addi %scan3A_123, %add3A_253 : i32
        %select_n3A_255 = arith.select %or3A_252, %add3A_254, %scan3A_123 : i32
        %add3A_256 = arith.constant 1 : i32
        %add3A_257 = arith.addi %scan3A_126, %add3A_256 : i32
        %select_n3A_258 = arith.constant true
        %select_n3A_259 = arith.select %select_n3A_258, %add3A_257, %scan3A_126 : i32
        %eq3A_260 = arith.constant 26 : i32
        %eq3A_261 = arith.cmpi eq, %select_n3A_259, %eq3A_260 : i32
        %select_n3A_262 = arith.constant 0 : i32
        %select_n3A_263 = arith.select %eq3A_261, %select_n3A_262, %select_n3A_259 : i32
        scf.yield %select_n3A_167, %select_n3A_255, %select_n3A_221, %select_n3A_248, %select_n3A_263 : i32, i32, i32, i32, i32
      }
      %scan3A_68 = arith.constant 26 : i32
      %sub3A = arith.constant 1 : i32
      %sub3A_69 = arith.subi %scan3A_67#4, %sub3A : i32
      %select_n3A_70 = arith.constant true
      %select_n3A_71 = arith.select %select_n3A_70, %sub3A_69, %scan3A_67#4 : i32
      %eq3A_72 = arith.constant -1 : i32
      %eq3A_73 = arith.cmpi eq, %select_n3A_71, %eq3A_72 : i32
      %select_n3A_74 = arith.constant 25 : i32
      %select_n3A_75 = arith.select %eq3A_73, %select_n3A_74, %select_n3A_71 : i32
      %add3A_76 = arith.addi %select_n3A_75, %mul3A_6 : i32
      %sub3A_77 = arith.constant 1 : i32
      %sub3A_78 = arith.subi %select_n3A_75, %sub3A_77 : i32
      %select_n3A_79 = arith.constant true
      %select_n3A_80 = arith.select %select_n3A_79, %sub3A_78, %select_n3A_75 : i32
      %eq3A_81 = arith.constant -1 : i32
      %eq3A_82 = arith.cmpi eq, %select_n3A_80, %eq3A_81 : i32
      %select_n3A_83 = arith.constant 25 : i32
      %select_n3A_84 = arith.select %eq3A_82, %select_n3A_83, %select_n3A_80 : i32
      %add3A_85 = arith.addi %select_n3A_84, %mul3A_6 : i32
      %add3A_86 = arith.constant 1 : i32
      %add3A_87 = arith.addi %select_n3A_75, %add3A_86 : i32
      %select_n3A_88 = arith.constant true
      %select_n3A_89 = arith.select %select_n3A_88, %add3A_87, %select_n3A_75 : i32
      %eq3A_90 = arith.constant 26 : i32
      %eq3A_91 = arith.cmpi eq, %select_n3A_89, %eq3A_90 : i32
      %select_n3A_92 = arith.constant 0 : i32
      %select_n3A_93 = arith.select %eq3A_91, %select_n3A_92, %select_n3A_89 : i32
      %add3A_94 = arith.addi %select_n3A_93, %mul3A_6 : i32
      %add3A_95 = arith.constant 1 : i32
      %add3A_96 = arith.addi %select_n3A_93, %add3A_95 : i32
      %select_n3A_97 = arith.constant true
      %select_n3A_98 = arith.select %select_n3A_97, %add3A_96, %select_n3A_93 : i32
      %eq3A_99 = arith.constant 26 : i32
      %eq3A_100 = arith.cmpi eq, %select_n3A_98, %eq3A_99 : i32
      %select_n3A_101 = arith.constant 0 : i32
      %select_n3A_102 = arith.select %eq3A_100, %select_n3A_101, %select_n3A_98 : i32
      %add3A_103 = arith.addi %select_n3A_102, %mul3A_6 : i32
      "tpu.trace_start"() <{level = 10 : i32, message = "ep_finalize"}> : () -> ()
      %rem3A_104 = arith.constant 2 : i32
      %rem3A_105 = arith.remui %scan3A_67#3, %rem3A_104 : i32
      %mul3A_106 = arith.constant 128 : i32
      %mul3A_107 = arith.muli %mul3A_106, %add3A_76 : i32
      %dma_wait3A = arith.constant 0 : i32
      %dma_wait3A_108 = arith.constant 0 : i32
      %dma_wait3A_109 = tpu.memref_slice %run_scoped3A_8[%rem3A_105, %dma_wait3A, %dma_wait3A_108] : memref<2x128x128xi32, #tpu.memory_space<vmem>> -> memref<1x128x128xi32, #tpu.memory_space<vmem>>
      %dma_wait3A_110 = tpu.memref_squeeze %dma_wait3A_109 : memref<1x128x128xi32, #tpu.memory_space<vmem>> -> memref<128x128xi32, #tpu.memory_space<vmem>>
      %dma_wait3A_111 = arith.constant 0 : i32
      %dma_wait3A_112 = tpu.memref_slice %arg4[%mul3A_107, %dma_wait3A_111] : memref<106496x128xi32, #tpu.memory_space<hbm>> -> memref<128x128xi32, #tpu.memory_space<hbm>>
      %dma_wait3A_113 = tpu.memref_slice %run_scoped3A_9[%rem3A_105] : memref<2x!tpu.dma_semaphore, #tpu.memory_space<semaphore_mem>> -> memref<1x!tpu.dma_semaphore, #tpu.memory_space<semaphore_mem>>
      %dma_wait3A_114 = tpu.memref_squeeze %dma_wait3A_113 : memref<1x!tpu.dma_semaphore, #tpu.memory_space<semaphore_mem>> -> memref<!tpu.dma_semaphore, #tpu.memory_space<semaphore_mem>>
      %dma_wait3A_115 = arith.constant 0 : i32
      %dma_wait3A_116 = tpu.memref_slice %arg4[%mul3A_107, %dma_wait3A_115] : memref<106496x128xi32, #tpu.memory_space<hbm>> -> memref<128x128xi32, #tpu.memory_space<hbm>>
      %dma_wait3A_117 = arith.constant 0 : i32
      %dma_wait3A_118 = arith.constant 0 : i32
      %dma_wait3A_119 = tpu.memref_slice %run_scoped3A_8[%rem3A_105, %dma_wait3A_117, %dma_wait3A_118] : memref<2x128x128xi32, #tpu.memory_space<vmem>> -> memref<1x128x128xi32, #tpu.memory_space<vmem>>
      %dma_wait3A_120 = tpu.memref_squeeze %dma_wait3A_119 : memref<1x128x128xi32, #tpu.memory_space<vmem>> -> memref<128x128xi32, #tpu.memory_space<vmem>>
      tpu.wait_dma2 semaphore(%dma_wait3A_114 : memref<!tpu.dma_semaphore, #tpu.memory_space<semaphore_mem>>) src(%dma_wait3A_120 : memref<128x128xi32, #tpu.memory_space<vmem>>) dst(%dma_wait3A_116 : memref<128x128xi32, #tpu.memory_space<hbm>>)
      "tpu.trace_stop"() : () -> ()
      tpu.yield
    }) : () -> ()
    return
  }
}

#map = affine_map<(d0, d1) -> (0, 0)>
module attributes {stable_mosaic.version = 14 : i64} {
  func.func @gather_kernel(%arg0: i32, %arg1: i32, %arg2: memref<655360x128xi32, #tpu.memory_space<hbm>>, %arg3: memref<1x106496xi32, #tpu.memory_space<hbm>>, %arg4: memref<106496x128xi32, #tpu.memory_space<hbm>>) attributes {dimension_semantics = [#tpu.dimension_semantics<core_parallel>, #tpu.dimension_semantics<subcore_parallel>], iteration_bounds = array<i64: 2, 16>, scalar_prefetch = 0 : i64, scratch_operands = 0 : i64, tpu.core_type = #tpu.core_type<sc_vector_subcore>, window_params = [{transform_indices = #map}, {transform_indices = #map}, {transform_indices = #map}]} {
    %mul3A = arith.constant 1 : i32
    %mul3A_0 = arith.muli %arg1, %mul3A : i32
    %add3A = arith.constant 0 : i32
    %add3A_1 = arith.addi %add3A, %mul3A_0 : i32
    %mul3A_2 = arith.constant 16 : i32
    %mul3A_3 = arith.muli %arg0, %mul3A_2 : i32
    %add3A_4 = arith.addi %add3A_1, %mul3A_3 : i32
    %mul3A_5 = arith.constant 26 : i32
    %mul3A_6 = arith.muli %add3A_4, %mul3A_5 : i32
    "tpu.region"() ({
      %run_scoped3A = memref.alloca() : memref<2x1x128xi32, #tpu.memory_space<vmem>>
      %run_scoped3A_7 = tpu.sem_alloc : memref<2x!tpu.dma_semaphore, #tpu.memory_space<semaphore_mem>>
      %run_scoped3A_8 = memref.alloca() : memref<2x128x128xi32, #tpu.memory_space<vmem>>
      %run_scoped3A_9 = tpu.sem_alloc : memref<2x!tpu.dma_semaphore, #tpu.memory_space<semaphore_mem>>
      %add3A_10 = arith.constant 0 : i32
      %add3A_11 = arith.addi %add3A_10, %mul3A_6 : i32
      %select_n3A = arith.constant true
      %select_n3A_12 = arith.constant 0 : i32
      %select_n3A_13 = arith.constant -1 : i32
      %select_n3A_14 = arith.select %select_n3A, %select_n3A_13, %select_n3A_12 : i32
      %eq3A = arith.constant -1 : i32
      %eq3A_15 = arith.cmpi eq, %select_n3A_14, %eq3A : i32
      %select_n3A_16 = arith.constant 25 : i32
      %select_n3A_17 = arith.select %eq3A_15, %select_n3A_16, %select_n3A_14 : i32
      %add3A_18 = arith.addi %select_n3A_17, %mul3A_6 : i32
      %select_n3A_19 = arith.constant true
      %select_n3A_20 = arith.constant 0 : i32
      %select_n3A_21 = arith.constant 1 : i32
      %select_n3A_22 = arith.select %select_n3A_19, %select_n3A_21, %select_n3A_20 : i32
      %eq3A_23 = arith.constant 26 : i32
      %eq3A_24 = arith.cmpi eq, %select_n3A_22, %eq3A_23 : i32
      %select_n3A_25 = arith.constant 0 : i32
      %select_n3A_26 = arith.select %eq3A_24, %select_n3A_25, %select_n3A_22 : i32
      %add3A_27 = arith.addi %select_n3A_26, %mul3A_6 : i32
      %add3A_28 = arith.constant 1 : i32
      %add3A_29 = arith.addi %select_n3A_26, %add3A_28 : i32
      %select_n3A_30 = arith.constant true
      %select_n3A_31 = arith.select %select_n3A_30, %add3A_29, %select_n3A_26 : i32
      %eq3A_32 = arith.constant 26 : i32
      %eq3A_33 = arith.cmpi eq, %select_n3A_31, %eq3A_32 : i32
      %select_n3A_34 = arith.constant 0 : i32
      %select_n3A_35 = arith.select %eq3A_33, %select_n3A_34, %select_n3A_31 : i32
      %add3A_36 = arith.addi %select_n3A_35, %mul3A_6 : i32
      "tpu.trace_start"() <{level = 10 : i32, message = "ep_initialize_0"}> : () -> ()
      %rem3A = arith.constant 0 : i32
      %rem3A_37 = arith.constant 2 : i32
      %rem3A_38 = arith.remui %rem3A, %rem3A_37 : i32
      %mul3A_39 = arith.constant 128 : i32
      %mul3A_40 = arith.muli %mul3A_39, %add3A_11 : i32
      %dma_start3A = arith.constant 0 : i32
      %dma_start3A_41 = arith.constant 0 : i32
      %dma_start3A_42 = tpu.memref_slice %run_scoped3A[%rem3A_38, %dma_start3A, %dma_start3A_41] : memref<2x1x128xi32, #tpu.memory_space<vmem>> -> memref<1x1x128xi32, #tpu.memory_space<vmem>>
      %dma_start3A_43 = tpu.memref_squeeze %dma_start3A_42 : memref<1x1x128xi32, #tpu.memory_space<vmem>> -> memref<1x128xi32, #tpu.memory_space<vmem>>
      %dma_start3A_44 = arith.constant 0 : i32
      %dma_start3A_45 = tpu.memref_slice %arg3[%dma_start3A_44, %mul3A_40] : memref<1x106496xi32, #tpu.memory_space<hbm>> -> memref<1x128xi32, #tpu.memory_space<hbm>>
      %dma_start3A_46 = tpu.memref_slice %run_scoped3A_7[%rem3A_38] : memref<2x!tpu.dma_semaphore, #tpu.memory_space<semaphore_mem>> -> memref<1x!tpu.dma_semaphore, #tpu.memory_space<semaphore_mem>>
      %dma_start3A_47 = tpu.memref_squeeze %dma_start3A_46 : memref<1x!tpu.dma_semaphore, #tpu.memory_space<semaphore_mem>> -> memref<!tpu.dma_semaphore, #tpu.memory_space<semaphore_mem>>
      %dma_start3A_48 = arith.constant 0 : i32
      %dma_start3A_49 = arith.constant 0 : i32
      %dma_start3A_50 = tpu.memref_slice %run_scoped3A[%rem3A_38, %dma_start3A_48, %dma_start3A_49] : memref<2x1x128xi32, #tpu.memory_space<vmem>> -> memref<1x1x128xi32, #tpu.memory_space<vmem>>
      %dma_start3A_51 = tpu.memref_squeeze %dma_start3A_50 : memref<1x1x128xi32, #tpu.memory_space<vmem>> -> memref<1x128xi32, #tpu.memory_space<vmem>>
      %dma_start3A_52 = arith.constant 0 : i32
      %dma_start3A_53 = tpu.memref_slice %arg3[%dma_start3A_52, %mul3A_40] : memref<1x106496xi32, #tpu.memory_space<hbm>> -> memref<1x128xi32, #tpu.memory_space<hbm>>
      tpu.enqueue_dma source(%dma_start3A_53 : memref<1x128xi32, #tpu.memory_space<hbm>>) target(%dma_start3A_51 : memref<1x128xi32, #tpu.memory_space<vmem>>) target_semaphore(%dma_start3A_47 : memref<!tpu.dma_semaphore, #tpu.memory_space<semaphore_mem>>)
      %add3A_54 = arith.constant 0 : i32
      %add3A_55 = arith.constant 1 : i32
      %add3A_56 = arith.addi %add3A_54, %add3A_55 : i32
      %select_n3A_57 = arith.constant true
      %select_n3A_58 = arith.constant 0 : i32
      %select_n3A_59 = arith.select %select_n3A_57, %add3A_56, %select_n3A_58 : i32
      "tpu.trace_stop"() : () -> ()
      %scan3A = arith.constant 0 : i32
      %scan3A_60 = arith.constant 0 : i32
      %scan3A_61 = arith.constant 0 : i32
      %scan3A_62 = arith.constant 0 : i32
      %scan3A_63 = arith.constant 0 : i32
      %scan3A_64 = arith.constant 26 : i32
      %scan3A_65 = arith.addi %scan3A_63, %scan3A_64 : i32
      %scan3A_66 = arith.constant 1 : i32
      %scan3A_67:5 = scf.for %scan3A_121 = %scan3A_63 to %scan3A_65 step %scan3A_66 iter_args(%scan3A_122 = %select_n3A_59, %scan3A_123 = %scan3A, %scan3A_124 = %scan3A_60, %scan3A_125 = %scan3A_61, %scan3A_126 = %scan3A_62) -> (i32, i32, i32, i32, i32)  : i32 {
        %eq3A_127 = arith.constant 0 : i32
        %eq3A_128 = arith.cmpi eq, %scan3A_121, %eq3A_127 : i32
        %eq3A_129 = arith.constant 25 : i32
        %eq3A_130 = arith.cmpi eq, %scan3A_121, %eq3A_129 : i32
        %add3A_131 = arith.addi %scan3A_126, %mul3A_6 : i32
        %sub3A_132 = arith.constant 1 : i32
        %sub3A_133 = arith.subi %scan3A_126, %sub3A_132 : i32
        %select_n3A_134 = arith.constant true
        %select_n3A_135 = arith.select %select_n3A_134, %sub3A_133, %scan3A_126 : i32
        %eq3A_136 = arith.constant -1 : i32
        %eq3A_137 = arith.cmpi eq, %select_n3A_135, %eq3A_136 : i32
        %select_n3A_138 = arith.constant 25 : i32
        %select_n3A_139 = arith.select %eq3A_137, %select_n3A_138, %select_n3A_135 : i32
        %add3A_140 = arith.addi %select_n3A_139, %mul3A_6 : i32
        %add3A_141 = arith.constant 1 : i32
        %add3A_142 = arith.addi %scan3A_126, %add3A_141 : i32
        %select_n3A_143 = arith.constant true
        %select_n3A_144 = arith.select %select_n3A_143, %add3A_142, %scan3A_126 : i32
        %eq3A_145 = arith.constant 26 : i32
        %eq3A_146 = arith.cmpi eq, %select_n3A_144, %eq3A_145 : i32
        %select_n3A_147 = arith.constant 0 : i32
        %select_n3A_148 = arith.select %eq3A_146, %select_n3A_147, %select_n3A_144 : i32
        %add3A_149 = arith.addi %select_n3A_148, %mul3A_6 : i32
        %add3A_150 = arith.constant 1 : i32
        %add3A_151 = arith.addi %select_n3A_148, %add3A_150 : i32
        %select_n3A_152 = arith.constant true
        %select_n3A_153 = arith.select %select_n3A_152, %add3A_151, %select_n3A_148 : i32
        %eq3A_154 = arith.constant 26 : i32
        %eq3A_155 = arith.cmpi eq, %select_n3A_153, %eq3A_154 : i32
        %select_n3A_156 = arith.constant 0 : i32
        %select_n3A_157 = arith.select %eq3A_155, %select_n3A_156, %select_n3A_153 : i32
        %add3A_158 = arith.addi %select_n3A_157, %mul3A_6 : i32
        %ne3A = arith.cmpi ne, %add3A_131, %add3A_149 : i32
        %or3A = arith.constant false
        %or3A_159 = arith.ori %or3A, %ne3A : i1
        %ge3A = arith.constant 25 : i32
        %ge3A_160 = arith.cmpi sge, %scan3A_121, %ge3A : i32
        %not3A = arith.constant true
        %not3A_161 = arith.xori %ge3A_160, %not3A : i1
        %and3A = arith.andi %or3A_159, %not3A_161 : i1
        %convert_element_type3A = arith.extui %and3A : i1 to i32
        %cond3A = arith.constant 0 : i32
        %cond3A_162 = arith.cmpi ne, %convert_element_type3A, %cond3A : i32
        scf.if %cond3A_162 {
          "tpu.trace_start"() <{level = 10 : i32, message = "ep_copy_in"}> : () -> ()
          %rem3A_264 = arith.constant 2 : i32
          %rem3A_265 = arith.remui %scan3A_122, %rem3A_264 : i32
          %mul3A_266 = arith.constant 128 : i32
          %mul3A_267 = arith.muli %mul3A_266, %add3A_149 : i32
          %dma_start3A_268 = arith.constant 0 : i32
          %dma_start3A_269 = arith.constant 0 : i32
          %dma_start3A_270 = tpu.memref_slice %run_scoped3A[%rem3A_265, %dma_start3A_268, %dma_start3A_269] : memref<2x1x128xi32, #tpu.memory_space<vmem>> -> memref<1x1x128xi32, #tpu.memory_space<vmem>>
          %dma_start3A_271 = tpu.memref_squeeze %dma_start3A_270 : memref<1x1x128xi32, #tpu.memory_space<vmem>> -> memref<1x128xi32, #tpu.memory_space<vmem>>
          %dma_start3A_272 = arith.constant 0 : i32
          %dma_start3A_273 = tpu.memref_slice %arg3[%dma_start3A_272, %mul3A_267] : memref<1x106496xi32, #tpu.memory_space<hbm>> -> memref<1x128xi32, #tpu.memory_space<hbm>>
          %dma_start3A_274 = tpu.memref_slice %run_scoped3A_7[%rem3A_265] : memref<2x!tpu.dma_semaphore, #tpu.memory_space<semaphore_mem>> -> memref<1x!tpu.dma_semaphore, #tpu.memory_space<semaphore_mem>>
          %dma_start3A_275 = tpu.memref_squeeze %dma_start3A_274 : memref<1x!tpu.dma_semaphore, #tpu.memory_space<semaphore_mem>> -> memref<!tpu.dma_semaphore, #tpu.memory_space<semaphore_mem>>
          %dma_start3A_276 = arith.constant 0 : i32
          %dma_start3A_277 = arith.constant 0 : i32
          %dma_start3A_278 = tpu.memref_slice %run_scoped3A[%rem3A_265, %dma_start3A_276, %dma_start3A_277] : memref<2x1x128xi32, #tpu.memory_space<vmem>> -> memref<1x1x128xi32, #tpu.memory_space<vmem>>
          %dma_start3A_279 = tpu.memref_squeeze %dma_start3A_278 : memref<1x1x128xi32, #tpu.memory_space<vmem>> -> memref<1x128xi32, #tpu.memory_space<vmem>>
          %dma_start3A_280 = arith.constant 0 : i32
          %dma_start3A_281 = tpu.memref_slice %arg3[%dma_start3A_280, %mul3A_267] : memref<1x106496xi32, #tpu.memory_space<hbm>> -> memref<1x128xi32, #tpu.memory_space<hbm>>
          tpu.enqueue_dma source(%dma_start3A_281 : memref<1x128xi32, #tpu.memory_space<hbm>>) target(%dma_start3A_279 : memref<1x128xi32, #tpu.memory_space<vmem>>) target_semaphore(%dma_start3A_275 : memref<!tpu.dma_semaphore, #tpu.memory_space<semaphore_mem>>)
          "tpu.trace_stop"() : () -> ()
        } else {
        }
        %and3A_163 = arith.constant true
        %and3A_164 = arith.andi %and3A, %and3A_163 : i1
        %add3A_165 = arith.constant 1 : i32
        %add3A_166 = arith.addi %scan3A_122, %add3A_165 : i32
        %select_n3A_167 = arith.select %and3A_164, %add3A_166, %scan3A_122 : i32
        %ne3A_168 = arith.cmpi ne, %add3A_131, %add3A_149 : i32
        %or3A_169 = arith.constant false
        %or3A_170 = arith.ori %or3A_169, %ne3A_168 : i1
        %or3A_171 = arith.constant false
        %or3A_172 = arith.ori %or3A_170, %or3A_171 : i1
        %ge3A_173 = arith.constant 25 : i32
        %ge3A_174 = arith.cmpi sge, %scan3A_121, %ge3A_173 : i32
        %not3A_175 = arith.constant true
        %not3A_176 = arith.xori %ge3A_174, %not3A_175 : i1
        %and3A_177 = arith.andi %or3A_172, %not3A_176 : i1
        %ne3A_178 = arith.cmpi ne, %add3A_131, %add3A_140 : i32
        %or3A_179 = arith.constant false
        %or3A_180 = arith.ori %or3A_179, %ne3A_178 : i1
        %or3A_181 = arith.ori %or3A_180, %eq3A_128 : i1
        %convert_element_type3A_182 = arith.extui %or3A_181 : i1 to i32
        %cond3A_183 = arith.constant 0 : i32
        %cond3A_184 = arith.cmpi ne, %convert_element_type3A_182, %cond3A_183 : i32
        scf.if %cond3A_184 {
          "tpu.trace_start"() <{level = 10 : i32, message = "ep_wait_in"}> : () -> ()
          %mul3A_264 = arith.constant 128 : i32
          %mul3A_265 = arith.muli %mul3A_264, %add3A_131 : i32
          %rem3A_266 = arith.constant 2 : i32
          %rem3A_267 = arith.remui %scan3A_123, %rem3A_266 : i32
          %dma_wait3A_268 = arith.constant 0 : i32
          %dma_wait3A_269 = arith.constant 0 : i32
          %dma_wait3A_270 = tpu.memref_slice %run_scoped3A[%rem3A_267, %dma_wait3A_268, %dma_wait3A_269] : memref<2x1x128xi32, #tpu.memory_space<vmem>> -> memref<1x1x128xi32, #tpu.memory_space<vmem>>
          %dma_wait3A_271 = tpu.memref_squeeze %dma_wait3A_270 : memref<1x1x128xi32, #tpu.memory_space<vmem>> -> memref<1x128xi32, #tpu.memory_space<vmem>>
          %dma_wait3A_272 = arith.constant 0 : i32
          %dma_wait3A_273 = tpu.memref_slice %arg3[%dma_wait3A_272, %mul3A_265] : memref<1x106496xi32, #tpu.memory_space<hbm>> -> memref<1x128xi32, #tpu.memory_space<hbm>>
          %dma_wait3A_274 = tpu.memref_slice %run_scoped3A_7[%rem3A_267] : memref<2x!tpu.dma_semaphore, #tpu.memory_space<semaphore_mem>> -> memref<1x!tpu.dma_semaphore, #tpu.memory_space<semaphore_mem>>
          %dma_wait3A_275 = tpu.memref_squeeze %dma_wait3A_274 : memref<1x!tpu.dma_semaphore, #tpu.memory_space<semaphore_mem>> -> memref<!tpu.dma_semaphore, #tpu.memory_space<semaphore_mem>>
          %dma_wait3A_276 = arith.constant 0 : i32
          %dma_wait3A_277 = arith.constant 0 : i32
          %dma_wait3A_278 = tpu.memref_slice %run_scoped3A[%rem3A_267, %dma_wait3A_276, %dma_wait3A_277] : memref<2x1x128xi32, #tpu.memory_space<vmem>> -> memref<1x1x128xi32, #tpu.memory_space<vmem>>
          %dma_wait3A_279 = tpu.memref_squeeze %dma_wait3A_278 : memref<1x1x128xi32, #tpu.memory_space<vmem>> -> memref<1x128xi32, #tpu.memory_space<vmem>>
          %dma_wait3A_280 = arith.constant 0 : i32
          %dma_wait3A_281 = tpu.memref_slice %arg3[%dma_wait3A_280, %mul3A_265] : memref<1x106496xi32, #tpu.memory_space<hbm>> -> memref<1x128xi32, #tpu.memory_space<hbm>>
          tpu.wait_dma2 semaphore(%dma_wait3A_275 : memref<!tpu.dma_semaphore, #tpu.memory_space<semaphore_mem>>) src(%dma_wait3A_281 : memref<1x128xi32, #tpu.memory_space<hbm>>) dst(%dma_wait3A_279 : memref<1x128xi32, #tpu.memory_space<vmem>>)
          "tpu.trace_stop"() : () -> ()
        } else {
        }
        %ne3A_185 = arith.cmpi ne, %add3A_131, %add3A_140 : i32
        %or3A_186 = arith.constant false
        %or3A_187 = arith.ori %or3A_186, %ne3A_185 : i1
        %or3A_188 = arith.constant false
        %or3A_189 = arith.ori %or3A_187, %or3A_188 : i1
        %or3A_190 = arith.ori %or3A_189, %eq3A_128 : i1
        %convert_element_type3A_191 = arith.extui %or3A_190 : i1 to i32
        %cond3A_192 = arith.constant 0 : i32
        %cond3A_193 = arith.cmpi ne, %convert_element_type3A_191, %cond3A_192 : i32
        scf.if %cond3A_193 {
        } else {
        }
        %rem3A_194 = arith.constant 2 : i32
        %rem3A_195 = arith.remui %scan3A_123, %rem3A_194 : i32
        %rem3A_196 = arith.constant 2 : i32
        %rem3A_197 = arith.remui %scan3A_124, %rem3A_196 : i32
        %run_scoped3A_198 = arith.constant 0 : i32
        "tpu.trace_start"() <{level = 10 : i32, message = "ep_run_kernel"}> : () -> ()
        "tpu.region"() ({
          %run_scoped3A_264 = tpu.sem_alloc : memref<!tpu.dma_semaphore, #tpu.memory_space<semaphore_mem>>
          %dma_start3A_265 = arith.constant 0 : i32
          %dma_start3A_266 = arith.constant 0 : i32
          %dma_start3A_267 = tpu.memref_slice %run_scoped3A_8[%rem3A_197, %dma_start3A_265, %dma_start3A_266] : memref<2x128x128xi32, #tpu.memory_space<vmem>> -> memref<1x128x128xi32, #tpu.memory_space<vmem>>
          %dma_start3A_268 = tpu.memref_squeeze %dma_start3A_267 : memref<1x128x128xi32, #tpu.memory_space<vmem>> -> memref<128x128xi32, #tpu.memory_space<vmem>>
          %dma_start3A_269 = arith.constant 0 : i32
          %dma_start3A_270 = arith.constant 0 : i32
          %dma_start3A_271 = tpu.memref_slice %run_scoped3A[%rem3A_195, %dma_start3A_269, %dma_start3A_270] : memref<2x1x128xi32, #tpu.memory_space<vmem>> -> memref<1x1x128xi32, #tpu.memory_space<vmem>>
          %dma_start3A_272 = tpu.memref_squeeze %dma_start3A_271 : memref<1x1x128xi32, #tpu.memory_space<vmem>> -> memref<1x128xi32, #tpu.memory_space<vmem>>
          %dma_start3A_273 = arith.constant 0 : i32
          %dma_start3A_274 = tpu.memref_slice %dma_start3A_272[%run_scoped3A_198, %dma_start3A_273] : memref<1x128xi32, #tpu.memory_space<vmem>> -> memref<1x128xi32, #tpu.memory_space<vmem>>
          %dma_start3A_275 = tpu.memref_squeeze %dma_start3A_274 : memref<1x128xi32, #tpu.memory_space<vmem>> -> memref<128xi32, #tpu.memory_space<vmem>>
          %dma_start3A_276 = arith.constant 0 : i32
          %dma_start3A_277 = arith.constant 0 : i32
          %dma_start3A_278 = tpu.memref_slice %arg2[%dma_start3A_276, %dma_start3A_277] : memref<655360x128xi32, #tpu.memory_space<hbm>> -> memref<655360x128xi32, #tpu.memory_space<hbm>>
          tpu.enqueue_indirect_dma source(%dma_start3A_278 : memref<655360x128xi32, #tpu.memory_space<hbm>>) target(%dma_start3A_268 : memref<128x128xi32, #tpu.memory_space<vmem>>) offsets(%dma_start3A_275 : memref<128xi32, #tpu.memory_space<vmem>>) semaphore(%run_scoped3A_264 : memref<!tpu.dma_semaphore, #tpu.memory_space<semaphore_mem>>)
          %dma_wait3A_279 = arith.constant 0 : i32
          %dma_wait3A_280 = arith.constant 0 : i32
          %dma_wait3A_281 = tpu.memref_slice %run_scoped3A_8[%rem3A_197, %dma_wait3A_279, %dma_wait3A_280] : memref<2x128x128xi32, #tpu.memory_space<vmem>> -> memref<1x128x128xi32, #tpu.memory_space<vmem>>
          %dma_wait3A_282 = tpu.memref_squeeze %dma_wait3A_281 : memref<1x128x128xi32, #tpu.memory_space<vmem>> -> memref<128x128xi32, #tpu.memory_space<vmem>>
          %dma_wait3A_283 = arith.constant 0 : i32
          %dma_wait3A_284 = arith.constant 0 : i32
          %dma_wait3A_285 = tpu.memref_slice %run_scoped3A[%rem3A_195, %dma_wait3A_283, %dma_wait3A_284] : memref<2x1x128xi32, #tpu.memory_space<vmem>> -> memref<1x1x128xi32, #tpu.memory_space<vmem>>
          %dma_wait3A_286 = tpu.memref_squeeze %dma_wait3A_285 : memref<1x1x128xi32, #tpu.memory_space<vmem>> -> memref<1x128xi32, #tpu.memory_space<vmem>>
          %dma_wait3A_287 = arith.constant 0 : i32
          %dma_wait3A_288 = tpu.memref_slice %dma_wait3A_286[%run_scoped3A_198, %dma_wait3A_287] : memref<1x128xi32, #tpu.memory_space<vmem>> -> memref<1x128xi32, #tpu.memory_space<vmem>>
          %dma_wait3A_289 = tpu.memref_squeeze %dma_wait3A_288 : memref<1x128xi32, #tpu.memory_space<vmem>> -> memref<128xi32, #tpu.memory_space<vmem>>
          %dma_wait3A_290 = arith.constant 0 : i32
          %dma_wait3A_291 = arith.constant 0 : i32
          %dma_wait3A_292 = tpu.memref_slice %arg2[%dma_wait3A_290, %dma_wait3A_291] : memref<655360x128xi32, #tpu.memory_space<hbm>> -> memref<655360x128xi32, #tpu.memory_space<hbm>>
          tpu.wait_indirect_dma semaphore(%run_scoped3A_264 : memref<!tpu.dma_semaphore, #tpu.memory_space<semaphore_mem>>) src(%dma_wait3A_292 : memref<655360x128xi32, #tpu.memory_space<hbm>>) dst(%dma_wait3A_282 : memref<128x128xi32, #tpu.memory_space<vmem>>)
          tpu.yield
        }) : () -> ()
        "tpu.trace_stop"() : () -> ()
        %ne3A_199 = arith.cmpi ne, %add3A_131, %add3A_149 : i32
        %or3A_200 = arith.constant false
        %or3A_201 = arith.ori %or3A_200, %ne3A_199 : i1
        %or3A_202 = arith.ori %or3A_201, %eq3A_130 : i1
        %convert_element_type3A_203 = arith.extui %or3A_202 : i1 to i32
        %cond3A_204 = arith.constant 0 : i32
        %cond3A_205 = arith.cmpi ne, %convert_element_type3A_203, %cond3A_204 : i32
        scf.if %cond3A_205 {
        } else {
        }
        %and3A_206 = arith.constant false
        %and3A_207 = arith.andi %or3A_202, %and3A_206 : i1
        %ne3A_208 = arith.cmpi ne, %add3A_131, %add3A_149 : i32
        %or3A_209 = arith.constant false
        %or3A_210 = arith.ori %or3A_209, %ne3A_208 : i1
        %or3A_211 = arith.constant false
        %or3A_212 = arith.ori %or3A_210, %or3A_211 : i1
        %or3A_213 = arith.ori %or3A_212, %eq3A_130 : i1
        %convert_element_type3A_214 = arith.extui %or3A_213 : i1 to i32
        %cond3A_215 = arith.constant 0 : i32
        %cond3A_216 = arith.cmpi ne, %convert_element_type3A_214, %cond3A_215 : i32
        scf.if %cond3A_216 {
          "tpu.trace_start"() <{level = 10 : i32, message = "ep_copy_out"}> : () -> ()
          %rem3A_264 = arith.constant 2 : i32
          %rem3A_265 = arith.remui %scan3A_124, %rem3A_264 : i32
          %mul3A_266 = arith.constant 128 : i32
          %mul3A_267 = arith.muli %mul3A_266, %add3A_131 : i32
          %dma_start3A_268 = arith.constant 0 : i32
          %dma_start3A_269 = arith.constant 0 : i32
          %dma_start3A_270 = tpu.memref_slice %run_scoped3A_8[%rem3A_265, %dma_start3A_268, %dma_start3A_269] : memref<2x128x128xi32, #tpu.memory_space<vmem>> -> memref<1x128x128xi32, #tpu.memory_space<vmem>>
          %dma_start3A_271 = tpu.memref_squeeze %dma_start3A_270 : memref<1x128x128xi32, #tpu.memory_space<vmem>> -> memref<128x128xi32, #tpu.memory_space<vmem>>
          %dma_start3A_272 = arith.constant 0 : i32
          %dma_start3A_273 = tpu.memref_slice %arg4[%mul3A_267, %dma_start3A_272] : memref<106496x128xi32, #tpu.memory_space<hbm>> -> memref<128x128xi32, #tpu.memory_space<hbm>>
          %dma_start3A_274 = tpu.memref_slice %run_scoped3A_9[%rem3A_265] : memref<2x!tpu.dma_semaphore, #tpu.memory_space<semaphore_mem>> -> memref<1x!tpu.dma_semaphore, #tpu.memory_space<semaphore_mem>>
          %dma_start3A_275 = tpu.memref_squeeze %dma_start3A_274 : memref<1x!tpu.dma_semaphore, #tpu.memory_space<semaphore_mem>> -> memref<!tpu.dma_semaphore, #tpu.memory_space<semaphore_mem>>
          %dma_start3A_276 = arith.constant 0 : i32
          %dma_start3A_277 = tpu.memref_slice %arg4[%mul3A_267, %dma_start3A_276] : memref<106496x128xi32, #tpu.memory_space<hbm>> -> memref<128x128xi32, #tpu.memory_space<hbm>>
          %dma_start3A_278 = arith.constant 0 : i32
          %dma_start3A_279 = arith.constant 0 : i32
          %dma_start3A_280 = tpu.memref_slice %run_scoped3A_8[%rem3A_265, %dma_start3A_278, %dma_start3A_279] : memref<2x128x128xi32, #tpu.memory_space<vmem>> -> memref<1x128x128xi32, #tpu.memory_space<vmem>>
          %dma_start3A_281 = tpu.memref_squeeze %dma_start3A_280 : memref<1x128x128xi32, #tpu.memory_space<vmem>> -> memref<128x128xi32, #tpu.memory_space<vmem>>
          tpu.enqueue_dma source(%dma_start3A_281 : memref<128x128xi32, #tpu.memory_space<vmem>>) target(%dma_start3A_277 : memref<128x128xi32, #tpu.memory_space<hbm>>) target_semaphore(%dma_start3A_275 : memref<!tpu.dma_semaphore, #tpu.memory_space<semaphore_mem>>)
          "tpu.trace_stop"() : () -> ()
        } else {
        }
        %and3A_217 = arith.constant true
        %and3A_218 = arith.andi %or3A_213, %and3A_217 : i1
        %add3A_219 = arith.constant 1 : i32
        %add3A_220 = arith.addi %scan3A_124, %add3A_219 : i32
        %select_n3A_221 = arith.select %and3A_218, %add3A_220, %scan3A_124 : i32
        %ne3A_222 = arith.cmpi ne, %add3A_131, %add3A_140 : i32
        %or3A_223 = arith.constant false
        %or3A_224 = arith.ori %or3A_223, %ne3A_222 : i1
        %not3A_225 = arith.constant true
        %not3A_226 = arith.xori %eq3A_128, %not3A_225 : i1
        %and3A_227 = arith.andi %or3A_224, %not3A_226 : i1
        %convert_element_type3A_228 = arith.extui %and3A_227 : i1 to i32
        %cond3A_229 = arith.constant 0 : i32
        %cond3A_230 = arith.cmpi ne, %convert_element_type3A_228, %cond3A_229 : i32
        scf.if %cond3A_230 {
        } else {
        }
        %and3A_231 = arith.constant false
        %and3A_232 = arith.andi %and3A_227, %and3A_231 : i1
        %ne3A_233 = arith.cmpi ne, %add3A_131, %add3A_140 : i32
        %or3A_234 = arith.constant false
        %or3A_235 = arith.ori %or3A_234, %ne3A_233 : i1
        %or3A_236 = arith.constant false
        %or3A_237 = arith.ori %or3A_235, %or3A_236 : i1
        %not3A_238 = arith.constant true
        %not3A_239 = arith.xori %eq3A_128, %not3A_238 : i1
        %and3A_240 = arith.andi %or3A_237, %not3A_239 : i1
        %convert_element_type3A_241 = arith.extui %and3A_240 : i1 to i32
        %cond3A_242 = arith.constant 0 : i32
        %cond3A_243 = arith.cmpi ne, %convert_element_type3A_241, %cond3A_242 : i32
        scf.if %cond3A_243 {
          "tpu.trace_start"() <{level = 10 : i32, message = "ep_wait_out"}> : () -> ()
          %rem3A_264 = arith.constant 2 : i32
          %rem3A_265 = arith.remui %scan3A_125, %rem3A_264 : i32
          %mul3A_266 = arith.constant 128 : i32
          %mul3A_267 = arith.muli %mul3A_266, %add3A_140 : i32
          %dma_wait3A_268 = arith.constant 0 : i32
          %dma_wait3A_269 = arith.constant 0 : i32
          %dma_wait3A_270 = tpu.memref_slice %run_scoped3A_8[%rem3A_265, %dma_wait3A_268, %dma_wait3A_269] : memref<2x128x128xi32, #tpu.memory_space<vmem>> -> memref<1x128x128xi32, #tpu.memory_space<vmem>>
          %dma_wait3A_271 = tpu.memref_squeeze %dma_wait3A_270 : memref<1x128x128xi32, #tpu.memory_space<vmem>> -> memref<128x128xi32, #tpu.memory_space<vmem>>
          %dma_wait3A_272 = arith.constant 0 : i32
          %dma_wait3A_273 = tpu.memref_slice %arg4[%mul3A_267, %dma_wait3A_272] : memref<106496x128xi32, #tpu.memory_space<hbm>> -> memref<128x128xi32, #tpu.memory_space<hbm>>
          %dma_wait3A_274 = tpu.memref_slice %run_scoped3A_9[%rem3A_265] : memref<2x!tpu.dma_semaphore, #tpu.memory_space<semaphore_mem>> -> memref<1x!tpu.dma_semaphore, #tpu.memory_space<semaphore_mem>>
          %dma_wait3A_275 = tpu.memref_squeeze %dma_wait3A_274 : memref<1x!tpu.dma_semaphore, #tpu.memory_space<semaphore_mem>> -> memref<!tpu.dma_semaphore, #tpu.memory_space<semaphore_mem>>
          %dma_wait3A_276 = arith.constant 0 : i32
          %dma_wait3A_277 = tpu.memref_slice %arg4[%mul3A_267, %dma_wait3A_276] : memref<106496x128xi32, #tpu.memory_space<hbm>> -> memref<128x128xi32, #tpu.memory_space<hbm>>
          %dma_wait3A_278 = arith.constant 0 : i32
          %dma_wait3A_279 = arith.constant 0 : i32
          %dma_wait3A_280 = tpu.memref_slice %run_scoped3A_8[%rem3A_265, %dma_wait3A_278, %dma_wait3A_279] : memref<2x128x128xi32, #tpu.memory_space<vmem>> -> memref<1x128x128xi32, #tpu.memory_space<vmem>>
          %dma_wait3A_281 = tpu.memref_squeeze %dma_wait3A_280 : memref<1x128x128xi32, #tpu.memory_space<vmem>> -> memref<128x128xi32, #tpu.memory_space<vmem>>
          tpu.wait_dma2 semaphore(%dma_wait3A_275 : memref<!tpu.dma_semaphore, #tpu.memory_space<semaphore_mem>>) src(%dma_wait3A_281 : memref<128x128xi32, #tpu.memory_space<vmem>>) dst(%dma_wait3A_277 : memref<128x128xi32, #tpu.memory_space<hbm>>)
          "tpu.trace_stop"() : () -> ()
        } else {
        }
        %and3A_244 = arith.constant true
        %and3A_245 = arith.andi %and3A_240, %and3A_244 : i1
        %add3A_246 = arith.constant 1 : i32
        %add3A_247 = arith.addi %scan3A_125, %add3A_246 : i32
        %select_n3A_248 = arith.select %and3A_245, %add3A_247, %scan3A_125 : i32
        %ne3A_249 = arith.cmpi ne, %add3A_131, %add3A_149 : i32
        %or3A_250 = arith.constant false
        %or3A_251 = arith.ori %or3A_250, %ne3A_249 : i1
        %or3A_252 = arith.ori %or3A_251, %eq3A_130 : i1
        %add3A_253 = arith.constant 1 : i32
        %add3A_254 = arith.addi %scan3A_123, %add3A_253 : i32
        %select_n3A_255 = arith.select %or3A_252, %add3A_254, %scan3A_123 : i32
        %add3A_256 = arith.constant 1 : i32
        %add3A_257 = arith.addi %scan3A_126, %add3A_256 : i32
        %select_n3A_258 = arith.constant true
        %select_n3A_259 = arith.select %select_n3A_258, %add3A_257, %scan3A_126 : i32
        %eq3A_260 = arith.constant 26 : i32
        %eq3A_261 = arith.cmpi eq, %select_n3A_259, %eq3A_260 : i32
        %select_n3A_262 = arith.constant 0 : i32
        %select_n3A_263 = arith.select %eq3A_261, %select_n3A_262, %select_n3A_259 : i32
        scf.yield %select_n3A_167, %select_n3A_255, %select_n3A_221, %select_n3A_248, %select_n3A_263 : i32, i32, i32, i32, i32
      }
      %scan3A_68 = arith.constant 26 : i32
      %sub3A = arith.constant 1 : i32
      %sub3A_69 = arith.subi %scan3A_67#4, %sub3A : i32
      %select_n3A_70 = arith.constant true
      %select_n3A_71 = arith.select %select_n3A_70, %sub3A_69, %scan3A_67#4 : i32
      %eq3A_72 = arith.constant -1 : i32
      %eq3A_73 = arith.cmpi eq, %select_n3A_71, %eq3A_72 : i32
      %select_n3A_74 = arith.constant 25 : i32
      %select_n3A_75 = arith.select %eq3A_73, %select_n3A_74, %select_n3A_71 : i32
      %add3A_76 = arith.addi %select_n3A_75, %mul3A_6 : i32
      %sub3A_77 = arith.constant 1 : i32
      %sub3A_78 = arith.subi %select_n3A_75, %sub3A_77 : i32
      %select_n3A_79 = arith.constant true
      %select_n3A_80 = arith.select %select_n3A_79, %sub3A_78, %select_n3A_75 : i32
      %eq3A_81 = arith.constant -1 : i32
      %eq3A_82 = arith.cmpi eq, %select_n3A_80, %eq3A_81 : i32
      %select_n3A_83 = arith.constant 25 : i32
      %select_n3A_84 = arith.select %eq3A_82, %select_n3A_83, %select_n3A_80 : i32
      %add3A_85 = arith.addi %select_n3A_84, %mul3A_6 : i32
      %add3A_86 = arith.constant 1 : i32
      %add3A_87 = arith.addi %select_n3A_75, %add3A_86 : i32
      %select_n3A_88 = arith.constant true
      %select_n3A_89 = arith.select %select_n3A_88, %add3A_87, %select_n3A_75 : i32
      %eq3A_90 = arith.constant 26 : i32
      %eq3A_91 = arith.cmpi eq, %select_n3A_89, %eq3A_90 : i32
      %select_n3A_92 = arith.constant 0 : i32
      %select_n3A_93 = arith.select %eq3A_91, %select_n3A_92, %select_n3A_89 : i32
      %add3A_94 = arith.addi %select_n3A_93, %mul3A_6 : i32
      %add3A_95 = arith.constant 1 : i32
      %add3A_96 = arith.addi %select_n3A_93, %add3A_95 : i32
      %select_n3A_97 = arith.constant true
      %select_n3A_98 = arith.select %select_n3A_97, %add3A_96, %select_n3A_93 : i32
      %eq3A_99 = arith.constant 26 : i32
      %eq3A_100 = arith.cmpi eq, %select_n3A_98, %eq3A_99 : i32
      %select_n3A_101 = arith.constant 0 : i32
      %select_n3A_102 = arith.select %eq3A_100, %select_n3A_101, %select_n3A_98 : i32
      %add3A_103 = arith.addi %select_n3A_102, %mul3A_6 : i32
      "tpu.trace_start"() <{level = 10 : i32, message = "ep_finalize"}> : () -> ()
      %rem3A_104 = arith.constant 2 : i32
      %rem3A_105 = arith.remui %scan3A_67#3, %rem3A_104 : i32
      %mul3A_106 = arith.constant 128 : i32
      %mul3A_107 = arith.muli %mul3A_106, %add3A_76 : i32
      %dma_wait3A = arith.constant 0 : i32
      %dma_wait3A_108 = arith.constant 0 : i32
      %dma_wait3A_109 = tpu.memref_slice %run_scoped3A_8[%rem3A_105, %dma_wait3A, %dma_wait3A_108] : memref<2x128x128xi32, #tpu.memory_space<vmem>> -> memref<1x128x128xi32, #tpu.memory_space<vmem>>
      %dma_wait3A_110 = tpu.memref_squeeze %dma_wait3A_109 : memref<1x128x128xi32, #tpu.memory_space<vmem>> -> memref<128x128xi32, #tpu.memory_space<vmem>>
      %dma_wait3A_111 = arith.constant 0 : i32
      %dma_wait3A_112 = tpu.memref_slice %arg4[%mul3A_107, %dma_wait3A_111] : memref<106496x128xi32, #tpu.memory_space<hbm>> -> memref<128x128xi32, #tpu.memory_space<hbm>>
      %dma_wait3A_113 = tpu.memref_slice %run_scoped3A_9[%rem3A_105] : memref<2x!tpu.dma_semaphore, #tpu.memory_space<semaphore_mem>> -> memref<1x!tpu.dma_semaphore, #tpu.memory_space<semaphore_mem>>
      %dma_wait3A_114 = tpu.memref_squeeze %dma_wait3A_113 : memref<1x!tpu.dma_semaphore, #tpu.memory_space<semaphore_mem>> -> memref<!tpu.dma_semaphore, #tpu.memory_space<semaphore_mem>>
      %dma_wait3A_115 = arith.constant 0 : i32
      %dma_wait3A_116 = tpu.memref_slice %arg4[%mul3A_107, %dma_wait3A_115] : memref<106496x128xi32, #tpu.memory_space<hbm>> -> memref<128x128xi32, #tpu.memory_space<hbm>>
      %dma_wait3A_117 = arith.constant 0 : i32
      %dma_wait3A_118 = arith.constant 0 : i32
      %dma_wait3A_119 = tpu.memref_slice %run_scoped3A_8[%rem3A_105, %dma_wait3A_117, %dma_wait3A_118] : memref<2x128x128xi32, #tpu.memory_space<vmem>> -> memref<1x128x128xi32, #tpu.memory_space<vmem>>
      %dma_wait3A_120 = tpu.memref_squeeze %dma_wait3A_119 : memref<1x128x128xi32, #tpu.memory_space<vmem>> -> memref<128x128xi32, #tpu.memory_space<vmem>>
      tpu.wait_dma2 semaphore(%dma_wait3A_114 : memref<!tpu.dma_semaphore, #tpu.memory_space<semaphore_mem>>) src(%dma_wait3A_120 : memref<128x128xi32, #tpu.memory_space<vmem>>) dst(%dma_wait3A_116 : memref<128x128xi32, #tpu.memory_space<hbm>>)
      "tpu.trace_stop"() : () -> ()
      tpu.yield
    }) : () -> ()
    return
  }
}

#map = affine_map<(d0, d1) -> (0, 0)>
module attributes {stable_mosaic.version = 14 : i64} {
  func.func @gather_kernel(%arg0: i32, %arg1: i32, %arg2: memref<655360x128xi32, #tpu.memory_space<hbm>>, %arg3: memref<1x106496xi32, #tpu.memory_space<hbm>>, %arg4: memref<106496x128xi32, #tpu.memory_space<hbm>>) attributes {dimension_semantics = [#tpu.dimension_semantics<core_parallel>, #tpu.dimension_semantics<subcore_parallel>], iteration_bounds = array<i64: 2, 16>, scalar_prefetch = 0 : i64, scratch_operands = 0 : i64, tpu.core_type = #tpu.core_type<sc_vector_subcore>, window_params = [{transform_indices = #map}, {transform_indices = #map}, {transform_indices = #map}]} {
    %mul3A = arith.constant 1 : i32
    %mul3A_0 = arith.muli %arg1, %mul3A : i32
    %add3A = arith.constant 0 : i32
    %add3A_1 = arith.addi %add3A, %mul3A_0 : i32
    %mul3A_2 = arith.constant 16 : i32
    %mul3A_3 = arith.muli %arg0, %mul3A_2 : i32
    %add3A_4 = arith.addi %add3A_1, %mul3A_3 : i32
    %mul3A_5 = arith.constant 26 : i32
    %mul3A_6 = arith.muli %add3A_4, %mul3A_5 : i32
    "tpu.region"() ({
      %run_scoped3A = memref.alloca() : memref<2x1x128xi32, #tpu.memory_space<vmem>>
      %run_scoped3A_7 = tpu.sem_alloc : memref<2x!tpu.dma_semaphore, #tpu.memory_space<semaphore_mem>>
      %run_scoped3A_8 = memref.alloca() : memref<2x128x128xi32, #tpu.memory_space<vmem>>
      %run_scoped3A_9 = tpu.sem_alloc : memref<2x!tpu.dma_semaphore, #tpu.memory_space<semaphore_mem>>
      %add3A_10 = arith.constant 0 : i32
      %add3A_11 = arith.addi %add3A_10, %mul3A_6 : i32
      %select_n3A = arith.constant true
      %select_n3A_12 = arith.constant 0 : i32
      %select_n3A_13 = arith.constant -1 : i32
      %select_n3A_14 = arith.select %select_n3A, %select_n3A_13, %select_n3A_12 : i32
      %eq3A = arith.constant -1 : i32
      %eq3A_15 = arith.cmpi eq, %select_n3A_14, %eq3A : i32
      %select_n3A_16 = arith.constant 25 : i32
      %select_n3A_17 = arith.select %eq3A_15, %select_n3A_16, %select_n3A_14 : i32
      %add3A_18 = arith.addi %select_n3A_17, %mul3A_6 : i32
      %select_n3A_19 = arith.constant true
      %select_n3A_20 = arith.constant 0 : i32
      %select_n3A_21 = arith.constant 1 : i32
      %select_n3A_22 = arith.select %select_n3A_19, %select_n3A_21, %select_n3A_20 : i32
      %eq3A_23 = arith.constant 26 : i32
      %eq3A_24 = arith.cmpi eq, %select_n3A_22, %eq3A_23 : i32
      %select_n3A_25 = arith.constant 0 : i32
      %select_n3A_26 = arith.select %eq3A_24, %select_n3A_25, %select_n3A_22 : i32
      %add3A_27 = arith.addi %select_n3A_26, %mul3A_6 : i32
      %add3A_28 = arith.constant 1 : i32
      %add3A_29 = arith.addi %select_n3A_26, %add3A_28 : i32
      %select_n3A_30 = arith.constant true
      %select_n3A_31 = arith.select %select_n3A_30, %add3A_29, %select_n3A_26 : i32
      %eq3A_32 = arith.constant 26 : i32
      %eq3A_33 = arith.cmpi eq, %select_n3A_31, %eq3A_32 : i32
      %select_n3A_34 = arith.constant 0 : i32
      %select_n3A_35 = arith.select %eq3A_33, %select_n3A_34, %select_n3A_31 : i32
      %add3A_36 = arith.addi %select_n3A_35, %mul3A_6 : i32
      "tpu.trace_start"() <{level = 10 : i32, message = "ep_initialize_0"}> : () -> ()
      %rem3A = arith.constant 0 : i32
      %rem3A_37 = arith.constant 2 : i32
      %rem3A_38 = arith.remui %rem3A, %rem3A_37 : i32
      %mul3A_39 = arith.constant 128 : i32
      %mul3A_40 = arith.muli %mul3A_39, %add3A_11 : i32
      %dma_start3A = arith.constant 0 : i32
      %dma_start3A_41 = arith.constant 0 : i32
      %dma_start3A_42 = tpu.memref_slice %run_scoped3A[%rem3A_38, %dma_start3A, %dma_start3A_41] : memref<2x1x128xi32, #tpu.memory_space<vmem>> -> memref<1x1x128xi32, #tpu.memory_space<vmem>>
      %dma_start3A_43 = tpu.memref_squeeze %dma_start3A_42 : memref<1x1x128xi32, #tpu.memory_space<vmem>> -> memref<1x128xi32, #tpu.memory_space<vmem>>
      %dma_start3A_44 = arith.constant 0 : i32
      %dma_start3A_45 = tpu.memref_slice %arg3[%dma_start3A_44, %mul3A_40] : memref<1x106496xi32, #tpu.memory_space<hbm>> -> memref<1x128xi32, #tpu.memory_space<hbm>>
      %dma_start3A_46 = tpu.memref_slice %run_scoped3A_7[%rem3A_38] : memref<2x!tpu.dma_semaphore, #tpu.memory_space<semaphore_mem>> -> memref<1x!tpu.dma_semaphore, #tpu.memory_space<semaphore_mem>>
      %dma_start3A_47 = tpu.memref_squeeze %dma_start3A_46 : memref<1x!tpu.dma_semaphore, #tpu.memory_space<semaphore_mem>> -> memref<!tpu.dma_semaphore, #tpu.memory_space<semaphore_mem>>
      %dma_start3A_48 = arith.constant 0 : i32
      %dma_start3A_49 = arith.constant 0 : i32
      %dma_start3A_50 = tpu.memref_slice %run_scoped3A[%rem3A_38, %dma_start3A_48, %dma_start3A_49] : memref<2x1x128xi32, #tpu.memory_space<vmem>> -> memref<1x1x128xi32, #tpu.memory_space<vmem>>
      %dma_start3A_51 = tpu.memref_squeeze %dma_start3A_50 : memref<1x1x128xi32, #tpu.memory_space<vmem>> -> memref<1x128xi32, #tpu.memory_space<vmem>>
      %dma_start3A_52 = arith.constant 0 : i32
      %dma_start3A_53 = tpu.memref_slice %arg3[%dma_start3A_52, %mul3A_40] : memref<1x106496xi32, #tpu.memory_space<hbm>> -> memref<1x128xi32, #tpu.memory_space<hbm>>
      tpu.enqueue_dma source(%dma_start3A_53 : memref<1x128xi32, #tpu.memory_space<hbm>>) target(%dma_start3A_51 : memref<1x128xi32, #tpu.memory_space<vmem>>) target_semaphore(%dma_start3A_47 : memref<!tpu.dma_semaphore, #tpu.memory_space<semaphore_mem>>)
      %add3A_54 = arith.constant 0 : i32
      %add3A_55 = arith.constant 1 : i32
      %add3A_56 = arith.addi %add3A_54, %add3A_55 : i32
      %select_n3A_57 = arith.constant true
      %select_n3A_58 = arith.constant 0 : i32
      %select_n3A_59 = arith.select %select_n3A_57, %add3A_56, %select_n3A_58 : i32
      "tpu.trace_stop"() : () -> ()
      %scan3A = arith.constant 0 : i32
      %scan3A_60 = arith.constant 0 : i32
      %scan3A_61 = arith.constant 0 : i32
      %scan3A_62 = arith.constant 0 : i32
      %scan3A_63 = arith.constant 0 : i32
      %scan3A_64 = arith.constant 26 : i32
      %scan3A_65 = arith.addi %scan3A_63, %scan3A_64 : i32
      %scan3A_66 = arith.constant 1 : i32
      %scan3A_67:5 = scf.for %scan3A_121 = %scan3A_63 to %scan3A_65 step %scan3A_66 iter_args(%scan3A_122 = %select_n3A_59, %scan3A_123 = %scan3A, %scan3A_124 = %scan3A_60, %scan3A_125 = %scan3A_61, %scan3A_126 = %scan3A_62) -> (i32, i32, i32, i32, i32)  : i32 {
        %eq3A_127 = arith.constant 0 : i32
        %eq3A_128 = arith.cmpi eq, %scan3A_121, %eq3A_127 : i32
        %eq3A_129 = arith.constant 25 : i32
        %eq3A_130 = arith.cmpi eq, %scan3A_121, %eq3A_129 : i32
        %add3A_131 = arith.addi %scan3A_126, %mul3A_6 : i32
        %sub3A_132 = arith.constant 1 : i32
        %sub3A_133 = arith.subi %scan3A_126, %sub3A_132 : i32
        %select_n3A_134 = arith.constant true
        %select_n3A_135 = arith.select %select_n3A_134, %sub3A_133, %scan3A_126 : i32
        %eq3A_136 = arith.constant -1 : i32
        %eq3A_137 = arith.cmpi eq, %select_n3A_135, %eq3A_136 : i32
        %select_n3A_138 = arith.constant 25 : i32
        %select_n3A_139 = arith.select %eq3A_137, %select_n3A_138, %select_n3A_135 : i32
        %add3A_140 = arith.addi %select_n3A_139, %mul3A_6 : i32
        %add3A_141 = arith.constant 1 : i32
        %add3A_142 = arith.addi %scan3A_126, %add3A_141 : i32
        %select_n3A_143 = arith.constant true
        %select_n3A_144 = arith.select %select_n3A_143, %add3A_142, %scan3A_126 : i32
        %eq3A_145 = arith.constant 26 : i32
        %eq3A_146 = arith.cmpi eq, %select_n3A_144, %eq3A_145 : i32
        %select_n3A_147 = arith.constant 0 : i32
        %select_n3A_148 = arith.select %eq3A_146, %select_n3A_147, %select_n3A_144 : i32
        %add3A_149 = arith.addi %select_n3A_148, %mul3A_6 : i32
        %add3A_150 = arith.constant 1 : i32
        %add3A_151 = arith.addi %select_n3A_148, %add3A_150 : i32
        %select_n3A_152 = arith.constant true
        %select_n3A_153 = arith.select %select_n3A_152, %add3A_151, %select_n3A_148 : i32
        %eq3A_154 = arith.constant 26 : i32
        %eq3A_155 = arith.cmpi eq, %select_n3A_153, %eq3A_154 : i32
        %select_n3A_156 = arith.constant 0 : i32
        %select_n3A_157 = arith.select %eq3A_155, %select_n3A_156, %select_n3A_153 : i32
        %add3A_158 = arith.addi %select_n3A_157, %mul3A_6 : i32
        %ne3A = arith.cmpi ne, %add3A_131, %add3A_149 : i32
        %or3A = arith.constant false
        %or3A_159 = arith.ori %or3A, %ne3A : i1
        %ge3A = arith.constant 25 : i32
        %ge3A_160 = arith.cmpi sge, %scan3A_121, %ge3A : i32
        %not3A = arith.constant true
        %not3A_161 = arith.xori %ge3A_160, %not3A : i1
        %and3A = arith.andi %or3A_159, %not3A_161 : i1
        %convert_element_type3A = arith.extui %and3A : i1 to i32
        %cond3A = arith.constant 0 : i32
        %cond3A_162 = arith.cmpi ne, %convert_element_type3A, %cond3A : i32
        scf.if %cond3A_162 {
          "tpu.trace_start"() <{level = 10 : i32, message = "ep_copy_in"}> : () -> ()
          %rem3A_264 = arith.constant 2 : i32
          %rem3A_265 = arith.remui %scan3A_122, %rem3A_264 : i32
          %mul3A_266 = arith.constant 128 : i32
          %mul3A_267 = arith.muli %mul3A_266, %add3A_149 : i32
          %dma_start3A_268 = arith.constant 0 : i32
          %dma_start3A_269 = arith.constant 0 : i32
          %dma_start3A_270 = tpu.memref_slice %run_scoped3A[%rem3A_265, %dma_start3A_268, %dma_start3A_269] : memref<2x1x128xi32, #tpu.memory_space<vmem>> -> memref<1x1x128xi32, #tpu.memory_space<vmem>>
          %dma_start3A_271 = tpu.memref_squeeze %dma_start3A_270 : memref<1x1x128xi32, #tpu.memory_space<vmem>> -> memref<1x128xi32, #tpu.memory_space<vmem>>
          %dma_start3A_272 = arith.constant 0 : i32
          %dma_start3A_273 = tpu.memref_slice %arg3[%dma_start3A_272, %mul3A_267] : memref<1x106496xi32, #tpu.memory_space<hbm>> -> memref<1x128xi32, #tpu.memory_space<hbm>>
          %dma_start3A_274 = tpu.memref_slice %run_scoped3A_7[%rem3A_265] : memref<2x!tpu.dma_semaphore, #tpu.memory_space<semaphore_mem>> -> memref<1x!tpu.dma_semaphore, #tpu.memory_space<semaphore_mem>>
          %dma_start3A_275 = tpu.memref_squeeze %dma_start3A_274 : memref<1x!tpu.dma_semaphore, #tpu.memory_space<semaphore_mem>> -> memref<!tpu.dma_semaphore, #tpu.memory_space<semaphore_mem>>
          %dma_start3A_276 = arith.constant 0 : i32
          %dma_start3A_277 = arith.constant 0 : i32
          %dma_start3A_278 = tpu.memref_slice %run_scoped3A[%rem3A_265, %dma_start3A_276, %dma_start3A_277] : memref<2x1x128xi32, #tpu.memory_space<vmem>> -> memref<1x1x128xi32, #tpu.memory_space<vmem>>
          %dma_start3A_279 = tpu.memref_squeeze %dma_start3A_278 : memref<1x1x128xi32, #tpu.memory_space<vmem>> -> memref<1x128xi32, #tpu.memory_space<vmem>>
          %dma_start3A_280 = arith.constant 0 : i32
          %dma_start3A_281 = tpu.memref_slice %arg3[%dma_start3A_280, %mul3A_267] : memref<1x106496xi32, #tpu.memory_space<hbm>> -> memref<1x128xi32, #tpu.memory_space<hbm>>
          tpu.enqueue_dma source(%dma_start3A_281 : memref<1x128xi32, #tpu.memory_space<hbm>>) target(%dma_start3A_279 : memref<1x128xi32, #tpu.memory_space<vmem>>) target_semaphore(%dma_start3A_275 : memref<!tpu.dma_semaphore, #tpu.memory_space<semaphore_mem>>)
          "tpu.trace_stop"() : () -> ()
        } else {
        }
        %and3A_163 = arith.constant true
        %and3A_164 = arith.andi %and3A, %and3A_163 : i1
        %add3A_165 = arith.constant 1 : i32
        %add3A_166 = arith.addi %scan3A_122, %add3A_165 : i32
        %select_n3A_167 = arith.select %and3A_164, %add3A_166, %scan3A_122 : i32
        %ne3A_168 = arith.cmpi ne, %add3A_131, %add3A_149 : i32
        %or3A_169 = arith.constant false
        %or3A_170 = arith.ori %or3A_169, %ne3A_168 : i1
        %or3A_171 = arith.constant false
        %or3A_172 = arith.ori %or3A_170, %or3A_171 : i1
        %ge3A_173 = arith.constant 25 : i32
        %ge3A_174 = arith.cmpi sge, %scan3A_121, %ge3A_173 : i32
        %not3A_175 = arith.constant true
        %not3A_176 = arith.xori %ge3A_174, %not3A_175 : i1
        %and3A_177 = arith.andi %or3A_172, %not3A_176 : i1
        %ne3A_178 = arith.cmpi ne, %add3A_131, %add3A_140 : i32
        %or3A_179 = arith.constant false
        %or3A_180 = arith.ori %or3A_179, %ne3A_178 : i1
        %or3A_181 = arith.ori %or3A_180, %eq3A_128 : i1
        %convert_element_type3A_182 = arith.extui %or3A_181 : i1 to i32
        %cond3A_183 = arith.constant 0 : i32
        %cond3A_184 = arith.cmpi ne, %convert_element_type3A_182, %cond3A_183 : i32
        scf.if %cond3A_184 {
          "tpu.trace_start"() <{level = 10 : i32, message = "ep_wait_in"}> : () -> ()
          %mul3A_264 = arith.constant 128 : i32
          %mul3A_265 = arith.muli %mul3A_264, %add3A_131 : i32
          %rem3A_266 = arith.constant 2 : i32
          %rem3A_267 = arith.remui %scan3A_123, %rem3A_266 : i32
          %dma_wait3A_268 = arith.constant 0 : i32
          %dma_wait3A_269 = arith.constant 0 : i32
          %dma_wait3A_270 = tpu.memref_slice %run_scoped3A[%rem3A_267, %dma_wait3A_268, %dma_wait3A_269] : memref<2x1x128xi32, #tpu.memory_space<vmem>> -> memref<1x1x128xi32, #tpu.memory_space<vmem>>
          %dma_wait3A_271 = tpu.memref_squeeze %dma_wait3A_270 : memref<1x1x128xi32, #tpu.memory_space<vmem>> -> memref<1x128xi32, #tpu.memory_space<vmem>>
          %dma_wait3A_272 = arith.constant 0 : i32
          %dma_wait3A_273 = tpu.memref_slice %arg3[%dma_wait3A_272, %mul3A_265] : memref<1x106496xi32, #tpu.memory_space<hbm>> -> memref<1x128xi32, #tpu.memory_space<hbm>>
          %dma_wait3A_274 = tpu.memref_slice %run_scoped3A_7[%rem3A_267] : memref<2x!tpu.dma_semaphore, #tpu.memory_space<semaphore_mem>> -> memref<1x!tpu.dma_semaphore, #tpu.memory_space<semaphore_mem>>
          %dma_wait3A_275 = tpu.memref_squeeze %dma_wait3A_274 : memref<1x!tpu.dma_semaphore, #tpu.memory_space<semaphore_mem>> -> memref<!tpu.dma_semaphore, #tpu.memory_space<semaphore_mem>>
          %dma_wait3A_276 = arith.constant 0 : i32
          %dma_wait3A_277 = arith.constant 0 : i32
          %dma_wait3A_278 = tpu.memref_slice %run_scoped3A[%rem3A_267, %dma_wait3A_276, %dma_wait3A_277] : memref<2x1x128xi32, #tpu.memory_space<vmem>> -> memref<1x1x128xi32, #tpu.memory_space<vmem>>
          %dma_wait3A_279 = tpu.memref_squeeze %dma_wait3A_278 : memref<1x1x128xi32, #tpu.memory_space<vmem>> -> memref<1x128xi32, #tpu.memory_space<vmem>>
          %dma_wait3A_280 = arith.constant 0 : i32
          %dma_wait3A_281 = tpu.memref_slice %arg3[%dma_wait3A_280, %mul3A_265] : memref<1x106496xi32, #tpu.memory_space<hbm>> -> memref<1x128xi32, #tpu.memory_space<hbm>>
          tpu.wait_dma2 semaphore(%dma_wait3A_275 : memref<!tpu.dma_semaphore, #tpu.memory_space<semaphore_mem>>) src(%dma_wait3A_281 : memref<1x128xi32, #tpu.memory_space<hbm>>) dst(%dma_wait3A_279 : memref<1x128xi32, #tpu.memory_space<vmem>>)
          "tpu.trace_stop"() : () -> ()
        } else {
        }
        %ne3A_185 = arith.cmpi ne, %add3A_131, %add3A_140 : i32
        %or3A_186 = arith.constant false
        %or3A_187 = arith.ori %or3A_186, %ne3A_185 : i1
        %or3A_188 = arith.constant false
        %or3A_189 = arith.ori %or3A_187, %or3A_188 : i1
        %or3A_190 = arith.ori %or3A_189, %eq3A_128 : i1
        %convert_element_type3A_191 = arith.extui %or3A_190 : i1 to i32
        %cond3A_192 = arith.constant 0 : i32
        %cond3A_193 = arith.cmpi ne, %convert_element_type3A_191, %cond3A_192 : i32
        scf.if %cond3A_193 {
        } else {
        }
        %rem3A_194 = arith.constant 2 : i32
        %rem3A_195 = arith.remui %scan3A_123, %rem3A_194 : i32
        %rem3A_196 = arith.constant 2 : i32
        %rem3A_197 = arith.remui %scan3A_124, %rem3A_196 : i32
        %run_scoped3A_198 = arith.constant 0 : i32
        "tpu.trace_start"() <{level = 10 : i32, message = "ep_run_kernel"}> : () -> ()
        "tpu.region"() ({
          %run_scoped3A_264 = tpu.sem_alloc : memref<!tpu.dma_semaphore, #tpu.memory_space<semaphore_mem>>
          %dma_start3A_265 = arith.constant 0 : i32
          %dma_start3A_266 = arith.constant 0 : i32
          %dma_start3A_267 = tpu.memref_slice %run_scoped3A_8[%rem3A_197, %dma_start3A_265, %dma_start3A_266] : memref<2x128x128xi32, #tpu.memory_space<vmem>> -> memref<1x128x128xi32, #tpu.memory_space<vmem>>
          %dma_start3A_268 = tpu.memref_squeeze %dma_start3A_267 : memref<1x128x128xi32, #tpu.memory_space<vmem>> -> memref<128x128xi32, #tpu.memory_space<vmem>>
          %dma_start3A_269 = arith.constant 0 : i32
          %dma_start3A_270 = arith.constant 0 : i32
          %dma_start3A_271 = tpu.memref_slice %run_scoped3A[%rem3A_195, %dma_start3A_269, %dma_start3A_270] : memref<2x1x128xi32, #tpu.memory_space<vmem>> -> memref<1x1x128xi32, #tpu.memory_space<vmem>>
          %dma_start3A_272 = tpu.memref_squeeze %dma_start3A_271 : memref<1x1x128xi32, #tpu.memory_space<vmem>> -> memref<1x128xi32, #tpu.memory_space<vmem>>
          %dma_start3A_273 = arith.constant 0 : i32
          %dma_start3A_274 = tpu.memref_slice %dma_start3A_272[%run_scoped3A_198, %dma_start3A_273] : memref<1x128xi32, #tpu.memory_space<vmem>> -> memref<1x128xi32, #tpu.memory_space<vmem>>
          %dma_start3A_275 = tpu.memref_squeeze %dma_start3A_274 : memref<1x128xi32, #tpu.memory_space<vmem>> -> memref<128xi32, #tpu.memory_space<vmem>>
          %dma_start3A_276 = arith.constant 0 : i32
          %dma_start3A_277 = arith.constant 0 : i32
          %dma_start3A_278 = tpu.memref_slice %arg2[%dma_start3A_276, %dma_start3A_277] : memref<655360x128xi32, #tpu.memory_space<hbm>> -> memref<655360x128xi32, #tpu.memory_space<hbm>>
          tpu.enqueue_indirect_dma source(%dma_start3A_278 : memref<655360x128xi32, #tpu.memory_space<hbm>>) target(%dma_start3A_268 : memref<128x128xi32, #tpu.memory_space<vmem>>) offsets(%dma_start3A_275 : memref<128xi32, #tpu.memory_space<vmem>>) semaphore(%run_scoped3A_264 : memref<!tpu.dma_semaphore, #tpu.memory_space<semaphore_mem>>)
          %dma_wait3A_279 = arith.constant 0 : i32
          %dma_wait3A_280 = arith.constant 0 : i32
          %dma_wait3A_281 = tpu.memref_slice %run_scoped3A_8[%rem3A_197, %dma_wait3A_279, %dma_wait3A_280] : memref<2x128x128xi32, #tpu.memory_space<vmem>> -> memref<1x128x128xi32, #tpu.memory_space<vmem>>
          %dma_wait3A_282 = tpu.memref_squeeze %dma_wait3A_281 : memref<1x128x128xi32, #tpu.memory_space<vmem>> -> memref<128x128xi32, #tpu.memory_space<vmem>>
          %dma_wait3A_283 = arith.constant 0 : i32
          %dma_wait3A_284 = arith.constant 0 : i32
          %dma_wait3A_285 = tpu.memref_slice %run_scoped3A[%rem3A_195, %dma_wait3A_283, %dma_wait3A_284] : memref<2x1x128xi32, #tpu.memory_space<vmem>> -> memref<1x1x128xi32, #tpu.memory_space<vmem>>
          %dma_wait3A_286 = tpu.memref_squeeze %dma_wait3A_285 : memref<1x1x128xi32, #tpu.memory_space<vmem>> -> memref<1x128xi32, #tpu.memory_space<vmem>>
          %dma_wait3A_287 = arith.constant 0 : i32
          %dma_wait3A_288 = tpu.memref_slice %dma_wait3A_286[%run_scoped3A_198, %dma_wait3A_287] : memref<1x128xi32, #tpu.memory_space<vmem>> -> memref<1x128xi32, #tpu.memory_space<vmem>>
          %dma_wait3A_289 = tpu.memref_squeeze %dma_wait3A_288 : memref<1x128xi32, #tpu.memory_space<vmem>> -> memref<128xi32, #tpu.memory_space<vmem>>
          %dma_wait3A_290 = arith.constant 0 : i32
          %dma_wait3A_291 = arith.constant 0 : i32
          %dma_wait3A_292 = tpu.memref_slice %arg2[%dma_wait3A_290, %dma_wait3A_291] : memref<655360x128xi32, #tpu.memory_space<hbm>> -> memref<655360x128xi32, #tpu.memory_space<hbm>>
          tpu.wait_indirect_dma semaphore(%run_scoped3A_264 : memref<!tpu.dma_semaphore, #tpu.memory_space<semaphore_mem>>) src(%dma_wait3A_292 : memref<655360x128xi32, #tpu.memory_space<hbm>>) dst(%dma_wait3A_282 : memref<128x128xi32, #tpu.memory_space<vmem>>)
          tpu.yield
        }) : () -> ()
        "tpu.trace_stop"() : () -> ()
        %ne3A_199 = arith.cmpi ne, %add3A_131, %add3A_149 : i32
        %or3A_200 = arith.constant false
        %or3A_201 = arith.ori %or3A_200, %ne3A_199 : i1
        %or3A_202 = arith.ori %or3A_201, %eq3A_130 : i1
        %convert_element_type3A_203 = arith.extui %or3A_202 : i1 to i32
        %cond3A_204 = arith.constant 0 : i32
        %cond3A_205 = arith.cmpi ne, %convert_element_type3A_203, %cond3A_204 : i32
        scf.if %cond3A_205 {
        } else {
        }
        %and3A_206 = arith.constant false
        %and3A_207 = arith.andi %or3A_202, %and3A_206 : i1
        %ne3A_208 = arith.cmpi ne, %add3A_131, %add3A_149 : i32
        %or3A_209 = arith.constant false
        %or3A_210 = arith.ori %or3A_209, %ne3A_208 : i1
        %or3A_211 = arith.constant false
        %or3A_212 = arith.ori %or3A_210, %or3A_211 : i1
        %or3A_213 = arith.ori %or3A_212, %eq3A_130 : i1
        %convert_element_type3A_214 = arith.extui %or3A_213 : i1 to i32
        %cond3A_215 = arith.constant 0 : i32
        %cond3A_216 = arith.cmpi ne, %convert_element_type3A_214, %cond3A_215 : i32
        scf.if %cond3A_216 {
          "tpu.trace_start"() <{level = 10 : i32, message = "ep_copy_out"}> : () -> ()
          %rem3A_264 = arith.constant 2 : i32
          %rem3A_265 = arith.remui %scan3A_124, %rem3A_264 : i32
          %mul3A_266 = arith.constant 128 : i32
          %mul3A_267 = arith.muli %mul3A_266, %add3A_131 : i32
          %dma_start3A_268 = arith.constant 0 : i32
          %dma_start3A_269 = arith.constant 0 : i32
          %dma_start3A_270 = tpu.memref_slice %run_scoped3A_8[%rem3A_265, %dma_start3A_268, %dma_start3A_269] : memref<2x128x128xi32, #tpu.memory_space<vmem>> -> memref<1x128x128xi32, #tpu.memory_space<vmem>>
          %dma_start3A_271 = tpu.memref_squeeze %dma_start3A_270 : memref<1x128x128xi32, #tpu.memory_space<vmem>> -> memref<128x128xi32, #tpu.memory_space<vmem>>
          %dma_start3A_272 = arith.constant 0 : i32
          %dma_start3A_273 = tpu.memref_slice %arg4[%mul3A_267, %dma_start3A_272] : memref<106496x128xi32, #tpu.memory_space<hbm>> -> memref<128x128xi32, #tpu.memory_space<hbm>>
          %dma_start3A_274 = tpu.memref_slice %run_scoped3A_9[%rem3A_265] : memref<2x!tpu.dma_semaphore, #tpu.memory_space<semaphore_mem>> -> memref<1x!tpu.dma_semaphore, #tpu.memory_space<semaphore_mem>>
          %dma_start3A_275 = tpu.memref_squeeze %dma_start3A_274 : memref<1x!tpu.dma_semaphore, #tpu.memory_space<semaphore_mem>> -> memref<!tpu.dma_semaphore, #tpu.memory_space<semaphore_mem>>
          %dma_start3A_276 = arith.constant 0 : i32
          %dma_start3A_277 = tpu.memref_slice %arg4[%mul3A_267, %dma_start3A_276] : memref<106496x128xi32, #tpu.memory_space<hbm>> -> memref<128x128xi32, #tpu.memory_space<hbm>>
          %dma_start3A_278 = arith.constant 0 : i32
          %dma_start3A_279 = arith.constant 0 : i32
          %dma_start3A_280 = tpu.memref_slice %run_scoped3A_8[%rem3A_265, %dma_start3A_278, %dma_start3A_279] : memref<2x128x128xi32, #tpu.memory_space<vmem>> -> memref<1x128x128xi32, #tpu.memory_space<vmem>>
          %dma_start3A_281 = tpu.memref_squeeze %dma_start3A_280 : memref<1x128x128xi32, #tpu.memory_space<vmem>> -> memref<128x128xi32, #tpu.memory_space<vmem>>
          tpu.enqueue_dma source(%dma_start3A_281 : memref<128x128xi32, #tpu.memory_space<vmem>>) target(%dma_start3A_277 : memref<128x128xi32, #tpu.memory_space<hbm>>) target_semaphore(%dma_start3A_275 : memref<!tpu.dma_semaphore, #tpu.memory_space<semaphore_mem>>)
          "tpu.trace_stop"() : () -> ()
        } else {
        }
        %and3A_217 = arith.constant true
        %and3A_218 = arith.andi %or3A_213, %and3A_217 : i1
        %add3A_219 = arith.constant 1 : i32
        %add3A_220 = arith.addi %scan3A_124, %add3A_219 : i32
        %select_n3A_221 = arith.select %and3A_218, %add3A_220, %scan3A_124 : i32
        %ne3A_222 = arith.cmpi ne, %add3A_131, %add3A_140 : i32
        %or3A_223 = arith.constant false
        %or3A_224 = arith.ori %or3A_223, %ne3A_222 : i1
        %not3A_225 = arith.constant true
        %not3A_226 = arith.xori %eq3A_128, %not3A_225 : i1
        %and3A_227 = arith.andi %or3A_224, %not3A_226 : i1
        %convert_element_type3A_228 = arith.extui %and3A_227 : i1 to i32
        %cond3A_229 = arith.constant 0 : i32
        %cond3A_230 = arith.cmpi ne, %convert_element_type3A_228, %cond3A_229 : i32
        scf.if %cond3A_230 {
        } else {
        }
        %and3A_231 = arith.constant false
        %and3A_232 = arith.andi %and3A_227, %and3A_231 : i1
        %ne3A_233 = arith.cmpi ne, %add3A_131, %add3A_140 : i32
        %or3A_234 = arith.constant false
        %or3A_235 = arith.ori %or3A_234, %ne3A_233 : i1
        %or3A_236 = arith.constant false
        %or3A_237 = arith.ori %or3A_235, %or3A_236 : i1
        %not3A_238 = arith.constant true
        %not3A_239 = arith.xori %eq3A_128, %not3A_238 : i1
        %and3A_240 = arith.andi %or3A_237, %not3A_239 : i1
        %convert_element_type3A_241 = arith.extui %and3A_240 : i1 to i32
        %cond3A_242 = arith.constant 0 : i32
        %cond3A_243 = arith.cmpi ne, %convert_element_type3A_241, %cond3A_242 : i32
        scf.if %cond3A_243 {
          "tpu.trace_start"() <{level = 10 : i32, message = "ep_wait_out"}> : () -> ()
          %rem3A_264 = arith.constant 2 : i32
          %rem3A_265 = arith.remui %scan3A_125, %rem3A_264 : i32
          %mul3A_266 = arith.constant 128 : i32
          %mul3A_267 = arith.muli %mul3A_266, %add3A_140 : i32
          %dma_wait3A_268 = arith.constant 0 : i32
          %dma_wait3A_269 = arith.constant 0 : i32
          %dma_wait3A_270 = tpu.memref_slice %run_scoped3A_8[%rem3A_265, %dma_wait3A_268, %dma_wait3A_269] : memref<2x128x128xi32, #tpu.memory_space<vmem>> -> memref<1x128x128xi32, #tpu.memory_space<vmem>>
          %dma_wait3A_271 = tpu.memref_squeeze %dma_wait3A_270 : memref<1x128x128xi32, #tpu.memory_space<vmem>> -> memref<128x128xi32, #tpu.memory_space<vmem>>
          %dma_wait3A_272 = arith.constant 0 : i32
          %dma_wait3A_273 = tpu.memref_slice %arg4[%mul3A_267, %dma_wait3A_272] : memref<106496x128xi32, #tpu.memory_space<hbm>> -> memref<128x128xi32, #tpu.memory_space<hbm>>
          %dma_wait3A_274 = tpu.memref_slice %run_scoped3A_9[%rem3A_265] : memref<2x!tpu.dma_semaphore, #tpu.memory_space<semaphore_mem>> -> memref<1x!tpu.dma_semaphore, #tpu.memory_space<semaphore_mem>>
          %dma_wait3A_275 = tpu.memref_squeeze %dma_wait3A_274 : memref<1x!tpu.dma_semaphore, #tpu.memory_space<semaphore_mem>> -> memref<!tpu.dma_semaphore, #tpu.memory_space<semaphore_mem>>
          %dma_wait3A_276 = arith.constant 0 : i32
          %dma_wait3A_277 = tpu.memref_slice %arg4[%mul3A_267, %dma_wait3A_276] : memref<106496x128xi32, #tpu.memory_space<hbm>> -> memref<128x128xi32, #tpu.memory_space<hbm>>
          %dma_wait3A_278 = arith.constant 0 : i32
          %dma_wait3A_279 = arith.constant 0 : i32
          %dma_wait3A_280 = tpu.memref_slice %run_scoped3A_8[%rem3A_265, %dma_wait3A_278, %dma_wait3A_279] : memref<2x128x128xi32, #tpu.memory_space<vmem>> -> memref<1x128x128xi32, #tpu.memory_space<vmem>>
          %dma_wait3A_281 = tpu.memref_squeeze %dma_wait3A_280 : memref<1x128x128xi32, #tpu.memory_space<vmem>> -> memref<128x128xi32, #tpu.memory_space<vmem>>
          tpu.wait_dma2 semaphore(%dma_wait3A_275 : memref<!tpu.dma_semaphore, #tpu.memory_space<semaphore_mem>>) src(%dma_wait3A_281 : memref<128x128xi32, #tpu.memory_space<vmem>>) dst(%dma_wait3A_277 : memref<128x128xi32, #tpu.memory_space<hbm>>)
          "tpu.trace_stop"() : () -> ()
        } else {
        }
        %and3A_244 = arith.constant true
        %and3A_245 = arith.andi %and3A_240, %and3A_244 : i1
        %add3A_246 = arith.constant 1 : i32
        %add3A_247 = arith.addi %scan3A_125, %add3A_246 : i32
        %select_n3A_248 = arith.select %and3A_245, %add3A_247, %scan3A_125 : i32
        %ne3A_249 = arith.cmpi ne, %add3A_131, %add3A_149 : i32
        %or3A_250 = arith.constant false
        %or3A_251 = arith.ori %or3A_250, %ne3A_249 : i1
        %or3A_252 = arith.ori %or3A_251, %eq3A_130 : i1
        %add3A_253 = arith.constant 1 : i32
        %add3A_254 = arith.addi %scan3A_123, %add3A_253 : i32
        %select_n3A_255 = arith.select %or3A_252, %add3A_254, %scan3A_123 : i32
        %add3A_256 = arith.constant 1 : i32
        %add3A_257 = arith.addi %scan3A_126, %add3A_256 : i32
        %select_n3A_258 = arith.constant true
        %select_n3A_259 = arith.select %select_n3A_258, %add3A_257, %scan3A_126 : i32
        %eq3A_260 = arith.constant 26 : i32
        %eq3A_261 = arith.cmpi eq, %select_n3A_259, %eq3A_260 : i32
        %select_n3A_262 = arith.constant 0 : i32
        %select_n3A_263 = arith.select %eq3A_261, %select_n3A_262, %select_n3A_259 : i32
        scf.yield %select_n3A_167, %select_n3A_255, %select_n3A_221, %select_n3A_248, %select_n3A_263 : i32, i32, i32, i32, i32
      }
      %scan3A_68 = arith.constant 26 : i32
      %sub3A = arith.constant 1 : i32
      %sub3A_69 = arith.subi %scan3A_67#4, %sub3A : i32
      %select_n3A_70 = arith.constant true
      %select_n3A_71 = arith.select %select_n3A_70, %sub3A_69, %scan3A_67#4 : i32
      %eq3A_72 = arith.constant -1 : i32
      %eq3A_73 = arith.cmpi eq, %select_n3A_71, %eq3A_72 : i32
      %select_n3A_74 = arith.constant 25 : i32
      %select_n3A_75 = arith.select %eq3A_73, %select_n3A_74, %select_n3A_71 : i32
      %add3A_76 = arith.addi %select_n3A_75, %mul3A_6 : i32
      %sub3A_77 = arith.constant 1 : i32
      %sub3A_78 = arith.subi %select_n3A_75, %sub3A_77 : i32
      %select_n3A_79 = arith.constant true
      %select_n3A_80 = arith.select %select_n3A_79, %sub3A_78, %select_n3A_75 : i32
      %eq3A_81 = arith.constant -1 : i32
      %eq3A_82 = arith.cmpi eq, %select_n3A_80, %eq3A_81 : i32
      %select_n3A_83 = arith.constant 25 : i32
      %select_n3A_84 = arith.select %eq3A_82, %select_n3A_83, %select_n3A_80 : i32
      %add3A_85 = arith.addi %select_n3A_84, %mul3A_6 : i32
      %add3A_86 = arith.constant 1 : i32
      %add3A_87 = arith.addi %select_n3A_75, %add3A_86 : i32
      %select_n3A_88 = arith.constant true
      %select_n3A_89 = arith.select %select_n3A_88, %add3A_87, %select_n3A_75 : i32
      %eq3A_90 = arith.constant 26 : i32
      %eq3A_91 = arith.cmpi eq, %select_n3A_89, %eq3A_90 : i32
      %select_n3A_92 = arith.constant 0 : i32
      %select_n3A_93 = arith.select %eq3A_91, %select_n3A_92, %select_n3A_89 : i32
      %add3A_94 = arith.addi %select_n3A_93, %mul3A_6 : i32
      %add3A_95 = arith.constant 1 : i32
      %add3A_96 = arith.addi %select_n3A_93, %add3A_95 : i32
      %select_n3A_97 = arith.constant true
      %select_n3A_98 = arith.select %select_n3A_97, %add3A_96, %select_n3A_93 : i32
      %eq3A_99 = arith.constant 26 : i32
      %eq3A_100 = arith.cmpi eq, %select_n3A_98, %eq3A_99 : i32
      %select_n3A_101 = arith.constant 0 : i32
      %select_n3A_102 = arith.select %eq3A_100, %select_n3A_101, %select_n3A_98 : i32
      %add3A_103 = arith.addi %select_n3A_102, %mul3A_6 : i32
      "tpu.trace_start"() <{level = 10 : i32, message = "ep_finalize"}> : () -> ()
      %rem3A_104 = arith.constant 2 : i32
      %rem3A_105 = arith.remui %scan3A_67#3, %rem3A_104 : i32
      %mul3A_106 = arith.constant 128 : i32
      %mul3A_107 = arith.muli %mul3A_106, %add3A_76 : i32
      %dma_wait3A = arith.constant 0 : i32
      %dma_wait3A_108 = arith.constant 0 : i32
      %dma_wait3A_109 = tpu.memref_slice %run_scoped3A_8[%rem3A_105, %dma_wait3A, %dma_wait3A_108] : memref<2x128x128xi32, #tpu.memory_space<vmem>> -> memref<1x128x128xi32, #tpu.memory_space<vmem>>
      %dma_wait3A_110 = tpu.memref_squeeze %dma_wait3A_109 : memref<1x128x128xi32, #tpu.memory_space<vmem>> -> memref<128x128xi32, #tpu.memory_space<vmem>>
      %dma_wait3A_111 = arith.constant 0 : i32
      %dma_wait3A_112 = tpu.memref_slice %arg4[%mul3A_107, %dma_wait3A_111] : memref<106496x128xi32, #tpu.memory_space<hbm>> -> memref<128x128xi32, #tpu.memory_space<hbm>>
      %dma_wait3A_113 = tpu.memref_slice %run_scoped3A_9[%rem3A_105] : memref<2x!tpu.dma_semaphore, #tpu.memory_space<semaphore_mem>> -> memref<1x!tpu.dma_semaphore, #tpu.memory_space<semaphore_mem>>
      %dma_wait3A_114 = tpu.memref_squeeze %dma_wait3A_113 : memref<1x!tpu.dma_semaphore, #tpu.memory_space<semaphore_mem>> -> memref<!tpu.dma_semaphore, #tpu.memory_space<semaphore_mem>>
      %dma_wait3A_115 = arith.constant 0 : i32
      %dma_wait3A_116 = tpu.memref_slice %arg4[%mul3A_107, %dma_wait3A_115] : memref<106496x128xi32, #tpu.memory_space<hbm>> -> memref<128x128xi32, #tpu.memory_space<hbm>>
      %dma_wait3A_117 = arith.constant 0 : i32
      %dma_wait3A_118 = arith.constant 0 : i32
      %dma_wait3A_119 = tpu.memref_slice %run_scoped3A_8[%rem3A_105, %dma_wait3A_117, %dma_wait3A_118] : memref<2x128x128xi32, #tpu.memory_space<vmem>> -> memref<1x128x128xi32, #tpu.memory_space<vmem>>
      %dma_wait3A_120 = tpu.memref_squeeze %dma_wait3A_119 : memref<1x128x128xi32, #tpu.memory_space<vmem>> -> memref<128x128xi32, #tpu.memory_space<vmem>>
      tpu.wait_dma2 semaphore(%dma_wait3A_114 : memref<!tpu.dma_semaphore, #tpu.memory_space<semaphore_mem>>) src(%dma_wait3A_120 : memref<128x128xi32, #tpu.memory_space<vmem>>) dst(%dma_wait3A_116 : memref<128x128xi32, #tpu.memory_space<hbm>>)
      "tpu.trace_stop"() : () -> ()
      tpu.yield
    }) : () -> ()
    return
  }
}

#map = affine_map<(d0, d1) -> (0, 0)>
module attributes {stable_mosaic.version = 14 : i64} {
  func.func @gather_kernel(%arg0: i32, %arg1: i32, %arg2: memref<655360x128xi32, #tpu.memory_space<hbm>>, %arg3: memref<1x106496xi32, #tpu.memory_space<hbm>>, %arg4: memref<106496x128xi32, #tpu.memory_space<hbm>>) attributes {dimension_semantics = [#tpu.dimension_semantics<core_parallel>, #tpu.dimension_semantics<subcore_parallel>], iteration_bounds = array<i64: 2, 16>, scalar_prefetch = 0 : i64, scratch_operands = 0 : i64, tpu.core_type = #tpu.core_type<sc_vector_subcore>, window_params = [{transform_indices = #map}, {transform_indices = #map}, {transform_indices = #map}]} {
    %mul3A = arith.constant 1 : i32
    %mul3A_0 = arith.muli %arg1, %mul3A : i32
    %add3A = arith.constant 0 : i32
    %add3A_1 = arith.addi %add3A, %mul3A_0 : i32
    %mul3A_2 = arith.constant 16 : i32
    %mul3A_3 = arith.muli %arg0, %mul3A_2 : i32
    %add3A_4 = arith.addi %add3A_1, %mul3A_3 : i32
    %mul3A_5 = arith.constant 26 : i32
    %mul3A_6 = arith.muli %add3A_4, %mul3A_5 : i32
    "tpu.region"() ({
      %run_scoped3A = memref.alloca() : memref<2x1x128xi32, #tpu.memory_space<vmem>>
      %run_scoped3A_7 = tpu.sem_alloc : memref<2x!tpu.dma_semaphore, #tpu.memory_space<semaphore_mem>>
      %run_scoped3A_8 = memref.alloca() : memref<2x128x128xi32, #tpu.memory_space<vmem>>
      %run_scoped3A_9 = tpu.sem_alloc : memref<2x!tpu.dma_semaphore, #tpu.memory_space<semaphore_mem>>
      %add3A_10 = arith.constant 0 : i32
      %add3A_11 = arith.addi %add3A_10, %mul3A_6 : i32
      %select_n3A = arith.constant true
      %select_n3A_12 = arith.constant 0 : i32
      %select_n3A_13 = arith.constant -1 : i32
      %select_n3A_14 = arith.select %select_n3A, %select_n3A_13, %select_n3A_12 : i32
      %eq3A = arith.constant -1 : i32
      %eq3A_15 = arith.cmpi eq, %select_n3A_14, %eq3A : i32
      %select_n3A_16 = arith.constant 25 : i32
      %select_n3A_17 = arith.select %eq3A_15, %select_n3A_16, %select_n3A_14 : i32
      %add3A_18 = arith.addi %select_n3A_17, %mul3A_6 : i32
      %select_n3A_19 = arith.constant true
      %select_n3A_20 = arith.constant 0 : i32
      %select_n3A_21 = arith.constant 1 : i32
      %select_n3A_22 = arith.select %select_n3A_19, %select_n3A_21, %select_n3A_20 : i32
      %eq3A_23 = arith.constant 26 : i32
      %eq3A_24 = arith.cmpi eq, %select_n3A_22, %eq3A_23 : i32
      %select_n3A_25 = arith.constant 0 : i32
      %select_n3A_26 = arith.select %eq3A_24, %select_n3A_25, %select_n3A_22 : i32
      %add3A_27 = arith.addi %select_n3A_26, %mul3A_6 : i32
      %add3A_28 = arith.constant 1 : i32
      %add3A_29 = arith.addi %select_n3A_26, %add3A_28 : i32
      %select_n3A_30 = arith.constant true
      %select_n3A_31 = arith.select %select_n3A_30, %add3A_29, %select_n3A_26 : i32
      %eq3A_32 = arith.constant 26 : i32
      %eq3A_33 = arith.cmpi eq, %select_n3A_31, %eq3A_32 : i32
      %select_n3A_34 = arith.constant 0 : i32
      %select_n3A_35 = arith.select %eq3A_33, %select_n3A_34, %select_n3A_31 : i32
      %add3A_36 = arith.addi %select_n3A_35, %mul3A_6 : i32
      "tpu.trace_start"() <{level = 10 : i32, message = "ep_initialize_0"}> : () -> ()
      %rem3A = arith.constant 0 : i32
      %rem3A_37 = arith.constant 2 : i32
      %rem3A_38 = arith.remui %rem3A, %rem3A_37 : i32
      %mul3A_39 = arith.constant 128 : i32
      %mul3A_40 = arith.muli %mul3A_39, %add3A_11 : i32
      %dma_start3A = arith.constant 0 : i32
      %dma_start3A_41 = arith.constant 0 : i32
      %dma_start3A_42 = tpu.memref_slice %run_scoped3A[%rem3A_38, %dma_start3A, %dma_start3A_41] : memref<2x1x128xi32, #tpu.memory_space<vmem>> -> memref<1x1x128xi32, #tpu.memory_space<vmem>>
      %dma_start3A_43 = tpu.memref_squeeze %dma_start3A_42 : memref<1x1x128xi32, #tpu.memory_space<vmem>> -> memref<1x128xi32, #tpu.memory_space<vmem>>
      %dma_start3A_44 = arith.constant 0 : i32
      %dma_start3A_45 = tpu.memref_slice %arg3[%dma_start3A_44, %mul3A_40] : memref<1x106496xi32, #tpu.memory_space<hbm>> -> memref<1x128xi32, #tpu.memory_space<hbm>>
      %dma_start3A_46 = tpu.memref_slice %run_scoped3A_7[%rem3A_38] : memref<2x!tpu.dma_semaphore, #tpu.memory_space<semaphore_mem>> -> memref<1x!tpu.dma_semaphore, #tpu.memory_space<semaphore_mem>>
      %dma_start3A_47 = tpu.memref_squeeze %dma_start3A_46 : memref<1x!tpu.dma_semaphore, #tpu.memory_space<semaphore_mem>> -> memref<!tpu.dma_semaphore, #tpu.memory_space<semaphore_mem>>
      %dma_start3A_48 = arith.constant 0 : i32
      %dma_start3A_49 = arith.constant 0 : i32
      %dma_start3A_50 = tpu.memref_slice %run_scoped3A[%rem3A_38, %dma_start3A_48, %dma_start3A_49] : memref<2x1x128xi32, #tpu.memory_space<vmem>> -> memref<1x1x128xi32, #tpu.memory_space<vmem>>
      %dma_start3A_51 = tpu.memref_squeeze %dma_start3A_50 : memref<1x1x128xi32, #tpu.memory_space<vmem>> -> memref<1x128xi32, #tpu.memory_space<vmem>>
      %dma_start3A_52 = arith.constant 0 : i32
      %dma_start3A_53 = tpu.memref_slice %arg3[%dma_start3A_52, %mul3A_40] : memref<1x106496xi32, #tpu.memory_space<hbm>> -> memref<1x128xi32, #tpu.memory_space<hbm>>
      tpu.enqueue_dma source(%dma_start3A_53 : memref<1x128xi32, #tpu.memory_space<hbm>>) target(%dma_start3A_51 : memref<1x128xi32, #tpu.memory_space<vmem>>) target_semaphore(%dma_start3A_47 : memref<!tpu.dma_semaphore, #tpu.memory_space<semaphore_mem>>)
      %add3A_54 = arith.constant 0 : i32
      %add3A_55 = arith.constant 1 : i32
      %add3A_56 = arith.addi %add3A_54, %add3A_55 : i32
      %select_n3A_57 = arith.constant true
      %select_n3A_58 = arith.constant 0 : i32
      %select_n3A_59 = arith.select %select_n3A_57, %add3A_56, %select_n3A_58 : i32
      "tpu.trace_stop"() : () -> ()
      %scan3A = arith.constant 0 : i32
      %scan3A_60 = arith.constant 0 : i32
      %scan3A_61 = arith.constant 0 : i32
      %scan3A_62 = arith.constant 0 : i32
      %scan3A_63 = arith.constant 0 : i32
      %scan3A_64 = arith.constant 26 : i32
      %scan3A_65 = arith.addi %scan3A_63, %scan3A_64 : i32
      %scan3A_66 = arith.constant 1 : i32
      %scan3A_67:5 = scf.for %scan3A_121 = %scan3A_63 to %scan3A_65 step %scan3A_66 iter_args(%scan3A_122 = %select_n3A_59, %scan3A_123 = %scan3A, %scan3A_124 = %scan3A_60, %scan3A_125 = %scan3A_61, %scan3A_126 = %scan3A_62) -> (i32, i32, i32, i32, i32)  : i32 {
        %eq3A_127 = arith.constant 0 : i32
        %eq3A_128 = arith.cmpi eq, %scan3A_121, %eq3A_127 : i32
        %eq3A_129 = arith.constant 25 : i32
        %eq3A_130 = arith.cmpi eq, %scan3A_121, %eq3A_129 : i32
        %add3A_131 = arith.addi %scan3A_126, %mul3A_6 : i32
        %sub3A_132 = arith.constant 1 : i32
        %sub3A_133 = arith.subi %scan3A_126, %sub3A_132 : i32
        %select_n3A_134 = arith.constant true
        %select_n3A_135 = arith.select %select_n3A_134, %sub3A_133, %scan3A_126 : i32
        %eq3A_136 = arith.constant -1 : i32
        %eq3A_137 = arith.cmpi eq, %select_n3A_135, %eq3A_136 : i32
        %select_n3A_138 = arith.constant 25 : i32
        %select_n3A_139 = arith.select %eq3A_137, %select_n3A_138, %select_n3A_135 : i32
        %add3A_140 = arith.addi %select_n3A_139, %mul3A_6 : i32
        %add3A_141 = arith.constant 1 : i32
        %add3A_142 = arith.addi %scan3A_126, %add3A_141 : i32
        %select_n3A_143 = arith.constant true
        %select_n3A_144 = arith.select %select_n3A_143, %add3A_142, %scan3A_126 : i32
        %eq3A_145 = arith.constant 26 : i32
        %eq3A_146 = arith.cmpi eq, %select_n3A_144, %eq3A_145 : i32
        %select_n3A_147 = arith.constant 0 : i32
        %select_n3A_148 = arith.select %eq3A_146, %select_n3A_147, %select_n3A_144 : i32
        %add3A_149 = arith.addi %select_n3A_148, %mul3A_6 : i32
        %add3A_150 = arith.constant 1 : i32
        %add3A_151 = arith.addi %select_n3A_148, %add3A_150 : i32
        %select_n3A_152 = arith.constant true
        %select_n3A_153 = arith.select %select_n3A_152, %add3A_151, %select_n3A_148 : i32
        %eq3A_154 = arith.constant 26 : i32
        %eq3A_155 = arith.cmpi eq, %select_n3A_153, %eq3A_154 : i32
        %select_n3A_156 = arith.constant 0 : i32
        %select_n3A_157 = arith.select %eq3A_155, %select_n3A_156, %select_n3A_153 : i32
        %add3A_158 = arith.addi %select_n3A_157, %mul3A_6 : i32
        %ne3A = arith.cmpi ne, %add3A_131, %add3A_149 : i32
        %or3A = arith.constant false
        %or3A_159 = arith.ori %or3A, %ne3A : i1
        %ge3A = arith.constant 25 : i32
        %ge3A_160 = arith.cmpi sge, %scan3A_121, %ge3A : i32
        %not3A = arith.constant true
        %not3A_161 = arith.xori %ge3A_160, %not3A : i1
        %and3A = arith.andi %or3A_159, %not3A_161 : i1
        %convert_element_type3A = arith.extui %and3A : i1 to i32
        %cond3A = arith.constant 0 : i32
        %cond3A_162 = arith.cmpi ne, %convert_element_type3A, %cond3A : i32
        scf.if %cond3A_162 {
          "tpu.trace_start"() <{level = 10 : i32, message = "ep_copy_in"}> : () -> ()
          %rem3A_264 = arith.constant 2 : i32
          %rem3A_265 = arith.remui %scan3A_122, %rem3A_264 : i32
          %mul3A_266 = arith.constant 128 : i32
          %mul3A_267 = arith.muli %mul3A_266, %add3A_149 : i32
          %dma_start3A_268 = arith.constant 0 : i32
          %dma_start3A_269 = arith.constant 0 : i32
          %dma_start3A_270 = tpu.memref_slice %run_scoped3A[%rem3A_265, %dma_start3A_268, %dma_start3A_269] : memref<2x1x128xi32, #tpu.memory_space<vmem>> -> memref<1x1x128xi32, #tpu.memory_space<vmem>>
          %dma_start3A_271 = tpu.memref_squeeze %dma_start3A_270 : memref<1x1x128xi32, #tpu.memory_space<vmem>> -> memref<1x128xi32, #tpu.memory_space<vmem>>
          %dma_start3A_272 = arith.constant 0 : i32
          %dma_start3A_273 = tpu.memref_slice %arg3[%dma_start3A_272, %mul3A_267] : memref<1x106496xi32, #tpu.memory_space<hbm>> -> memref<1x128xi32, #tpu.memory_space<hbm>>
          %dma_start3A_274 = tpu.memref_slice %run_scoped3A_7[%rem3A_265] : memref<2x!tpu.dma_semaphore, #tpu.memory_space<semaphore_mem>> -> memref<1x!tpu.dma_semaphore, #tpu.memory_space<semaphore_mem>>
          %dma_start3A_275 = tpu.memref_squeeze %dma_start3A_274 : memref<1x!tpu.dma_semaphore, #tpu.memory_space<semaphore_mem>> -> memref<!tpu.dma_semaphore, #tpu.memory_space<semaphore_mem>>
          %dma_start3A_276 = arith.constant 0 : i32
          %dma_start3A_277 = arith.constant 0 : i32
          %dma_start3A_278 = tpu.memref_slice %run_scoped3A[%rem3A_265, %dma_start3A_276, %dma_start3A_277] : memref<2x1x128xi32, #tpu.memory_space<vmem>> -> memref<1x1x128xi32, #tpu.memory_space<vmem>>
          %dma_start3A_279 = tpu.memref_squeeze %dma_start3A_278 : memref<1x1x128xi32, #tpu.memory_space<vmem>> -> memref<1x128xi32, #tpu.memory_space<vmem>>
          %dma_start3A_280 = arith.constant 0 : i32
          %dma_start3A_281 = tpu.memref_slice %arg3[%dma_start3A_280, %mul3A_267] : memref<1x106496xi32, #tpu.memory_space<hbm>> -> memref<1x128xi32, #tpu.memory_space<hbm>>
          tpu.enqueue_dma source(%dma_start3A_281 : memref<1x128xi32, #tpu.memory_space<hbm>>) target(%dma_start3A_279 : memref<1x128xi32, #tpu.memory_space<vmem>>) target_semaphore(%dma_start3A_275 : memref<!tpu.dma_semaphore, #tpu.memory_space<semaphore_mem>>)
          "tpu.trace_stop"() : () -> ()
        } else {
        }
        %and3A_163 = arith.constant true
        %and3A_164 = arith.andi %and3A, %and3A_163 : i1
        %add3A_165 = arith.constant 1 : i32
        %add3A_166 = arith.addi %scan3A_122, %add3A_165 : i32
        %select_n3A_167 = arith.select %and3A_164, %add3A_166, %scan3A_122 : i32
        %ne3A_168 = arith.cmpi ne, %add3A_131, %add3A_149 : i32
        %or3A_169 = arith.constant false
        %or3A_170 = arith.ori %or3A_169, %ne3A_168 : i1
        %or3A_171 = arith.constant false
        %or3A_172 = arith.ori %or3A_170, %or3A_171 : i1
        %ge3A_173 = arith.constant 25 : i32
        %ge3A_174 = arith.cmpi sge, %scan3A_121, %ge3A_173 : i32
        %not3A_175 = arith.constant true
        %not3A_176 = arith.xori %ge3A_174, %not3A_175 : i1
        %and3A_177 = arith.andi %or3A_172, %not3A_176 : i1
        %ne3A_178 = arith.cmpi ne, %add3A_131, %add3A_140 : i32
        %or3A_179 = arith.constant false
        %or3A_180 = arith.ori %or3A_179, %ne3A_178 : i1
        %or3A_181 = arith.ori %or3A_180, %eq3A_128 : i1
        %convert_element_type3A_182 = arith.extui %or3A_181 : i1 to i32
        %cond3A_183 = arith.constant 0 : i32
        %cond3A_184 = arith.cmpi ne, %convert_element_type3A_182, %cond3A_183 : i32
        scf.if %cond3A_184 {
          "tpu.trace_start"() <{level = 10 : i32, message = "ep_wait_in"}> : () -> ()
          %mul3A_264 = arith.constant 128 : i32
          %mul3A_265 = arith.muli %mul3A_264, %add3A_131 : i32
          %rem3A_266 = arith.constant 2 : i32
          %rem3A_267 = arith.remui %scan3A_123, %rem3A_266 : i32
          %dma_wait3A_268 = arith.constant 0 : i32
          %dma_wait3A_269 = arith.constant 0 : i32
          %dma_wait3A_270 = tpu.memref_slice %run_scoped3A[%rem3A_267, %dma_wait3A_268, %dma_wait3A_269] : memref<2x1x128xi32, #tpu.memory_space<vmem>> -> memref<1x1x128xi32, #tpu.memory_space<vmem>>
          %dma_wait3A_271 = tpu.memref_squeeze %dma_wait3A_270 : memref<1x1x128xi32, #tpu.memory_space<vmem>> -> memref<1x128xi32, #tpu.memory_space<vmem>>
          %dma_wait3A_272 = arith.constant 0 : i32
          %dma_wait3A_273 = tpu.memref_slice %arg3[%dma_wait3A_272, %mul3A_265] : memref<1x106496xi32, #tpu.memory_space<hbm>> -> memref<1x128xi32, #tpu.memory_space<hbm>>
          %dma_wait3A_274 = tpu.memref_slice %run_scoped3A_7[%rem3A_267] : memref<2x!tpu.dma_semaphore, #tpu.memory_space<semaphore_mem>> -> memref<1x!tpu.dma_semaphore, #tpu.memory_space<semaphore_mem>>
          %dma_wait3A_275 = tpu.memref_squeeze %dma_wait3A_274 : memref<1x!tpu.dma_semaphore, #tpu.memory_space<semaphore_mem>> -> memref<!tpu.dma_semaphore, #tpu.memory_space<semaphore_mem>>
          %dma_wait3A_276 = arith.constant 0 : i32
          %dma_wait3A_277 = arith.constant 0 : i32
          %dma_wait3A_278 = tpu.memref_slice %run_scoped3A[%rem3A_267, %dma_wait3A_276, %dma_wait3A_277] : memref<2x1x128xi32, #tpu.memory_space<vmem>> -> memref<1x1x128xi32, #tpu.memory_space<vmem>>
          %dma_wait3A_279 = tpu.memref_squeeze %dma_wait3A_278 : memref<1x1x128xi32, #tpu.memory_space<vmem>> -> memref<1x128xi32, #tpu.memory_space<vmem>>
          %dma_wait3A_280 = arith.constant 0 : i32
          %dma_wait3A_281 = tpu.memref_slice %arg3[%dma_wait3A_280, %mul3A_265] : memref<1x106496xi32, #tpu.memory_space<hbm>> -> memref<1x128xi32, #tpu.memory_space<hbm>>
          tpu.wait_dma2 semaphore(%dma_wait3A_275 : memref<!tpu.dma_semaphore, #tpu.memory_space<semaphore_mem>>) src(%dma_wait3A_281 : memref<1x128xi32, #tpu.memory_space<hbm>>) dst(%dma_wait3A_279 : memref<1x128xi32, #tpu.memory_space<vmem>>)
          "tpu.trace_stop"() : () -> ()
        } else {
        }
        %ne3A_185 = arith.cmpi ne, %add3A_131, %add3A_140 : i32
        %or3A_186 = arith.constant false
        %or3A_187 = arith.ori %or3A_186, %ne3A_185 : i1
        %or3A_188 = arith.constant false
        %or3A_189 = arith.ori %or3A_187, %or3A_188 : i1
        %or3A_190 = arith.ori %or3A_189, %eq3A_128 : i1
        %convert_element_type3A_191 = arith.extui %or3A_190 : i1 to i32
        %cond3A_192 = arith.constant 0 : i32
        %cond3A_193 = arith.cmpi ne, %convert_element_type3A_191, %cond3A_192 : i32
        scf.if %cond3A_193 {
        } else {
        }
        %rem3A_194 = arith.constant 2 : i32
        %rem3A_195 = arith.remui %scan3A_123, %rem3A_194 : i32
        %rem3A_196 = arith.constant 2 : i32
        %rem3A_197 = arith.remui %scan3A_124, %rem3A_196 : i32
        %run_scoped3A_198 = arith.constant 0 : i32
        "tpu.trace_start"() <{level = 10 : i32, message = "ep_run_kernel"}> : () -> ()
        "tpu.region"() ({
          %run_scoped3A_264 = tpu.sem_alloc : memref<!tpu.dma_semaphore, #tpu.memory_space<semaphore_mem>>
          %dma_start3A_265 = arith.constant 0 : i32
          %dma_start3A_266 = arith.constant 0 : i32
          %dma_start3A_267 = tpu.memref_slice %run_scoped3A_8[%rem3A_197, %dma_start3A_265, %dma_start3A_266] : memref<2x128x128xi32, #tpu.memory_space<vmem>> -> memref<1x128x128xi32, #tpu.memory_space<vmem>>
          %dma_start3A_268 = tpu.memref_squeeze %dma_start3A_267 : memref<1x128x128xi32, #tpu.memory_space<vmem>> -> memref<128x128xi32, #tpu.memory_space<vmem>>
          %dma_start3A_269 = arith.constant 0 : i32
          %dma_start3A_270 = arith.constant 0 : i32
          %dma_start3A_271 = tpu.memref_slice %run_scoped3A[%rem3A_195, %dma_start3A_269, %dma_start3A_270] : memref<2x1x128xi32, #tpu.memory_space<vmem>> -> memref<1x1x128xi32, #tpu.memory_space<vmem>>
          %dma_start3A_272 = tpu.memref_squeeze %dma_start3A_271 : memref<1x1x128xi32, #tpu.memory_space<vmem>> -> memref<1x128xi32, #tpu.memory_space<vmem>>
          %dma_start3A_273 = arith.constant 0 : i32
          %dma_start3A_274 = tpu.memref_slice %dma_start3A_272[%run_scoped3A_198, %dma_start3A_273] : memref<1x128xi32, #tpu.memory_space<vmem>> -> memref<1x128xi32, #tpu.memory_space<vmem>>
          %dma_start3A_275 = tpu.memref_squeeze %dma_start3A_274 : memref<1x128xi32, #tpu.memory_space<vmem>> -> memref<128xi32, #tpu.memory_space<vmem>>
          %dma_start3A_276 = arith.constant 0 : i32
          %dma_start3A_277 = arith.constant 0 : i32
          %dma_start3A_278 = tpu.memref_slice %arg2[%dma_start3A_276, %dma_start3A_277] : memref<655360x128xi32, #tpu.memory_space<hbm>> -> memref<655360x128xi32, #tpu.memory_space<hbm>>
          tpu.enqueue_indirect_dma source(%dma_start3A_278 : memref<655360x128xi32, #tpu.memory_space<hbm>>) target(%dma_start3A_268 : memref<128x128xi32, #tpu.memory_space<vmem>>) offsets(%dma_start3A_275 : memref<128xi32, #tpu.memory_space<vmem>>) semaphore(%run_scoped3A_264 : memref<!tpu.dma_semaphore, #tpu.memory_space<semaphore_mem>>)
          %dma_wait3A_279 = arith.constant 0 : i32
          %dma_wait3A_280 = arith.constant 0 : i32
          %dma_wait3A_281 = tpu.memref_slice %run_scoped3A_8[%rem3A_197, %dma_wait3A_279, %dma_wait3A_280] : memref<2x128x128xi32, #tpu.memory_space<vmem>> -> memref<1x128x128xi32, #tpu.memory_space<vmem>>
          %dma_wait3A_282 = tpu.memref_squeeze %dma_wait3A_281 : memref<1x128x128xi32, #tpu.memory_space<vmem>> -> memref<128x128xi32, #tpu.memory_space<vmem>>
          %dma_wait3A_283 = arith.constant 0 : i32
          %dma_wait3A_284 = arith.constant 0 : i32
          %dma_wait3A_285 = tpu.memref_slice %run_scoped3A[%rem3A_195, %dma_wait3A_283, %dma_wait3A_284] : memref<2x1x128xi32, #tpu.memory_space<vmem>> -> memref<1x1x128xi32, #tpu.memory_space<vmem>>
          %dma_wait3A_286 = tpu.memref_squeeze %dma_wait3A_285 : memref<1x1x128xi32, #tpu.memory_space<vmem>> -> memref<1x128xi32, #tpu.memory_space<vmem>>
          %dma_wait3A_287 = arith.constant 0 : i32
          %dma_wait3A_288 = tpu.memref_slice %dma_wait3A_286[%run_scoped3A_198, %dma_wait3A_287] : memref<1x128xi32, #tpu.memory_space<vmem>> -> memref<1x128xi32, #tpu.memory_space<vmem>>
          %dma_wait3A_289 = tpu.memref_squeeze %dma_wait3A_288 : memref<1x128xi32, #tpu.memory_space<vmem>> -> memref<128xi32, #tpu.memory_space<vmem>>
          %dma_wait3A_290 = arith.constant 0 : i32
          %dma_wait3A_291 = arith.constant 0 : i32
          %dma_wait3A_292 = tpu.memref_slice %arg2[%dma_wait3A_290, %dma_wait3A_291] : memref<655360x128xi32, #tpu.memory_space<hbm>> -> memref<655360x128xi32, #tpu.memory_space<hbm>>
          tpu.wait_indirect_dma semaphore(%run_scoped3A_264 : memref<!tpu.dma_semaphore, #tpu.memory_space<semaphore_mem>>) src(%dma_wait3A_292 : memref<655360x128xi32, #tpu.memory_space<hbm>>) dst(%dma_wait3A_282 : memref<128x128xi32, #tpu.memory_space<vmem>>)
          tpu.yield
        }) : () -> ()
        "tpu.trace_stop"() : () -> ()
        %ne3A_199 = arith.cmpi ne, %add3A_131, %add3A_149 : i32
        %or3A_200 = arith.constant false
        %or3A_201 = arith.ori %or3A_200, %ne3A_199 : i1
        %or3A_202 = arith.ori %or3A_201, %eq3A_130 : i1
        %convert_element_type3A_203 = arith.extui %or3A_202 : i1 to i32
        %cond3A_204 = arith.constant 0 : i32
        %cond3A_205 = arith.cmpi ne, %convert_element_type3A_203, %cond3A_204 : i32
        scf.if %cond3A_205 {
        } else {
        }
        %and3A_206 = arith.constant false
        %and3A_207 = arith.andi %or3A_202, %and3A_206 : i1
        %ne3A_208 = arith.cmpi ne, %add3A_131, %add3A_149 : i32
        %or3A_209 = arith.constant false
        %or3A_210 = arith.ori %or3A_209, %ne3A_208 : i1
        %or3A_211 = arith.constant false
        %or3A_212 = arith.ori %or3A_210, %or3A_211 : i1
        %or3A_213 = arith.ori %or3A_212, %eq3A_130 : i1
        %convert_element_type3A_214 = arith.extui %or3A_213 : i1 to i32
        %cond3A_215 = arith.constant 0 : i32
        %cond3A_216 = arith.cmpi ne, %convert_element_type3A_214, %cond3A_215 : i32
        scf.if %cond3A_216 {
          "tpu.trace_start"() <{level = 10 : i32, message = "ep_copy_out"}> : () -> ()
          %rem3A_264 = arith.constant 2 : i32
          %rem3A_265 = arith.remui %scan3A_124, %rem3A_264 : i32
          %mul3A_266 = arith.constant 128 : i32
          %mul3A_267 = arith.muli %mul3A_266, %add3A_131 : i32
          %dma_start3A_268 = arith.constant 0 : i32
          %dma_start3A_269 = arith.constant 0 : i32
          %dma_start3A_270 = tpu.memref_slice %run_scoped3A_8[%rem3A_265, %dma_start3A_268, %dma_start3A_269] : memref<2x128x128xi32, #tpu.memory_space<vmem>> -> memref<1x128x128xi32, #tpu.memory_space<vmem>>
          %dma_start3A_271 = tpu.memref_squeeze %dma_start3A_270 : memref<1x128x128xi32, #tpu.memory_space<vmem>> -> memref<128x128xi32, #tpu.memory_space<vmem>>
          %dma_start3A_272 = arith.constant 0 : i32
          %dma_start3A_273 = tpu.memref_slice %arg4[%mul3A_267, %dma_start3A_272] : memref<106496x128xi32, #tpu.memory_space<hbm>> -> memref<128x128xi32, #tpu.memory_space<hbm>>
          %dma_start3A_274 = tpu.memref_slice %run_scoped3A_9[%rem3A_265] : memref<2x!tpu.dma_semaphore, #tpu.memory_space<semaphore_mem>> -> memref<1x!tpu.dma_semaphore, #tpu.memory_space<semaphore_mem>>
          %dma_start3A_275 = tpu.memref_squeeze %dma_start3A_274 : memref<1x!tpu.dma_semaphore, #tpu.memory_space<semaphore_mem>> -> memref<!tpu.dma_semaphore, #tpu.memory_space<semaphore_mem>>
          %dma_start3A_276 = arith.constant 0 : i32
          %dma_start3A_277 = tpu.memref_slice %arg4[%mul3A_267, %dma_start3A_276] : memref<106496x128xi32, #tpu.memory_space<hbm>> -> memref<128x128xi32, #tpu.memory_space<hbm>>
          %dma_start3A_278 = arith.constant 0 : i32
          %dma_start3A_279 = arith.constant 0 : i32
          %dma_start3A_280 = tpu.memref_slice %run_scoped3A_8[%rem3A_265, %dma_start3A_278, %dma_start3A_279] : memref<2x128x128xi32, #tpu.memory_space<vmem>> -> memref<1x128x128xi32, #tpu.memory_space<vmem>>
          %dma_start3A_281 = tpu.memref_squeeze %dma_start3A_280 : memref<1x128x128xi32, #tpu.memory_space<vmem>> -> memref<128x128xi32, #tpu.memory_space<vmem>>
          tpu.enqueue_dma source(%dma_start3A_281 : memref<128x128xi32, #tpu.memory_space<vmem>>) target(%dma_start3A_277 : memref<128x128xi32, #tpu.memory_space<hbm>>) target_semaphore(%dma_start3A_275 : memref<!tpu.dma_semaphore, #tpu.memory_space<semaphore_mem>>)
          "tpu.trace_stop"() : () -> ()
        } else {
        }
        %and3A_217 = arith.constant true
        %and3A_218 = arith.andi %or3A_213, %and3A_217 : i1
        %add3A_219 = arith.constant 1 : i32
        %add3A_220 = arith.addi %scan3A_124, %add3A_219 : i32
        %select_n3A_221 = arith.select %and3A_218, %add3A_220, %scan3A_124 : i32
        %ne3A_222 = arith.cmpi ne, %add3A_131, %add3A_140 : i32
        %or3A_223 = arith.constant false
        %or3A_224 = arith.ori %or3A_223, %ne3A_222 : i1
        %not3A_225 = arith.constant true
        %not3A_226 = arith.xori %eq3A_128, %not3A_225 : i1
        %and3A_227 = arith.andi %or3A_224, %not3A_226 : i1
        %convert_element_type3A_228 = arith.extui %and3A_227 : i1 to i32
        %cond3A_229 = arith.constant 0 : i32
        %cond3A_230 = arith.cmpi ne, %convert_element_type3A_228, %cond3A_229 : i32
        scf.if %cond3A_230 {
        } else {
        }
        %and3A_231 = arith.constant false
        %and3A_232 = arith.andi %and3A_227, %and3A_231 : i1
        %ne3A_233 = arith.cmpi ne, %add3A_131, %add3A_140 : i32
        %or3A_234 = arith.constant false
        %or3A_235 = arith.ori %or3A_234, %ne3A_233 : i1
        %or3A_236 = arith.constant false
        %or3A_237 = arith.ori %or3A_235, %or3A_236 : i1
        %not3A_238 = arith.constant true
        %not3A_239 = arith.xori %eq3A_128, %not3A_238 : i1
        %and3A_240 = arith.andi %or3A_237, %not3A_239 : i1
        %convert_element_type3A_241 = arith.extui %and3A_240 : i1 to i32
        %cond3A_242 = arith.constant 0 : i32
        %cond3A_243 = arith.cmpi ne, %convert_element_type3A_241, %cond3A_242 : i32
        scf.if %cond3A_243 {
          "tpu.trace_start"() <{level = 10 : i32, message = "ep_wait_out"}> : () -> ()
          %rem3A_264 = arith.constant 2 : i32
          %rem3A_265 = arith.remui %scan3A_125, %rem3A_264 : i32
          %mul3A_266 = arith.constant 128 : i32
          %mul3A_267 = arith.muli %mul3A_266, %add3A_140 : i32
          %dma_wait3A_268 = arith.constant 0 : i32
          %dma_wait3A_269 = arith.constant 0 : i32
          %dma_wait3A_270 = tpu.memref_slice %run_scoped3A_8[%rem3A_265, %dma_wait3A_268, %dma_wait3A_269] : memref<2x128x128xi32, #tpu.memory_space<vmem>> -> memref<1x128x128xi32, #tpu.memory_space<vmem>>
          %dma_wait3A_271 = tpu.memref_squeeze %dma_wait3A_270 : memref<1x128x128xi32, #tpu.memory_space<vmem>> -> memref<128x128xi32, #tpu.memory_space<vmem>>
          %dma_wait3A_272 = arith.constant 0 : i32
          %dma_wait3A_273 = tpu.memref_slice %arg4[%mul3A_267, %dma_wait3A_272] : memref<106496x128xi32, #tpu.memory_space<hbm>> -> memref<128x128xi32, #tpu.memory_space<hbm>>
          %dma_wait3A_274 = tpu.memref_slice %run_scoped3A_9[%rem3A_265] : memref<2x!tpu.dma_semaphore, #tpu.memory_space<semaphore_mem>> -> memref<1x!tpu.dma_semaphore, #tpu.memory_space<semaphore_mem>>
          %dma_wait3A_275 = tpu.memref_squeeze %dma_wait3A_274 : memref<1x!tpu.dma_semaphore, #tpu.memory_space<semaphore_mem>> -> memref<!tpu.dma_semaphore, #tpu.memory_space<semaphore_mem>>
          %dma_wait3A_276 = arith.constant 0 : i32
          %dma_wait3A_277 = tpu.memref_slice %arg4[%mul3A_267, %dma_wait3A_276] : memref<106496x128xi32, #tpu.memory_space<hbm>> -> memref<128x128xi32, #tpu.memory_space<hbm>>
          %dma_wait3A_278 = arith.constant 0 : i32
          %dma_wait3A_279 = arith.constant 0 : i32
          %dma_wait3A_280 = tpu.memref_slice %run_scoped3A_8[%rem3A_265, %dma_wait3A_278, %dma_wait3A_279] : memref<2x128x128xi32, #tpu.memory_space<vmem>> -> memref<1x128x128xi32, #tpu.memory_space<vmem>>
          %dma_wait3A_281 = tpu.memref_squeeze %dma_wait3A_280 : memref<1x128x128xi32, #tpu.memory_space<vmem>> -> memref<128x128xi32, #tpu.memory_space<vmem>>
          tpu.wait_dma2 semaphore(%dma_wait3A_275 : memref<!tpu.dma_semaphore, #tpu.memory_space<semaphore_mem>>) src(%dma_wait3A_281 : memref<128x128xi32, #tpu.memory_space<vmem>>) dst(%dma_wait3A_277 : memref<128x128xi32, #tpu.memory_space<hbm>>)
          "tpu.trace_stop"() : () -> ()
        } else {
        }
        %and3A_244 = arith.constant true
        %and3A_245 = arith.andi %and3A_240, %and3A_244 : i1
        %add3A_246 = arith.constant 1 : i32
        %add3A_247 = arith.addi %scan3A_125, %add3A_246 : i32
        %select_n3A_248 = arith.select %and3A_245, %add3A_247, %scan3A_125 : i32
        %ne3A_249 = arith.cmpi ne, %add3A_131, %add3A_149 : i32
        %or3A_250 = arith.constant false
        %or3A_251 = arith.ori %or3A_250, %ne3A_249 : i1
        %or3A_252 = arith.ori %or3A_251, %eq3A_130 : i1
        %add3A_253 = arith.constant 1 : i32
        %add3A_254 = arith.addi %scan3A_123, %add3A_253 : i32
        %select_n3A_255 = arith.select %or3A_252, %add3A_254, %scan3A_123 : i32
        %add3A_256 = arith.constant 1 : i32
        %add3A_257 = arith.addi %scan3A_126, %add3A_256 : i32
        %select_n3A_258 = arith.constant true
        %select_n3A_259 = arith.select %select_n3A_258, %add3A_257, %scan3A_126 : i32
        %eq3A_260 = arith.constant 26 : i32
        %eq3A_261 = arith.cmpi eq, %select_n3A_259, %eq3A_260 : i32
        %select_n3A_262 = arith.constant 0 : i32
        %select_n3A_263 = arith.select %eq3A_261, %select_n3A_262, %select_n3A_259 : i32
        scf.yield %select_n3A_167, %select_n3A_255, %select_n3A_221, %select_n3A_248, %select_n3A_263 : i32, i32, i32, i32, i32
      }
      %scan3A_68 = arith.constant 26 : i32
      %sub3A = arith.constant 1 : i32
      %sub3A_69 = arith.subi %scan3A_67#4, %sub3A : i32
      %select_n3A_70 = arith.constant true
      %select_n3A_71 = arith.select %select_n3A_70, %sub3A_69, %scan3A_67#4 : i32
      %eq3A_72 = arith.constant -1 : i32
      %eq3A_73 = arith.cmpi eq, %select_n3A_71, %eq3A_72 : i32
      %select_n3A_74 = arith.constant 25 : i32
      %select_n3A_75 = arith.select %eq3A_73, %select_n3A_74, %select_n3A_71 : i32
      %add3A_76 = arith.addi %select_n3A_75, %mul3A_6 : i32
      %sub3A_77 = arith.constant 1 : i32
      %sub3A_78 = arith.subi %select_n3A_75, %sub3A_77 : i32
      %select_n3A_79 = arith.constant true
      %select_n3A_80 = arith.select %select_n3A_79, %sub3A_78, %select_n3A_75 : i32
      %eq3A_81 = arith.constant -1 : i32
      %eq3A_82 = arith.cmpi eq, %select_n3A_80, %eq3A_81 : i32
      %select_n3A_83 = arith.constant 25 : i32
      %select_n3A_84 = arith.select %eq3A_82, %select_n3A_83, %select_n3A_80 : i32
      %add3A_85 = arith.addi %select_n3A_84, %mul3A_6 : i32
      %add3A_86 = arith.constant 1 : i32
      %add3A_87 = arith.addi %select_n3A_75, %add3A_86 : i32
      %select_n3A_88 = arith.constant true
      %select_n3A_89 = arith.select %select_n3A_88, %add3A_87, %select_n3A_75 : i32
      %eq3A_90 = arith.constant 26 : i32
      %eq3A_91 = arith.cmpi eq, %select_n3A_89, %eq3A_90 : i32
      %select_n3A_92 = arith.constant 0 : i32
      %select_n3A_93 = arith.select %eq3A_91, %select_n3A_92, %select_n3A_89 : i32
      %add3A_94 = arith.addi %select_n3A_93, %mul3A_6 : i32
      %add3A_95 = arith.constant 1 : i32
      %add3A_96 = arith.addi %select_n3A_93, %add3A_95 : i32
      %select_n3A_97 = arith.constant true
      %select_n3A_98 = arith.select %select_n3A_97, %add3A_96, %select_n3A_93 : i32
      %eq3A_99 = arith.constant 26 : i32
      %eq3A_100 = arith.cmpi eq, %select_n3A_98, %eq3A_99 : i32
      %select_n3A_101 = arith.constant 0 : i32
      %select_n3A_102 = arith.select %eq3A_100, %select_n3A_101, %select_n3A_98 : i32
      %add3A_103 = arith.addi %select_n3A_102, %mul3A_6 : i32
      "tpu.trace_start"() <{level = 10 : i32, message = "ep_finalize"}> : () -> ()
      %rem3A_104 = arith.constant 2 : i32
      %rem3A_105 = arith.remui %scan3A_67#3, %rem3A_104 : i32
      %mul3A_106 = arith.constant 128 : i32
      %mul3A_107 = arith.muli %mul3A_106, %add3A_76 : i32
      %dma_wait3A = arith.constant 0 : i32
      %dma_wait3A_108 = arith.constant 0 : i32
      %dma_wait3A_109 = tpu.memref_slice %run_scoped3A_8[%rem3A_105, %dma_wait3A, %dma_wait3A_108] : memref<2x128x128xi32, #tpu.memory_space<vmem>> -> memref<1x128x128xi32, #tpu.memory_space<vmem>>
      %dma_wait3A_110 = tpu.memref_squeeze %dma_wait3A_109 : memref<1x128x128xi32, #tpu.memory_space<vmem>> -> memref<128x128xi32, #tpu.memory_space<vmem>>
      %dma_wait3A_111 = arith.constant 0 : i32
      %dma_wait3A_112 = tpu.memref_slice %arg4[%mul3A_107, %dma_wait3A_111] : memref<106496x128xi32, #tpu.memory_space<hbm>> -> memref<128x128xi32, #tpu.memory_space<hbm>>
      %dma_wait3A_113 = tpu.memref_slice %run_scoped3A_9[%rem3A_105] : memref<2x!tpu.dma_semaphore, #tpu.memory_space<semaphore_mem>> -> memref<1x!tpu.dma_semaphore, #tpu.memory_space<semaphore_mem>>
      %dma_wait3A_114 = tpu.memref_squeeze %dma_wait3A_113 : memref<1x!tpu.dma_semaphore, #tpu.memory_space<semaphore_mem>> -> memref<!tpu.dma_semaphore, #tpu.memory_space<semaphore_mem>>
      %dma_wait3A_115 = arith.constant 0 : i32
      %dma_wait3A_116 = tpu.memref_slice %arg4[%mul3A_107, %dma_wait3A_115] : memref<106496x128xi32, #tpu.memory_space<hbm>> -> memref<128x128xi32, #tpu.memory_space<hbm>>
      %dma_wait3A_117 = arith.constant 0 : i32
      %dma_wait3A_118 = arith.constant 0 : i32
      %dma_wait3A_119 = tpu.memref_slice %run_scoped3A_8[%rem3A_105, %dma_wait3A_117, %dma_wait3A_118] : memref<2x128x128xi32, #tpu.memory_space<vmem>> -> memref<1x128x128xi32, #tpu.memory_space<vmem>>
      %dma_wait3A_120 = tpu.memref_squeeze %dma_wait3A_119 : memref<1x128x128xi32, #tpu.memory_space<vmem>> -> memref<128x128xi32, #tpu.memory_space<vmem>>
      tpu.wait_dma2 semaphore(%dma_wait3A_114 : memref<!tpu.dma_semaphore, #tpu.memory_space<semaphore_mem>>) src(%dma_wait3A_120 : memref<128x128xi32, #tpu.memory_space<vmem>>) dst(%dma_wait3A_116 : memref<128x128xi32, #tpu.memory_space<hbm>>)
      "tpu.trace_stop"() : () -> ()
      tpu.yield
    }) : () -> ()
    return
  }
}

module attributes {stable_mosaic.version = 14 : i64} {
  func.func @_pack_kernel(%arg0: i32, %arg1: memref<64x8192xf32, #tpu.memory_space<vmem>>, %arg2: memref<64x8192xf32, #tpu.memory_space<vmem>>, %arg3: memref<64x8192xf32, #tpu.memory_space<vmem>>, %arg4: memref<64x8192xf32, #tpu.memory_space<vmem>>, %arg5: memref<8192x128xi32, #tpu.memory_space<vmem>>) attributes {dimension_semantics = [#tpu.dimension_semantics<arbitrary>], iteration_bounds = array<i64: 80>, scalar_prefetch = 0 : i64, scratch_operands = 0 : i64, tpu.core_type = #tpu.core_type<tc>, window_params = [{transform_indices = @transform_0, window_bounds = array<i64: 64, 8192>}, {transform_indices = @transform_1, window_bounds = array<i64: 64, 8192>}, {transform_indices = @transform_2, window_bounds = array<i64: 64, 8192>}, {transform_indices = @transform_3, window_bounds = array<i64: 64, 8192>}, {transform_indices = @transform_4, window_bounds = array<i64: 8192, 128>}]} {
    %get3A = arith.constant 0 : index
    %get3A_0 = arith.constant 0 : index
    %get3A_1 = vector.load %arg1[%get3A, %get3A_0] : memref<64x8192xf32, #tpu.memory_space<vmem>>, vector<64x8192xf32>
    %get3A_2 = arith.constant 0 : index
    %get3A_3 = arith.constant 0 : index
    %get3A_4 = vector.load %arg3[%get3A_2, %get3A_3] : memref<64x8192xf32, #tpu.memory_space<vmem>>, vector<64x8192xf32>
    %concatenate3A = tpu.concatenate %get3A_1, %get3A_4 in 0 : vector<64x8192xf32>, vector<64x8192xf32> -> vector<128x8192xf32>
    %transpose3A = tpu.transpose %concatenate3A, [1, 0] : vector<128x8192xf32> -> vector<8192x128xf32>
    %get3A_5 = arith.constant 0 : index
    %get3A_6 = arith.constant 0 : index
    %get3A_7 = vector.load %arg2[%get3A_5, %get3A_6] : memref<64x8192xf32, #tpu.memory_space<vmem>>, vector<64x8192xf32>
    %get3A_8 = arith.constant 0 : index
    %get3A_9 = arith.constant 0 : index
    %get3A_10 = vector.load %arg4[%get3A_8, %get3A_9] : memref<64x8192xf32, #tpu.memory_space<vmem>>, vector<64x8192xf32>
    %concatenate3A_11 = tpu.concatenate %get3A_7, %get3A_10 in 0 : vector<64x8192xf32>, vector<64x8192xf32> -> vector<128x8192xf32>
    %transpose3A_12 = tpu.transpose %concatenate3A_11, [1, 0] : vector<128x8192xf32> -> vector<8192x128xf32>
    %bitcast_convert_type3A = tpu.bitcast %transpose3A : vector<8192x128xf32> -> vector<8192x128xi32>
    %add3A = arith.constant 32768 : i32
    %add3A_13 = vector.broadcast %add3A : i32 to vector<8192x128xi32>
    %add3A_14 = arith.addi %bitcast_convert_type3A, %add3A_13 : vector<8192x128xi32>
    %bitcast_convert_type3A_15 = tpu.bitcast %transpose3A_12 : vector<8192x128xf32> -> vector<8192x128xi32>
    %add3A_16 = arith.constant 32768 : i32
    %add3A_17 = vector.broadcast %add3A_16 : i32 to vector<8192x128xi32>
    %add3A_18 = arith.addi %bitcast_convert_type3A_15, %add3A_17 : vector<8192x128xi32>
    %shift_right_logical3A = arith.constant 16 : i32
    %shift_right_logical3A_19 = vector.broadcast %shift_right_logical3A : i32 to vector<8192x128xi32>
    %shift_right_logical3A_20 = arith.shrui %add3A_14, %shift_right_logical3A_19 : vector<8192x128xi32>
    %and3A = arith.constant -65536 : i32
    %and3A_21 = vector.broadcast %and3A : i32 to vector<8192x128xi32>
    %and3A_22 = arith.andi %add3A_18, %and3A_21 : vector<8192x128xi32>
    %or3A = arith.ori %shift_right_logical3A_20, %and3A_22 : vector<8192x128xi32>
    %swap3A = arith.constant 0 : index
    %swap3A_23 = arith.constant 0 : index
    %swap3A_24 = vector.load %arg5[%swap3A, %swap3A_23] : memref<8192x128xi32, #tpu.memory_space<vmem>>, vector<8192x128xi32>
    tpu.vector_store %arg5[%swap3A, %swap3A_23], %or3A {strides = array<i32>} : memref<8192x128xi32, #tpu.memory_space<vmem>>, vector<8192x128xi32>,
    return
  }
  func.func @transform_0(%arg0: i32) -> (i32, i32) {
    %add3A = arith.constant 0 : i32
    %add3A_0 = arith.addi %arg0, %add3A : i32
    %min3A = arith.constant 317 : i32
    %min3A_1 = arith.minsi %add3A_0, %min3A : i32
    %c0_i32 = arith.constant 0 : i32
    %c0_i32_2 = arith.constant 0 : i32
    return %c0_i32, %min3A_1 : i32, i32
  }
  func.func @transform_1(%arg0: i32) -> (i32, i32) {
    %add3A = arith.constant 80 : i32
    %add3A_0 = arith.addi %arg0, %add3A : i32
    %min3A = arith.constant 317 : i32
    %min3A_1 = arith.minsi %add3A_0, %min3A : i32
    %c0_i32 = arith.constant 0 : i32
    %c0_i32_2 = arith.constant 0 : i32
    return %c0_i32, %min3A_1 : i32, i32
  }
  func.func @transform_2(%arg0: i32) -> (i32, i32) {
    %add3A = arith.constant 160 : i32
    %add3A_0 = arith.addi %arg0, %add3A : i32
    %min3A = arith.constant 317 : i32
    %min3A_1 = arith.minsi %add3A_0, %min3A : i32
    %c0_i32 = arith.constant 0 : i32
    %c0_i32_2 = arith.constant 0 : i32
    return %c0_i32, %min3A_1 : i32, i32
  }
  func.func @transform_3(%arg0: i32) -> (i32, i32) {
    %add3A = arith.constant 240 : i32
    %add3A_0 = arith.addi %arg0, %add3A : i32
    %min3A = arith.constant 317 : i32
    %min3A_1 = arith.minsi %add3A_0, %min3A : i32
    %c0_i32 = arith.constant 0 : i32
    %c0_i32_2 = arith.constant 0 : i32
    return %c0_i32, %min3A_1 : i32, i32
  }
  func.func @transform_4(%arg0: i32) -> (i32, i32) {
    %c0_i32 = arith.constant 0 : i32
    %c0_i32_0 = arith.constant 0 : i32
    return %arg0, %c0_i32 : i32, i32
  }
}

module attributes {stable_mosaic.version = 14 : i64} {
  func.func @_dense_mlp_kernel(%arg0: i32, %arg1: memref<2048x16xf32, #tpu.memory_space<vmem>>, %arg2: memref<16x512xf32, #tpu.memory_space<vmem>>, %arg3: memref<1x512xf32, #tpu.memory_space<vmem>>, %arg4: memref<512x256xf32, #tpu.memory_space<vmem>>, %arg5: memref<1x256xf32, #tpu.memory_space<vmem>>, %arg6: memref<256x64xf32, #tpu.memory_space<vmem>>, %arg7: memref<1x64xf32, #tpu.memory_space<vmem>>, %arg8: memref<2048x64xf32, #tpu.memory_space<vmem>>) attributes {dimension_semantics = [#tpu.dimension_semantics<arbitrary>], iteration_bounds = array<i64: 8>, scalar_prefetch = 0 : i64, scratch_operands = 0 : i64, tpu.core_type = #tpu.core_type<tc>, window_params = [{transform_indices = @transform_0, window_bounds = array<i64: 2048, 16>}, {pipeline_mode = #tpu.pipeline_mode<synchronous>, transform_indices = @transform_1, window_bounds = array<i64: 16, 512>}, {pipeline_mode = #tpu.pipeline_mode<synchronous>, transform_indices = @transform_2, window_bounds = array<i64: 1, 512>}, {pipeline_mode = #tpu.pipeline_mode<synchronous>, transform_indices = @transform_3, window_bounds = array<i64: 512, 256>}, {pipeline_mode = #tpu.pipeline_mode<synchronous>, transform_indices = @transform_4, window_bounds = array<i64: 1, 256>}, {pipeline_mode = #tpu.pipeline_mode<synchronous>, transform_indices = @transform_5, window_bounds = array<i64: 256, 64>}, {pipeline_mode = #tpu.pipeline_mode<synchronous>, transform_indices = @transform_6, window_bounds = array<i64: 1, 64>}, {transform_indices = @transform_7, window_bounds = array<i64: 2048, 64>}]} {
    %get3A = arith.constant 0 : index
    %get3A_0 = arith.constant 0 : index
    %get3A_1 = vector.load %arg1[%get3A, %get3A_0] : memref<2048x16xf32, #tpu.memory_space<vmem>>, vector<2048x16xf32>
    %get3A_2 = arith.constant 0 : index
    %get3A_3 = arith.constant 0 : index
    %get3A_4 = vector.load %arg2[%get3A_2, %get3A_3] : memref<16x512xf32, #tpu.memory_space<vmem>>, vector<16x512xf32>
    %dot_general3A = arith.constant dense<0.000000e+00> : vector<2048x512xf32>
    %dot_general3A_5 = tpu.matmul %get3A_1, %get3A_4, %dot_general3A {dimension_numbers = #tpu.dot_dimension_numbers<[1], [0], [0], [1], [0, 0, 1, 1], [], []>, transpose_lhs_hint = false} : vector<2048x16xf32>, vector<16x512xf32>, vector<2048x512xf32> -> vector<2048x512xf32>
    %get3A_6 = arith.constant 0 : index
    %get3A_7 = arith.constant 0 : index
    %get3A_8 = vector.load %arg3[%get3A_6, %get3A_7] : memref<1x512xf32, #tpu.memory_space<vmem>>, vector<1x512xf32>
    %add3A = vector.broadcast %get3A_8 : vector<1x512xf32> to vector<2048x512xf32>
    %add3A_9 = arith.addf %dot_general3A_5, %add3A : vector<2048x512xf32>
    %max3A = arith.constant 0.000000e+00 : f32
    %max3A_10 = vector.broadcast %max3A : f32 to vector<2048x512xf32>
    %max3A_11 = arith.maximumf %add3A_9, %max3A_10 : vector<2048x512xf32>
    %get3A_12 = arith.constant 0 : index
    %get3A_13 = arith.constant 0 : index
    %get3A_14 = vector.load %arg4[%get3A_12, %get3A_13] : memref<512x256xf32, #tpu.memory_space<vmem>>, vector<512x256xf32>
    %dot_general3A_15 = arith.constant dense<0.000000e+00> : vector<2048x256xf32>
    %dot_general3A_16 = tpu.matmul %max3A_11, %get3A_14, %dot_general3A_15 {dimension_numbers = #tpu.dot_dimension_numbers<[1], [0], [0], [1], [0, 0, 1, 1], [], []>, transpose_lhs_hint = false} : vector<2048x512xf32>, vector<512x256xf32>, vector<2048x256xf32> -> vector<2048x256xf32>
    %get3A_17 = arith.constant 0 : index
    %get3A_18 = arith.constant 0 : index
    %get3A_19 = vector.load %arg5[%get3A_17, %get3A_18] : memref<1x256xf32, #tpu.memory_space<vmem>>, vector<1x256xf32>
    %add3A_20 = vector.broadcast %get3A_19 : vector<1x256xf32> to vector<2048x256xf32>
    %add3A_21 = arith.addf %dot_general3A_16, %add3A_20 : vector<2048x256xf32>
    %max3A_22 = arith.constant 0.000000e+00 : f32
    %max3A_23 = vector.broadcast %max3A_22 : f32 to vector<2048x256xf32>
    %max3A_24 = arith.maximumf %add3A_21, %max3A_23 : vector<2048x256xf32>
    %get3A_25 = arith.constant 0 : index
    %get3A_26 = arith.constant 0 : index
    %get3A_27 = vector.load %arg6[%get3A_25, %get3A_26] : memref<256x64xf32, #tpu.memory_space<vmem>>, vector<256x64xf32>
    %dot_general3A_28 = arith.constant dense<0.000000e+00> : vector<2048x64xf32>
    %dot_general3A_29 = tpu.matmul %max3A_24, %get3A_27, %dot_general3A_28 {dimension_numbers = #tpu.dot_dimension_numbers<[1], [0], [0], [1], [0, 0, 1, 1], [], []>, transpose_lhs_hint = false} : vector<2048x256xf32>, vector<256x64xf32>, vector<2048x64xf32> -> vector<2048x64xf32>
    %get3A_30 = arith.constant 0 : index
    %get3A_31 = arith.constant 0 : index
    %get3A_32 = vector.load %arg7[%get3A_30, %get3A_31] : memref<1x64xf32, #tpu.memory_space<vmem>>, vector<1x64xf32>
    %add3A_33 = vector.broadcast %get3A_32 : vector<1x64xf32> to vector<2048x64xf32>
    %add3A_34 = arith.addf %dot_general3A_29, %add3A_33 : vector<2048x64xf32>
    %max3A_35 = arith.constant 0.000000e+00 : f32
    %max3A_36 = vector.broadcast %max3A_35 : f32 to vector<2048x64xf32>
    %max3A_37 = arith.maximumf %add3A_34, %max3A_36 : vector<2048x64xf32>
    %swap3A = arith.constant 0 : index
    %swap3A_38 = arith.constant 0 : index
    %swap3A_39 = vector.load %arg8[%swap3A, %swap3A_38] : memref<2048x64xf32, #tpu.memory_space<vmem>>, vector<2048x64xf32>
    tpu.vector_store %arg8[%swap3A, %swap3A_38], %max3A_37 {strides = array<i32>} : memref<2048x64xf32, #tpu.memory_space<vmem>>, vector<2048x64xf32>,
    return
  }
  func.func @transform_0(%arg0: i32) -> (i32, i32) {
    %c0_i32 = arith.constant 0 : i32
    %c0_i32_0 = arith.constant 0 : i32
    return %arg0, %c0_i32 : i32, i32
  }
  func.func @transform_1(%arg0: i32) -> (i32, i32) {
    %c0_i32 = arith.constant 0 : i32
    %c0_i32_0 = arith.constant 0 : i32
    %c0_i32_1 = arith.constant 0 : i32
    return %c0_i32, %c0_i32_0 : i32, i32
  }
  func.func @transform_2(%arg0: i32) -> (i32, i32) {
    %c0_i32 = arith.constant 0 : i32
    %c0_i32_0 = arith.constant 0 : i32
    %c0_i32_1 = arith.constant 0 : i32
    return %c0_i32, %c0_i32_0 : i32, i32
  }
  func.func @transform_3(%arg0: i32) -> (i32, i32) {
    %c0_i32 = arith.constant 0 : i32
    %c0_i32_0 = arith.constant 0 : i32
    %c0_i32_1 = arith.constant 0 : i32
    return %c0_i32, %c0_i32_0 : i32, i32
  }
  func.func @transform_4(%arg0: i32) -> (i32, i32) {
    %c0_i32 = arith.constant 0 : i32
    %c0_i32_0 = arith.constant 0 : i32
    %c0_i32_1 = arith.constant 0 : i32
    return %c0_i32, %c0_i32_0 : i32, i32
  }
  func.func @transform_5(%arg0: i32) -> (i32, i32) {
    %c0_i32 = arith.constant 0 : i32
    %c0_i32_0 = arith.constant 0 : i32
    %c0_i32_1 = arith.constant 0 : i32
    return %c0_i32, %c0_i32_0 : i32, i32
  }
  func.func @transform_6(%arg0: i32) -> (i32, i32) {
    %c0_i32 = arith.constant 0 : i32
    %c0_i32_0 = arith.constant 0 : i32
    %c0_i32_1 = arith.constant 0 : i32
    return %c0_i32, %c0_i32_0 : i32, i32
  }
  func.func @transform_7(%arg0: i32) -> (i32, i32) {
    %c0_i32 = arith.constant 0 : i32
    %c0_i32_0 = arith.constant 0 : i32
    return %arg0, %c0_i32 : i32, i32
  }
}

module attributes {stable_mosaic.version = 14 : i64} {
  func.func @_main_kernel(%arg0: i32, %arg1: memref<13312x128xi32, #tpu.memory_space<vmem>>, %arg2: memref<13312xi32, #tpu.memory_space<vmem>>, %arg3: memref<512x64xf32, #tpu.memory_space<vmem>>, %arg4: memref<416x1024xf32, #tpu.memory_space<vmem>>, %arg5: memref<1x1024xf32, #tpu.memory_space<vmem>>, %arg6: memref<1024x1024xf32, #tpu.memory_space<vmem>>, %arg7: memref<1x1024xf32, #tpu.memory_space<vmem>>, %arg8: memref<1024x512xf32, #tpu.memory_space<vmem>>, %arg9: memref<1x512xf32, #tpu.memory_space<vmem>>, %arg10: memref<512x256xf32, #tpu.memory_space<vmem>>, %arg11: memref<1x256xf32, #tpu.memory_space<vmem>>, %arg12: memref<256x1xf32, #tpu.memory_space<vmem>>, %arg13: memref<1x1xf32, #tpu.memory_space<vmem>>, %arg14: memref<512x1xf32, #tpu.memory_space<vmem>>) attributes {dimension_semantics = [#tpu.dimension_semantics<arbitrary>], iteration_bounds = array<i64: 8>, scalar_prefetch = 0 : i64, scratch_operands = 0 : i64, tpu.core_type = #tpu.core_type<tc>, window_params = [{transform_indices = @transform_0, window_bounds = array<i64: 13312, 128>}, {transform_indices = @transform_1, window_bounds = array<i64: 13312>}, {transform_indices = @transform_2, window_bounds = array<i64: 512, 64>}, {pipeline_mode = #tpu.pipeline_mode<synchronous>, transform_indices = @transform_3, window_bounds = array<i64: 416, 1024>}, {pipeline_mode = #tpu.pipeline_mode<synchronous>, transform_indices = @transform_4, window_bounds = array<i64: 1, 1024>}, {pipeline_mode = #tpu.pipeline_mode<synchronous>, transform_indices = @transform_5, window_bounds = array<i64: 1024, 1024>}, {pipeline_mode = #tpu.pipeline_mode<synchronous>, transform_indices = @transform_6, window_bounds = array<i64: 1, 1024>}, {pipeline_mode = #tpu.pipeline_mode<synchronous>, transform_indices = @transform_7, window_bounds = array<i64: 1024, 512>}, {pipeline_mode = #tpu.pipeline_mode<synchronous>, transform_indices = @transform_8, window_bounds = array<i64: 1, 512>}, {pipeline_mode = #tpu.pipeline_mode<synchronous>, transform_indices = @transform_9, window_bounds = array<i64: 512, 256>}, {pipeline_mode = #tpu.pipeline_mode<synchronous>, transform_indices = @transform_10, window_bounds = array<i64: 1, 256>}, {pipeline_mode = #tpu.pipeline_mode<synchronous>, transform_indices = @transform_11, window_bounds = array<i64: 256, 1>}, {pipeline_mode = #tpu.pipeline_mode<synchronous>, transform_indices = @transform_12, window_bounds = array<i64: 1, 1>}, {transform_indices = @transform_13, window_bounds = array<i64: 512, 1>}]} {
    %get3A = arith.constant 0 : index
    %get3A_0 = arith.constant 0 : index
    %get3A_1 = vector.load %arg1[%get3A, %get3A_0] : memref<13312x128xi32, #tpu.memory_space<vmem>>, vector<13312x128xi32>
    %get3A_2 = arith.constant 0 : index
    %get3A_3 = vector.load %arg2[%get3A_2] : memref<13312xi32, #tpu.memory_space<vmem>>, vector<13312xi32>
    %slice3A = vector.extract_strided_slice %get3A_1 {offsets = [0, 0], sizes = [13312, 64], strides = [1, 1]} : vector<13312x128xi32> to vector<13312x64xi32>
    %slice3A_4 = vector.extract_strided_slice %get3A_1 {offsets = [0, 64], sizes = [13312, 64], strides = [1, 1]} : vector<13312x128xi32> to vector<13312x64xi32>
    %broadcast_in_dim3A = vector.shape_cast %get3A_3 : vector<13312xi32> to vector<13312x1xi32>
    %ge3A = arith.constant 2 : i32
    %ge3A_5 = vector.broadcast %ge3A : i32 to vector<13312x1xi32>
    %ge3A_6 = arith.cmpi sge, %broadcast_in_dim3A, %ge3A_5 : vector<13312x1xi32>
    %broadcast_in_dim3A_7 = vector.shape_cast %ge3A_6 : vector<13312x1xi1> to vector<13312x1xi1>
    %broadcast_in_dim3A_8 = vector.broadcast %broadcast_in_dim3A_7 : vector<13312x1xi1> to vector<13312x64xi1>
    %select_n3A = arith.select %broadcast_in_dim3A_8, %slice3A_4, %slice3A : vector<13312x64xi1>, vector<13312x64xi32>
    %and3A = arith.constant 1 : i32
    %and3A_9 = vector.broadcast %and3A : i32 to vector<13312x1xi32>
    %and3A_10 = arith.andi %broadcast_in_dim3A, %and3A_9 : vector<13312x1xi32>
    %eq3A = arith.constant 1 : i32
    %eq3A_11 = vector.broadcast %eq3A : i32 to vector<13312x1xi32>
    %eq3A_12 = arith.cmpi eq, %and3A_10, %eq3A_11 : vector<13312x1xi32>
    %and3A_13 = arith.constant -65536 : i32
    %and3A_14 = vector.broadcast %and3A_13 : i32 to vector<13312x64xi32>
    %and3A_15 = arith.andi %select_n3A, %and3A_14 : vector<13312x64xi32>
    %shift_left3A = arith.constant 16 : i32
    %shift_left3A_16 = vector.broadcast %shift_left3A : i32 to vector<13312x64xi32>
    %shift_left3A_17 = arith.shli %select_n3A, %shift_left3A_16 : vector<13312x64xi32>
    %broadcast_in_dim3A_18 = vector.shape_cast %eq3A_12 : vector<13312x1xi1> to vector<13312x1xi1>
    %broadcast_in_dim3A_19 = vector.broadcast %broadcast_in_dim3A_18 : vector<13312x1xi1> to vector<13312x64xi1>
    %select_n3A_20 = arith.select %broadcast_in_dim3A_19, %and3A_15, %shift_left3A_17 : vector<13312x64xi1>, vector<13312x64xi32>
    %bitcast_convert_type3A = tpu.bitcast %select_n3A_20 : vector<13312x64xi32> -> vector<13312x64xf32>
    %get3A_21 = arith.constant 0 : index
    %get3A_22 = arith.constant 0 : index
    %get3A_23 = vector.load %arg3[%get3A_21, %get3A_22] : memref<512x64xf32, #tpu.memory_space<vmem>>, vector<512x64xf32>
    %broadcast_in_dim3A_24 = vector.shape_cast %get3A_23 : vector<512x64xf32> to vector<512x1x64xf32>
    %reshape3A = vector.shape_cast %bitcast_convert_type3A : vector<13312x64xf32> to vector<512x26x64xf32>
    %concatenate3A = tpu.concatenate %broadcast_in_dim3A_24, %reshape3A in 1 : vector<512x1x64xf32>, vector<512x26x64xf32> -> vector<512x27x64xf32>
    %dot_general3A = arith.constant dense<0.000000e+00> : vector<512x27x27xf32>
    %dot_general3A_25 = tpu.matmul %concatenate3A, %concatenate3A, %dot_general3A {dimension_numbers = #tpu.dot_dimension_numbers<[2], [2], [1], [1], [0, 0, 0, 1, 1, 1], [0], [0]>, transpose_lhs_hint = false} : vector<512x27x64xf32>, vector<512x27x64xf32>, vector<512x27x27xf32> -> vector<512x27x27xf32>
    %slice3A_26 = vector.extract_strided_slice %dot_general3A_25 {offsets = [0, 1, 0], sizes = [512, 1, 1], strides = [1, 1, 1]} : vector<512x27x27xf32> to vector<512x1x1xf32>
    %squeeze3A = vector.shape_cast %slice3A_26 : vector<512x1x1xf32> to vector<512x1xf32>
    %slice3A_27 = vector.extract_strided_slice %dot_general3A_25 {offsets = [0, 2, 0], sizes = [512, 1, 2], strides = [1, 1, 1]} : vector<512x27x27xf32> to vector<512x1x2xf32>
    %squeeze3A_28 = vector.shape_cast %slice3A_27 : vector<512x1x2xf32> to vector<512x2xf32>
    %slice3A_29 = vector.extract_strided_slice %dot_general3A_25 {offsets = [0, 3, 0], sizes = [512, 1, 3], strides = [1, 1, 1]} : vector<512x27x27xf32> to vector<512x1x3xf32>
    %squeeze3A_30 = vector.shape_cast %slice3A_29 : vector<512x1x3xf32> to vector<512x3xf32>
    %slice3A_31 = vector.extract_strided_slice %dot_general3A_25 {offsets = [0, 4, 0], sizes = [512, 1, 4], strides = [1, 1, 1]} : vector<512x27x27xf32> to vector<512x1x4xf32>
    %squeeze3A_32 = vector.shape_cast %slice3A_31 : vector<512x1x4xf32> to vector<512x4xf32>
    %slice3A_33 = vector.extract_strided_slice %dot_general3A_25 {offsets = [0, 5, 0], sizes = [512, 1, 5], strides = [1, 1, 1]} : vector<512x27x27xf32> to vector<512x1x5xf32>
    %squeeze3A_34 = vector.shape_cast %slice3A_33 : vector<512x1x5xf32> to vector<512x5xf32>
    %slice3A_35 = vector.extract_strided_slice %dot_general3A_25 {offsets = [0, 6, 0], sizes = [512, 1, 6], strides = [1, 1, 1]} : vector<512x27x27xf32> to vector<512x1x6xf32>
    %squeeze3A_36 = vector.shape_cast %slice3A_35 : vector<512x1x6xf32> to vector<512x6xf32>
    %slice3A_37 = vector.extract_strided_slice %dot_general3A_25 {offsets = [0, 7, 0], sizes = [512, 1, 7], strides = [1, 1, 1]} : vector<512x27x27xf32> to vector<512x1x7xf32>
    %squeeze3A_38 = vector.shape_cast %slice3A_37 : vector<512x1x7xf32> to vector<512x7xf32>
    %slice3A_39 = vector.extract_strided_slice %dot_general3A_25 {offsets = [0, 8, 0], sizes = [512, 1, 8], strides = [1, 1, 1]} : vector<512x27x27xf32> to vector<512x1x8xf32>
    %squeeze3A_40 = vector.shape_cast %slice3A_39 : vector<512x1x8xf32> to vector<512x8xf32>
    %slice3A_41 = vector.extract_strided_slice %dot_general3A_25 {offsets = [0, 9, 0], sizes = [512, 1, 9], strides = [1, 1, 1]} : vector<512x27x27xf32> to vector<512x1x9xf32>
    %squeeze3A_42 = vector.shape_cast %slice3A_41 : vector<512x1x9xf32> to vector<512x9xf32>
    %slice3A_43 = vector.extract_strided_slice %dot_general3A_25 {offsets = [0, 10, 0], sizes = [512, 1, 10], strides = [1, 1, 1]} : vector<512x27x27xf32> to vector<512x1x10xf32>
    %squeeze3A_44 = vector.shape_cast %slice3A_43 : vector<512x1x10xf32> to vector<512x10xf32>
    %slice3A_45 = vector.extract_strided_slice %dot_general3A_25 {offsets = [0, 11, 0], sizes = [512, 1, 11], strides = [1, 1, 1]} : vector<512x27x27xf32> to vector<512x1x11xf32>
    %squeeze3A_46 = vector.shape_cast %slice3A_45 : vector<512x1x11xf32> to vector<512x11xf32>
    %slice3A_47 = vector.extract_strided_slice %dot_general3A_25 {offsets = [0, 12, 0], sizes = [512, 1, 12], strides = [1, 1, 1]} : vector<512x27x27xf32> to vector<512x1x12xf32>
    %squeeze3A_48 = vector.shape_cast %slice3A_47 : vector<512x1x12xf32> to vector<512x12xf32>
    %slice3A_49 = vector.extract_strided_slice %dot_general3A_25 {offsets = [0, 13, 0], sizes = [512, 1, 13], strides = [1, 1, 1]} : vector<512x27x27xf32> to vector<512x1x13xf32>
    %squeeze3A_50 = vector.shape_cast %slice3A_49 : vector<512x1x13xf32> to vector<512x13xf32>
    %slice3A_51 = vector.extract_strided_slice %dot_general3A_25 {offsets = [0, 14, 0], sizes = [512, 1, 14], strides = [1, 1, 1]} : vector<512x27x27xf32> to vector<512x1x14xf32>
    %squeeze3A_52 = vector.shape_cast %slice3A_51 : vector<512x1x14xf32> to vector<512x14xf32>
    %slice3A_53 = vector.extract_strided_slice %dot_general3A_25 {offsets = [0, 15, 0], sizes = [512, 1, 15], strides = [1, 1, 1]} : vector<512x27x27xf32> to vector<512x1x15xf32>
    %squeeze3A_54 = vector.shape_cast %slice3A_53 : vector<512x1x15xf32> to vector<512x15xf32>
    %slice3A_55 = vector.extract_strided_slice %dot_general3A_25 {offsets = [0, 16, 0], sizes = [512, 1, 16], strides = [1, 1, 1]} : vector<512x27x27xf32> to vector<512x1x16xf32>
    %squeeze3A_56 = vector.shape_cast %slice3A_55 : vector<512x1x16xf32> to vector<512x16xf32>
    %slice3A_57 = vector.extract_strided_slice %dot_general3A_25 {offsets = [0, 17, 0], sizes = [512, 1, 17], strides = [1, 1, 1]} : vector<512x27x27xf32> to vector<512x1x17xf32>
    %squeeze3A_58 = vector.shape_cast %slice3A_57 : vector<512x1x17xf32> to vector<512x17xf32>
    %slice3A_59 = vector.extract_strided_slice %dot_general3A_25 {offsets = [0, 18, 0], sizes = [512, 1, 18], strides = [1, 1, 1]} : vector<512x27x27xf32> to vector<512x1x18xf32>
    %squeeze3A_60 = vector.shape_cast %slice3A_59 : vector<512x1x18xf32> to vector<512x18xf32>
    %slice3A_61 = vector.extract_strided_slice %dot_general3A_25 {offsets = [0, 19, 0], sizes = [512, 1, 19], strides = [1, 1, 1]} : vector<512x27x27xf32> to vector<512x1x19xf32>
    %squeeze3A_62 = vector.shape_cast %slice3A_61 : vector<512x1x19xf32> to vector<512x19xf32>
    %slice3A_63 = vector.extract_strided_slice %dot_general3A_25 {offsets = [0, 20, 0], sizes = [512, 1, 20], strides = [1, 1, 1]} : vector<512x27x27xf32> to vector<512x1x20xf32>
    %squeeze3A_64 = vector.shape_cast %slice3A_63 : vector<512x1x20xf32> to vector<512x20xf32>
    %slice3A_65 = vector.extract_strided_slice %dot_general3A_25 {offsets = [0, 21, 0], sizes = [512, 1, 21], strides = [1, 1, 1]} : vector<512x27x27xf32> to vector<512x1x21xf32>
    %squeeze3A_66 = vector.shape_cast %slice3A_65 : vector<512x1x21xf32> to vector<512x21xf32>
    %slice3A_67 = vector.extract_strided_slice %dot_general3A_25 {offsets = [0, 22, 0], sizes = [512, 1, 22], strides = [1, 1, 1]} : vector<512x27x27xf32> to vector<512x1x22xf32>
    %squeeze3A_68 = vector.shape_cast %slice3A_67 : vector<512x1x22xf32> to vector<512x22xf32>
    %slice3A_69 = vector.extract_strided_slice %dot_general3A_25 {offsets = [0, 23, 0], sizes = [512, 1, 23], strides = [1, 1, 1]} : vector<512x27x27xf32> to vector<512x1x23xf32>
    %squeeze3A_70 = vector.shape_cast %slice3A_69 : vector<512x1x23xf32> to vector<512x23xf32>
    %slice3A_71 = vector.extract_strided_slice %dot_general3A_25 {offsets = [0, 24, 0], sizes = [512, 1, 24], strides = [1, 1, 1]} : vector<512x27x27xf32> to vector<512x1x24xf32>
    %squeeze3A_72 = vector.shape_cast %slice3A_71 : vector<512x1x24xf32> to vector<512x24xf32>
    %slice3A_73 = vector.extract_strided_slice %dot_general3A_25 {offsets = [0, 25, 0], sizes = [512, 1, 25], strides = [1, 1, 1]} : vector<512x27x27xf32> to vector<512x1x25xf32>
    %squeeze3A_74 = vector.shape_cast %slice3A_73 : vector<512x1x25xf32> to vector<512x25xf32>
    %slice3A_75 = vector.extract_strided_slice %dot_general3A_25 {offsets = [0, 26, 0], sizes = [512, 1, 26], strides = [1, 1, 1]} : vector<512x27x27xf32> to vector<512x1x26xf32>
    %squeeze3A_76 = vector.shape_cast %slice3A_75 : vector<512x1x26xf32> to vector<512x26xf32>
    %broadcast_in_dim3A_77 = arith.constant 0.000000e+00 : f32
    %broadcast_in_dim3A_78 = vector.broadcast %broadcast_in_dim3A_77 : f32 to vector<512x1xf32>
    %concatenate3A_79 = tpu.concatenate %get3A_23, %squeeze3A, %squeeze3A_28, %squeeze3A_30, %squeeze3A_32, %squeeze3A_34, %squeeze3A_36, %squeeze3A_38, %squeeze3A_40, %squeeze3A_42, %squeeze3A_44, %squeeze3A_46, %squeeze3A_48, %squeeze3A_50, %squeeze3A_52, %squeeze3A_54, %squeeze3A_56, %squeeze3A_58, %squeeze3A_60, %squeeze3A_62, %squeeze3A_64, %squeeze3A_66, %squeeze3A_68, %squeeze3A_70, %squeeze3A_72, %squeeze3A_74, %squeeze3A_76, %broadcast_in_dim3A_78 in 1 : vector<512x64xf32>, vector<512x1xf32>, vector<512x2xf32>, vector<512x3xf32>, vector<512x4xf32>, vector<512x5xf32>, vector<512x6xf32>, vector<512x7xf32>, vector<512x8xf32>, vector<512x9xf32>, vector<512x10xf32>, vector<512x11xf32>, vector<512x12xf32>, vector<512x13xf32>, vector<512x14xf32>, vector<512x15xf32>, vector<512x16xf32>, vector<512x17xf32>, vector<512x18xf32>, vector<512x19xf32>, vector<512x20xf32>, vector<512x21xf32>, vector<512x22xf32>, vector<512x23xf32>, vector<512x24xf32>, vector<512x25xf32>, vector<512x26xf32>, vector<512x1xf32> -> vector<512x416xf32>
    %get3A_80 = arith.constant 0 : index
    %get3A_81 = arith.constant 0 : index
    %get3A_82 = vector.load %arg4[%get3A_80, %get3A_81] : memref<416x1024xf32, #tpu.memory_space<vmem>>, vector<416x1024xf32>
    %dot_general3A_83 = arith.constant dense<0.000000e+00> : vector<512x1024xf32>
    %dot_general3A_84 = tpu.matmul %concatenate3A_79, %get3A_82, %dot_general3A_83 {dimension_numbers = #tpu.dot_dimension_numbers<[1], [0], [0], [1], [0, 0, 1, 1], [], []>, transpose_lhs_hint = false} : vector<512x416xf32>, vector<416x1024xf32>, vector<512x1024xf32> -> vector<512x1024xf32>
    %get3A_85 = arith.constant 0 : index
    %get3A_86 = arith.constant 0 : index
    %get3A_87 = vector.load %arg5[%get3A_85, %get3A_86] : memref<1x1024xf32, #tpu.memory_space<vmem>>, vector<1x1024xf32>
    %add3A = vector.broadcast %get3A_87 : vector<1x1024xf32> to vector<512x1024xf32>
    %add3A_88 = arith.addf %dot_general3A_84, %add3A : vector<512x1024xf32>
    %max3A = arith.constant 0.000000e+00 : f32
    %max3A_89 = vector.broadcast %max3A : f32 to vector<512x1024xf32>
    %max3A_90 = arith.maximumf %add3A_88, %max3A_89 : vector<512x1024xf32>
    %get3A_91 = arith.constant 0 : index
    %get3A_92 = arith.constant 0 : index
    %get3A_93 = vector.load %arg6[%get3A_91, %get3A_92] : memref<1024x1024xf32, #tpu.memory_space<vmem>>, vector<1024x1024xf32>
    %dot_general3A_94 = arith.constant dense<0.000000e+00> : vector<512x1024xf32>
    %dot_general3A_95 = tpu.matmul %max3A_90, %get3A_93, %dot_general3A_94 {dimension_numbers = #tpu.dot_dimension_numbers<[1], [0], [0], [1], [0, 0, 1, 1], [], []>, transpose_lhs_hint = false} : vector<512x1024xf32>, vector<1024x1024xf32>, vector<512x1024xf32> -> vector<512x1024xf32>
    %get3A_96 = arith.constant 0 : index
    %get3A_97 = arith.constant 0 : index
    %get3A_98 = vector.load %arg7[%get3A_96, %get3A_97] : memref<1x1024xf32, #tpu.memory_space<vmem>>, vector<1x1024xf32>
    %add3A_99 = vector.broadcast %get3A_98 : vector<1x1024xf32> to vector<512x1024xf32>
    %add3A_100 = arith.addf %dot_general3A_95, %add3A_99 : vector<512x1024xf32>
    %max3A_101 = arith.constant 0.000000e+00 : f32
    %max3A_102 = vector.broadcast %max3A_101 : f32 to vector<512x1024xf32>
    %max3A_103 = arith.maximumf %add3A_100, %max3A_102 : vector<512x1024xf32>
    %get3A_104 = arith.constant 0 : index
    %get3A_105 = arith.constant 0 : index
    %get3A_106 = vector.load %arg8[%get3A_104, %get3A_105] : memref<1024x512xf32, #tpu.memory_space<vmem>>, vector<1024x512xf32>
    %dot_general3A_107 = arith.constant dense<0.000000e+00> : vector<512x512xf32>
    %dot_general3A_108 = tpu.matmul %max3A_103, %get3A_106, %dot_general3A_107 {dimension_numbers = #tpu.dot_dimension_numbers<[1], [0], [0], [1], [0, 0, 1, 1], [], []>, transpose_lhs_hint = false} : vector<512x1024xf32>, vector<1024x512xf32>, vector<512x512xf32> -> vector<512x512xf32>
    %get3A_109 = arith.constant 0 : index
    %get3A_110 = arith.constant 0 : index
    %get3A_111 = vector.load %arg9[%get3A_109, %get3A_110] : memref<1x512xf32, #tpu.memory_space<vmem>>, vector<1x512xf32>
    %add3A_112 = vector.broadcast %get3A_111 : vector<1x512xf32> to vector<512x512xf32>
    %add3A_113 = arith.addf %dot_general3A_108, %add3A_112 : vector<512x512xf32>
    %max3A_114 = arith.constant 0.000000e+00 : f32
    %max3A_115 = vector.broadcast %max3A_114 : f32 to vector<512x512xf32>
    %max3A_116 = arith.maximumf %add3A_113, %max3A_115 : vector<512x512xf32>
    %get3A_117 = arith.constant 0 : index
    %get3A_118 = arith.constant 0 : index
    %get3A_119 = vector.load %arg10[%get3A_117, %get3A_118] : memref<512x256xf32, #tpu.memory_space<vmem>>, vector<512x256xf32>
    %dot_general3A_120 = arith.constant dense<0.000000e+00> : vector<512x256xf32>
    %dot_general3A_121 = tpu.matmul %max3A_116, %get3A_119, %dot_general3A_120 {dimension_numbers = #tpu.dot_dimension_numbers<[1], [0], [0], [1], [0, 0, 1, 1], [], []>, transpose_lhs_hint = false} : vector<512x512xf32>, vector<512x256xf32>, vector<512x256xf32> -> vector<512x256xf32>
    %get3A_122 = arith.constant 0 : index
    %get3A_123 = arith.constant 0 : index
    %get3A_124 = vector.load %arg11[%get3A_122, %get3A_123] : memref<1x256xf32, #tpu.memory_space<vmem>>, vector<1x256xf32>
    %add3A_125 = vector.broadcast %get3A_124 : vector<1x256xf32> to vector<512x256xf32>
    %add3A_126 = arith.addf %dot_general3A_121, %add3A_125 : vector<512x256xf32>
    %max3A_127 = arith.constant 0.000000e+00 : f32
    %max3A_128 = vector.broadcast %max3A_127 : f32 to vector<512x256xf32>
    %max3A_129 = arith.maximumf %add3A_126, %max3A_128 : vector<512x256xf32>
    %get3A_130 = arith.constant 0 : index
    %get3A_131 = arith.constant 0 : index
    %get3A_132 = vector.load %arg12[%get3A_130, %get3A_131] : memref<256x1xf32, #tpu.memory_space<vmem>>, vector<256x1xf32>
    %dot_general3A_133 = arith.constant dense<0.000000e+00> : vector<512x1xf32>
    %dot_general3A_134 = tpu.matmul %max3A_129, %get3A_132, %dot_general3A_133 {dimension_numbers = #tpu.dot_dimension_numbers<[1], [0], [0], [1], [0, 0, 1, 1], [], []>, transpose_lhs_hint = false} : vector<512x256xf32>, vector<256x1xf32>, vector<512x1xf32> -> vector<512x1xf32>
    %get3A_135 = arith.constant 0 : index
    %get3A_136 = arith.constant 0 : index
    %get3A_137 = vector.load %arg13[%get3A_135, %get3A_136] : memref<1x1xf32, #tpu.memory_space<vmem>>, vector<1x1xf32>
    %add3A_138 = vector.broadcast %get3A_137 : vector<1x1xf32> to vector<512x1xf32>
    %add3A_139 = arith.addf %dot_general3A_134, %add3A_138 : vector<512x1xf32>
    %swap3A = arith.constant 0 : index
    %swap3A_140 = arith.constant 0 : index
    %swap3A_141 = vector.load %arg14[%swap3A, %swap3A_140] : memref<512x1xf32, #tpu.memory_space<vmem>>, vector<512x1xf32>
    tpu.vector_store %arg14[%swap3A, %swap3A_140], %add3A_139 {strides = array<i32>} : memref<512x1xf32, #tpu.memory_space<vmem>>, vector<512x1xf32>,
    return
  }
  func.func @transform_0(%arg0: i32) -> (i32, i32) {
    %c0_i32 = arith.constant 0 : i32
    %c0_i32_0 = arith.constant 0 : i32
    return %arg0, %c0_i32 : i32, i32
  }
  func.func @transform_1(%arg0: i32) -> i32 {
    %c0_i32 = arith.constant 0 : i32
    return %arg0 : i32
  }
  func.func @transform_2(%arg0: i32) -> (i32, i32) {
    %c0_i32 = arith.constant 0 : i32
    %c0_i32_0 = arith.constant 0 : i32
    return %arg0, %c0_i32 : i32, i32
  }
  func.func @transform_3(%arg0: i32) -> (i32, i32) {
    %c0_i32 = arith.constant 0 : i32
    %c0_i32_0 = arith.constant 0 : i32
    %c0_i32_1 = arith.constant 0 : i32
    return %c0_i32, %c0_i32_0 : i32, i32
  }
  func.func @transform_4(%arg0: i32) -> (i32, i32) {
    %c0_i32 = arith.constant 0 : i32
    %c0_i32_0 = arith.constant 0 : i32
    %c0_i32_1 = arith.constant 0 : i32
    return %c0_i32, %c0_i32_0 : i32, i32
  }
  func.func @transform_5(%arg0: i32) -> (i32, i32) {
    %c0_i32 = arith.constant 0 : i32
    %c0_i32_0 = arith.constant 0 : i32
    %c0_i32_1 = arith.constant 0 : i32
    return %c0_i32, %c0_i32_0 : i32, i32
  }
  func.func @transform_6(%arg0: i32) -> (i32, i32) {
    %c0_i32 = arith.constant 0 : i32
    %c0_i32_0 = arith.constant 0 : i32
    %c0_i32_1 = arith.constant 0 : i32
    return %c0_i32, %c0_i32_0 : i32, i32
  }
  func.func @transform_7(%arg0: i32) -> (i32, i32) {
    %c0_i32 = arith.constant 0 : i32
    %c0_i32_0 = arith.constant 0 : i32
    %c0_i32_1 = arith.constant 0 : i32
    return %c0_i32, %c0_i32_0 : i32, i32
  }
  func.func @transform_8(%arg0: i32) -> (i32, i32) {
    %c0_i32 = arith.constant 0 : i32
    %c0_i32_0 = arith.constant 0 : i32
    %c0_i32_1 = arith.constant 0 : i32
    return %c0_i32, %c0_i32_0 : i32, i32
  }
  func.func @transform_9(%arg0: i32) -> (i32, i32) {
    %c0_i32 = arith.constant 0 : i32
    %c0_i32_0 = arith.constant 0 : i32
    %c0_i32_1 = arith.constant 0 : i32
    return %c0_i32, %c0_i32_0 : i32, i32
  }
  func.func @transform_10(%arg0: i32) -> (i32, i32) {
    %c0_i32 = arith.constant 0 : i32
    %c0_i32_0 = arith.constant 0 : i32
    %c0_i32_1 = arith.constant 0 : i32
    return %c0_i32, %c0_i32_0 : i32, i32
  }
  func.func @transform_11(%arg0: i32) -> (i32, i32) {
    %c0_i32 = arith.constant 0 : i32
    %c0_i32_0 = arith.constant 0 : i32
    %c0_i32_1 = arith.constant 0 : i32
    return %c0_i32, %c0_i32_0 : i32, i32
  }
  func.func @transform_12(%arg0: i32) -> (i32, i32) {
    %c0_i32 = arith.constant 0 : i32
    %c0_i32_0 = arith.constant 0 : i32
    %c0_i32_1 = arith.constant 0 : i32
    return %c0_i32, %c0_i32_0 : i32, i32
  }
  func.func @transform_13(%arg0: i32) -> (i32, i32) {
    %c0_i32 = arith.constant 0 : i32
    %c0_i32_0 = arith.constant 0 : i32
    return %arg0, %c0_i32 : i32, i32
  }
}

</mosaic_0001>

<sc_bundles>
// kernel: kernel.12.cloned.1.call-start
scs
__scs_entry_jumppad:
0x0: {  	(pc) =	sbr.rel $0x88, $3  }
0x1: {  	(tag) =	ssettag $0x0;
	lr =	simm.s32 $0x1  }
0x2: {  	[smem:$0x3F8D] =	sst lr;
	_ =	strace $0xD0000000  }
0x3: {  	_ = 	snop  }
0x4: {  	_ = 	snop  }
0x5: {  	_ = 	snop  }
0x6: {  	_ = 	snop  }
0x7: {  	_ = 	snop  }
__scs_overlays_trampoline_lowered:
0x8: {  	[smem:$0x3F9C] =	sst s0  }
0x9: {  	[smem:$0x3F9D] =	sst s1  }
0xa: {  	[smem:$0x3F9E] =	sst s2  }
0xb: {  	[smem:$0x3F9F] =	sst s3  }
0xc: {  	[smem:$0x3FA0] =	sst s4  }
0xd: {  	[smem:$0x3FA1] =	sst s5  }
0xe: {  	[smem:$0x3FA2] =	sst s6  }
0xf: {  	[smem:$0x3FA3] =	sst s7  }
0x10: {  	[smem:$0x3FA4] =	sst s8  }
0x11: {  	[smem:$0x3FA5] =	sst s9;
	s0 =	simm.s32 @!p0 $0x0  }
0x12: {  	s1 =	sld [smem:$0x3F8B];
	s0 =	simm.s32 @p0 $0x1  }
0x13: {  	[smem:$0x3FA6] =	sst s0;
	s0 =	simm.s32 @!p1 $0x0  }
0x14: {  	s2 =	sld [smem:$0x3F8A];
	s0 =	simm.s32 @p1 $0x1  }
0x15: {  	[smem:$0x3FA7] =	sst s0;
	s0 =	simm.s32 @!p2 $0x0  }
0x16: {  	s3 =	sld [smem:$0x3FDB];
	s0 =	simm.s32 @p2 $0x1  }
0x17: {  	s4 =	simm.s32 $0x1BF5;
	[smem:$0x3FA9] =	sst s0  }
0x18: {  	s0 =	sld [smem:$0x3F8C];
	_ =	swait.ge [sflag:s4], $0x0  }
0x19: {  	s7 =	sld [smem:$0x3F8D]  }
0x1a: {  	s8 =	sadd.s32 $0xFFFFE003, lr  }
0x1b: {  	s9 =	sadd.s32 $0xFFFFFEF7, lr;
	s5 =	simm.s32 $0xFFFFFFFF;
	p2 =	slt.u32 s8, $0xFFFFF086  }
0x1c: {  	p1 =	slt.u32 s9, $0xF7A;
	s5 =	simm.s32 @!p2 $0x0  }
0x1d: {  	s5 =	simm.s32 @p1 $0x1;
	p0 =	seq.s32 s7, s2  }
0x1e: {  	s7 =	smul.u32 @!p0 $0xF7A, s2;
	p2 =	seq.s32 @!p0 s5, $0x0  }
0x1f: {  	s9 =	smul.u32 $0xF7A, s1;
	s8 =	simm.s32 @!p0 $0x1BF5;
	p2 =	por !p2, p0  }
0x20: {  	[sflag:s8] =	ssyncset.s32 @!p0 $0xFFFFF086;
	s6 =	sadd.s32 @!p0 s3, s7;
	s7 =	simm.s32 @!p0 $0x108  }
0x21: {  	s3 =	sadd.s32 s3, s9;
	s6 =	sadd.s32 @!p0 $0x88, s6;
	s7 =	simm.s32 @p2 $0x1082  }
0x22: {  	[simem:s7], [sflag:s8] =	dma.local @!p0 [hbm:s6], $0xF7A  }
0x23: {  	s9 =	sor.u32 $0xD0000000, s2;
	s6 =	simm.s32 $0x108;
	_ =	swait.ge @!p0 [sflag:s8], $0x0  }
0x24: {  	s3 =	sadd.s32 $0x88, s3;
	s6 =	simm.s32 @!p1 $0x1082;
	[sflag:s4] =	ssyncset.s32 $0xFFFFF086  }
0x25: {  	[simem:s6], [sflag:s4] =	dma.local [hbm:s3], $0xF7A  }
0x26: {  	[smem:$0x3F8D] =	sst s1;
	(tag) =	ssettag s2;
	_ =	strace s9  }
0x27: {  	s1 =	sld [smem:$0x3F9D]  }
0x28: {  	s2 =	sld [smem:$0x3F9E]  }
0x29: {  	s4 =	sld [smem:$0x3FA0]  }
0x2a: {  	p0 =	seq.s32 s5, $0x0;
	s5 =	sld [smem:$0x3FA1]  }
0x2b: {  	s6 =	sld [smem:$0x3FA2]  }
0x2c: {  	s7 =	sld [smem:$0x3FA3]  }
0x2d: {  	s3 =	simm.s32 $0x108;
	s8 =	sld [smem:$0x3FA4]  }
0x2e: {  	s3 =	simm.s32 @!p0 $0x1082;
	s9 =	sld [smem:$0x3FA5]  }
0x2f: {  	lr =	sadd.s32 s0, s3;
	s0 =	sld [smem:$0x3F9C]  }
0x30: {  	s3 =	sld [smem:$0x3F9F]  }
0x31: {  	[smem:$0x3FA8] =	sst s10  }
0x32: {  	s10 =	sld [smem:$0x3FA6];
	_ =	sdelay $0x3  }
0x33: {  	p0 =	seq.s32 s10, $0x1;
	s10 =	sld [smem:$0x3FA8];
	_ =	sdelay $0x3  }
0x34: {  	[smem:$0x3FA8] =	sst s10  }
0x35: {  	s10 =	sld [smem:$0x3FA7];
	_ =	sdelay $0x3  }
0x36: {  	p1 =	seq.s32 s10, $0x1;
	s10 =	sld [smem:$0x3FA8];
	_ =	sdelay $0x3  }
0x37: {  	[smem:$0x3FA8] =	sst s10  }
0x38: {  	s10 =	sld [smem:$0x3FA9]  }
0x39: {  	_ = 	snop;
	(pc) =	sbr.ind lr, $3  }
0x3a: {  	_ = 	snop  }
0x3b: {  	_ = 	snop  }
0x3c: {  	p2 =	seq.s32 s10, $0x1;
	s10 =	sld [smem:$0x3FA8]  }
0x3d: {  	_ =	shalt  }
0x3e: {  	_ =	shalt  }
0x3f: {  	_ =	shalt  }
0x40: {  	_ =	shalt  }
0x41: {  	_ =	shalt  }
0x42: {  	_ =	shalt  }
0x43: {  	_ =	shalt  }
0x44: {  	_ =	shalt  }
0x45: {  	_ =	shalt  }
0x46: {  	_ =	shalt  }
0x47: {  	_ =	shalt  }
0x48: {  	_ =	shalt  }
0x49: {  	_ =	shalt  }
0x4a: {  	_ =	shalt  }
0x4b: {  	_ =	shalt  }
0x4c: {  	_ =	shalt  }
0x4d: {  	_ =	shalt  }
0x4e: {  	_ =	shalt  }
0x4f: {  	_ =	shalt  }
0x50: {  	_ =	shalt  }
0x51: {  	_ =	shalt  }
0x52: {  	_ =	shalt  }
0x53: {  	_ =	shalt  }
0x54: {  	_ =	shalt  }
0x55: {  	_ =	shalt  }
0x56: {  	_ =	shalt  }
0x57: {  	_ =	shalt  }
0x58: {  	_ =	shalt  }
0x59: {  	_ =	shalt  }
0x5a: {  	_ =	shalt  }
0x5b: {  	_ =	shalt  }
0x5c: {  	_ =	shalt  }
0x5d: {  	_ =	shalt  }
0x5e: {  	_ =	shalt  }
0x5f: {  	_ =	shalt  }
0x60: {  	_ =	shalt  }
0x61: {  	_ =	shalt  }
0x62: {  	_ =	shalt  }
0x63: {  	_ =	shalt  }
0x64: {  	_ =	shalt  }
0x65: {  	_ =	shalt  }
0x66: {  	_ =	shalt  }
0x67: {  	_ =	shalt  }
0x68: {  	_ =	shalt  }
0x69: {  	_ =	shalt  }
0x6a: {  	_ =	shalt  }
0x6b: {  	_ =	shalt  }
0x6c: {  	_ =	shalt  }
0x6d: {  	_ =	shalt  }
0x6e: {  	_ =	shalt  }
0x6f: {  	_ =	shalt  }
0x70: {  	_ =	shalt  }
0x71: {  	_ =	shalt  }
0x72: {  	_ =	shalt  }
0x73: {  	_ =	shalt  }
0x74: {  	_ =	shalt  }
0x75: {  	_ =	shalt  }
0x76: {  	_ =	shalt  }
0x77: {  	_ =	shalt  }
0x78: {  	_ =	shalt  }
0x79: {  	_ =	shalt  }
0x7a: {  	_ =	shalt  }
0x7b: {  	_ =	shalt  }
0x7c: {  	_ =	shalt  }
0x7d: {  	_ =	shalt  }
0x7e: {  	_ =	shalt  }
0x7f: {  	_ =	shalt  }
0x80: {  	_ =	shalt  }
0x81: {  	_ =	shalt  }
0x82: {  	_ =	shalt  }
0x83: {  	_ =	shalt  }
0x84: {  	_ =	shalt  }
0x85: {  	_ =	shalt  }
0x86: {  	_ =	shalt  }
0x87: {  	_ =	shalt  }
.Lfunc_end0:
.L_simem_size_0:
called_computation_lowered:
.L_overlay_start_0:
0x88: {  	s2 =	sld [smem:$0x3FD9]  }
0x89: {  	s3 =	sld [smem:$0x3FFE];
	_ =	sdelay $0x1  }
0x8a: {  	s1 =	srdreg.scid  }
0x8b: {  	s0 =	sand.u32 $0x1, s1  }
0x8c: {  	s17 =	sshll.u32 s0, $0xA;
	s2 =	sadd.s32 s3, s2  }
0x8d: {  	s2 =	sadd.s32 s2, s17  }
0x8e: {  	[smem:$0x3FB4] =	sst s2  }
0x8f: {  	_ = 	snop  }
0x90: {  	(tm) =	ssettm $0x1  }
0x91: {  	s18 =	sld [smem:$0x3FFB];
	_ =	sdelay $0x3  }
0x92: {  	_ =	strace s18  }
0x93: {  	s2 =	sld [smem:$0x3FFC];
	_ =	sdelay $0x3  }
0x94: {  	_ =	strace s2  }
0x95: {  	s2 =	sld [smem:$0x3FFD];
	_ =	sdelay $0x3  }
0x96: {  	_ =	strace s2  }
0x97: {  	_ =	strace $0x8FFFFFFF  }
0x98: {  	s19 =	sld [smem:$0x3FDB];
	_ =	sdelay $0x1  }
0x99: {  	s20 =	simm.s32 $_scs_section_size  }
0x9a: {  	s4 =	simm.s32 $_size__tile_overlayer_lowered;
	s5 =	simm.s32 $_tile_overlayer_lowered  }
0x9b: {  	s6 =	simm.s32 $0x1BFF;
	s21 =	sshll.u32 s5, $0x1;
	s3 =	sadd.s32 s20, s19  }
0x9c: {  	s22 =	simm.s32 $0x0;
	s4 =	sshll.u32 s4, $0x1;
	s5 =	sadd.s32 s21, s3  }
0x9d: {  	[timem:s22], [sflag:s6] =	dma.local [hbm:s5], s4  }
0x9e: {  	_ =	swait.ge [sflag:s6], s4  }
0x9f: {  	s4 =	ssub.s32 $0x0, s4;
	[sflag:s6] =	ssyncset.done $0x0  }
0xa0: {  	[sflag:s6] =	ssyncadd.s32 s4;
	_ =	sdelay $0x1  }
0xa1: {  	s23 =	simm.s32 $0x1B8B  }
0xa2: {  	_ =	swait.ge [sflag:s23], $0x1  }
0xa3: {  	[sflag:s23] =	ssyncset.done $0x0  }
0xa4: {  	[sflag:s23] =	ssyncadd.s32 $0xFFFFFFFF  }
0xa5: {  	s4 =	sld [smem:$0x0]  }
0xa6: {  	s5 =	sand.u32 $0xFFFFFFFE, s1  }
0xa7: {  	p0 =	sne.s32 s1, s5  }
0xa8: {  	s5 =	sshll.u32 @p0 s5, $0xE  }
0xa9: {  	s5 =	sadd.s32 @p0 $0x11B8D, s5;
	s6 =	sshll.u32 @p0 s4, $0x11  }
0xaa: {  	s5 =	sor.u32 @p0 s6, s5  }
0xab: {  	[sflag:s5] =	ssyncadd.remote.s32 @p0 $0x1;
	_ =	sdelay $0x1  }
0xac: {  	s5 =	simm.s32 @p0 $0x1B8D  }
0xad: {  	_ =	swait.eq @p0 [sflag:s5], $0x1  }
0xae: {  	[sflag:s5] =	ssyncadd.s32 @p0 $0xFFFFFFFF  }
0xaf: {  	s6 =	sshll.u32 @!p0 s1, $0xE  }
0xb0: {  	s6 =	sor.u32 @!p0 $0x4000, s6;
	s5 =	simm.s32 @!p0 $0x1B8D  }
0xb1: {  	s4 =	sshll.u32 @!p0 s4, $0x11;
	s6 =	sadd.s32 @!p0 $0x11B8D, s6;
	_ =	swait.eq @!p0 [sflag:s5], $0x1  }
0xb2: {  	s4 =	sor.u32 @!p0 s4, s6;
	[sflag:s5] =	ssyncadd.s32 @!p0 $0xFFFFFFFF  }
0xb3: {  	s25 =	simm.s32 $0x1B8E;
	s24 =	sld [smem:$0x3FFE];
	[sflag:s4] =	ssyncadd.remote.s32 @!p0 $0x1  }
0xb4: {  	s26 =	simm.s32 $execute0_lowered;
	[smem:$0x3FD2] =	sst s25  }
0xb5: {  	s5 =	sshll.u32 s26, $0x1;
	_ =	strace $0x80000064;
	[dreg:$0x1] =	wrdreg $0xFFFFFFFF  }
0xb6: {  	s28 =	simm.s32 $_size_execute0_lowered;
	s3 =	sadd.s32 s3, s5;
	[dreg:$0x0] =	wrdreg $0x0  }
0xb7: {  	s5 =	sshll.u32 s28, $0x1;
	[dreg:$0x2] =	wrdreg s3  }
0xb8: {  	[dreg:$0x3] =	wrdreg s5  }
0xb9: {  	[dreg:$0x4] =	wrdreg $0xC0  }
0xba: {  	_ =	task [dreg:s22], $0x5FFFF  }
0xbb: {  	[dreg:$0x1] =	wrdreg $0xFFFFFFFF  }
0xbc: {  	[dreg:$0x0] =	wrdreg $0x60  }
0xbd: {  	[dreg:$0x2] =	wrdreg s24  }
0xbe: {  	[dreg:$0x3] =	wrdreg $0x9  }
0xbf: {  	_ =	task.clear_ibuf [dreg:s22], $0x4FFFF;
	_ =	strace $0x90000064  }
0xc0: {  	s29 =	simm.s32 $0x9;
	_ =	strace $0x8000006D  }
0xc1: {  	_ =	swait.ge [sflag:s29], $0x1  }
0xc2: {  	[sflag:s29] =	ssyncadd.s32 $0xFFFFFFFF  }
0xc3: {  	_ =	strace $0x9000006D  }
0xc4: {  	_ =	sfence  }
0xc5: {  	s30 =	sld [smem:$0x0];
	_ =	sdelay $0x2  }
0xc6: {  	s31 =	sshll.u32 s1, $0xD;
	s1 =	sshrl.u32 s1, $0x2  }
0xc7: {  	s4 =	sand.u32 $0x4000, s31;
	s1 =	sadd.s32 s1, s30  }
0xc8: {  	s0 =	sor.u32 s4, s0;
	s1 =	sshll.u32 s1, $0x11  }
0xc9: {  	s0 =	sor.u32 s1, s0  }
0xca: {  	s0 =	sadd.s32 $0x8F2B, s0  }
0xcb: {  	[sflag:s0] =	ssyncadd.remote.s32 $0x1  }
0xcc: {  	_ =	sfence.sel $0xFFFF  }
0xcd: {  	[dreg:$0x0] =	wrdreg $0xFFFFFFFF;
	(pc) =	sbr.abs _section_cstart, $3  }
0xce: {  	[dreg:$0x1] =	wrdreg $0xFFFFFFFF  }
0xcf: {  	_ =	task.clear_ibuf [dreg:s22], $0x2FFFF;
	_ =	strace $0x9FFFFFFF  }
0xd0: {  	(tm) =	ssettm $0x7FFFFFFF  }
0xd1: {  	_ =	shalt  }
tec
execute0_lowered:
.L_overlay_start_1:
0x0: {  	(tag) =	ssettag $0x1  }
0x1: {  	s3 =	rddreg [dreg:$0x0]  }
0x2: {  	s0 =	rddreg [dreg:$0x1];
	s1 =	simm.s32 $0x0;
	s2 =	srdreg.scid  }
0x3: {  	s31 =	simm.s32 $0x80;
	s9 =	simm.s32 $0x4;
	s10 =	simm.s32 $0x0  }
0x4: {  	[smem:$0x7FF] =	sst s1;
	s4 =	sand.u32 $0x1, s2;
	s5 =	sadd.s32 $0x1E400, s3  }
0x5: {  	s2 =	stileid.u32;
	s29 =	sadd.s32 $0xEFE400, s3;
	s3 =	sadd.s32 $0x17C00, s3  }
0x6: {  	_ =	strace $0x80000065;
	s6 =	sshll.u32 s4, $0x4;
	[dreg:$0x2] =	wrdreg s5  }
0x7: {  	s4 =	ssub.s32 $0x2, s4;
	[dreg:$0x4] =	wrdreg s29;
	s28 =	sor.u32 s2, s6  }
0x8: {  	[dreg:$0x3] =	wrdreg s31;
	s7 =	sshrl.u32 s4, $0x1;
	s8 =	smul.u32 $0x1A0, s28  }
0x9: {  	s30 =	ssub.s32 s4, s7;
	s4 =	smul.u32 $0x1A, s28;
	s7 =	simm.s32 $0x1  }
0xa: {  	s6 =	smax.u32 s30, $0x1;
	s5 =	sadd.s32 s3, s8;
	s8 =	simm.s32 $0x5  }
.LBB2_1:
0xb: {  	_ =	strace $0x80000066;
	s11 =	simm.s32 $0x1;
	p0 =	por $0x0, $0x0  }
0xc: {  	[tilespmem:s1], [sflag:$0x1] =	stream.linear.gather [hbm4b:s5+s1], $0x80, $0x200038;
	[tilespmem:$0x8100] =	vst v63  }
0xd: {  	s11 =	simm.s32 @p0 $0x0  }
0xe: {  	p4 =	por $0x1, $0x1;
	s20 =	sand.u32 $0x1, s1;
	p1 =	sne.s32 s11, $0x0  }
0xf: {  	p2 =	por $0x1, $0x1;
	s18 =	simm.s32 $0x18;
	p0 =	por !p4, !p1  }
0x10: {  	s16 =	simm.s32 $0x0;
	p5 =	por $0x0, $0x0;
	p0 =	por !p0, !p0  }
0x11: {  	s23 =	sadd.s32 $0x0, s4;
	s30 =	sadd.s32 $0x1, s20;
	s12 =	sadd.s32 @p0 s4, s11  }
0x12: {  	_ =	strace $0x90000066;
	s13 =	sand.u32 @p0 $0x1, s7;
	s12 =	sshll.u32 @p0 s12, $0x4  }
0x13: {  	_ =	strace @p0 $0x80000067;
	s15 =	simm.s32 @p0 $0x0;
	s12 =	sand.u32 @p0 $0x1FFFFFF0, s12  }
0x14: {  	s14 =	sshll.u32 @p0 s13, $0x7;
	s13 =	sadd.s32 @p0 $0x1, s13;
	s12 =	sadd.s32 @p0 s3, s12  }
0x15: {  	[tilespmem:s14], [sflag:s13] =	stream.linear.gather @p0 [hbm4b:s12+s15], $0x80, $0x200038;
	[tilespmem:$0x8100] =	vst v63  }
0x16: {  	p3 =	por p2, p2;
	s21 =	sshll.u32 s20, $0xE;
	_ =	strace @p0 $0x90000067  }
0x17: {  	s16 =	sand.u32 $0x80, s16;
	p2 =	por p5, p5;
	_ =	strace $0x80000068  }
0x18: {  	s17 =	sadd.s32 $0x1, s11;
	s22 =	sor.u32 $0x100, s21;
	_ =	swait.ge [sflag:s30], $0x80  }
0x19: {  	s21 =	simm.s32 $0x1;
	p6 =	por p1, p1;
	[sflag:s30] =	ssyncset.done $0x0  }
0x1a: {  	p1 =	por p3, p3;
	p4 =	por $0x1, $0x1;
	[sflag:s30] =	ssyncadd.s32 $0xFFFFFF80  }
0x1b: {  	s12 =	simm.s32 $0x19;
	s15 =	sand.u32 @!p3 $0x1, s1;
	_ =	strace $0x90000068  }
0x1c: {  	s13 =	simm.s32 $0x1;
	p3 =	seq.s32 s17, $0x1A;
	_ =	strace $0x80000069  }
0x1d: {  	s13 =	simm.s32 @!p0 $0x0;
	s17 =	simm.s32 @p3 $0x0;
	s19 =	rddreg [dreg:$0x3]  }
0x1e: {  	p0 =	por $0x0, $0x0;
	s14 =	sadd.s32 $0x1, s13;
	s31 =	rddreg [dreg:$0x2]  }
0x1f: {  	[tilespmem:s22], [sflag:$0x5] =	stream.indirect.gather [hbm4b:s31+s19], $0x80, s16, s19, $0x2000b8;
	[tilespmem:$0x8100] =	vst v63  }
0x20: {  	p3 =	sne.s32 s11, s17;
	s21 =	simm.s32 @!p0 $0x0;
	_ =	swait.ge [sflag:s8], $0x4000  }
0x21: {  	p5 =	por !p4, !p3;
	p4 =	por $0x0, $0x0;
	[sflag:s8] =	ssyncset.done $0x0  }
0x22: {  	s13 =	simm.s32 $0x0;
	p6 =	por p4, p6;
	[sflag:s8] =	ssyncadd.s32 $0xFFFFC000  }
0x23: {  	s16 =	simm.s32 $0x0;
	s19 =	simm.s32 $0x0;
	_ =	strace $0x90000069  }
.LBB2_2:
0x24: {  	_ =	strace @p6 $0x8000006A;
	s13 =	sadd.s32 s21, s13;
	s21 =	smov.u32 s12  }
0x25: {  	s12 =	smov.u32 s18;
	s18 =	sadd.s32 $0xFFFFFFFF, s18;
	p0 =	por p3, p3  }
0x26: {  	s28 =	sshll.u32 @p6 s23, $0xB;
	s20 =	sadd.s32 @p6 $0x3, s20;
	s24 =	simm.s32 @!p0 $0x0  }
0x27: {  	s25 =	rddreg [dreg:$0x4];
	s28 =	sand.u32 @p6 $0x1FFFF800, s28;
	s24 =	simm.s32 @p0 $0x1  }
0x28: {  	s25 =	sadd.s32 @p6 s25, s28;
	s28 =	simm.s32 @p6 $0x0;
	p0 =	sne.s32 s18, $0x0  }
0x29: {  	[hbm4b:s25+s28] =	stream.linear.scatter @p6 [tilespmem:s22], [sflag:s20], $0x4000, $0x200038;
	[tilespmem:$0x8100] =	vst v63  }
0x2a: {  	s20 =	sadd.s32 @!p1 $0x3, s15;
	s15 =	simm.s32 @!p0 $0x0  }
0x2b: {  	s26 =	simm.s32 $0x1;
	[smem:$0x7FC] =	sst s24;
	s15 =	simm.s32 @p0 $0x1  }
0x2c: {  	s26 =	simm.s32 @!p6 $0x0;
	_ =	strace @p6 $0x9000006A;
	[smem:$0x7FD] =	sst s15  }
0x2d: {  	p5 =	por !p5, !p5;
	s19 =	sadd.s32 s26, s19;
	_ =	strace @!p1 $0x8000006B  }
0x2e: {  	s24 =	sand.u32 @!p2 $0x1, s13;
	s22 =	sand.u32 @p5 $0x1, s14;
	_ =	swait.ge @!p1 [sflag:s20], $0x4000  }
0x2f: {  	s15 =	smov.u32 s24;
	s24 =	sadd.s32 @p5 s4, s17;
	[sflag:s20] =	ssyncset.done @!p1 $0x0  }
0x30: {  	s25 =	sshll.u32 @p5 s22, $0x7;
	s24 =	sshll.u32 @p5 s24, $0x4;
	[sflag:s20] =	ssyncadd.s32 @!p1 $0xFFFFC000  }
0x31: {  	s20 =	sadd.s32 @p5 $0x1, s22;
	s22 =	sand.u32 @p5 $0x1FFFFFF0, s24;
	_ =	strace @!p1 $0x9000006B  }
0x32: {  	s24 =	simm.s32 @p5 $0x0;
	s22 =	sadd.s32 @p5 s3, s22;
	_ =	strace @p5 $0x80000067  }
0x33: {  	[tilespmem:s25], [sflag:s20] =	stream.linear.gather @p5 [hbm4b:s22+s24], $0x80, $0x200038;
	[tilespmem:$0x8100] =	vst v63  }
0x34: {  	s16 =	sadd.s32 s26, s16;
	s26 =	sand.u32 $0x1, s19;
	_ =	strace @p5 $0x90000067  }
0x35: {  	s24 =	sadd.s32 $0x1, s26;
	_ =	strace $0x80000068  }
0x36: {  	_ =	swait.ge [sflag:s24], $0x80  }
0x37: {  	[sflag:s24] =	ssyncset.done $0x0  }
0x38: {  	s20 =	simm.s32 $0x1;
	[sflag:s24] =	ssyncadd.s32 $0xFFFFFF80  }
0x39: {  	s20 =	simm.s32 @!p5 $0x0;
	_ =	strace $0x90000068  }
0x3a: {  	s14 =	sadd.s32 s20, s14;
	s20 =	sand.u32 $0x1, s16;
	_ =	strace $0x80000069  }
0x3b: {  	s29 =	sshll.u32 s19, $0x7;
	s25 =	sshll.u32 s20, $0xE;
	s26 =	rddreg [dreg:$0x3]  }
0x3c: {  	s29 =	sand.u32 $0x80, s29;
	s22 =	sor.u32 $0x100, s25;
	s30 =	rddreg [dreg:$0x2]  }
0x3d: {  	[tilespmem:s22], [sflag:$0x5] =	stream.indirect.gather [hbm4b:s30+s26], $0x80, s29, s26, $0x2000b8;
	[tilespmem:$0x8100] =	vst v63  }
0x3e: {  	_ =	swait.ge [sflag:s8], $0x4000  }
0x3f: {  	s31 =	sadd.s32 $0x1, s17;
	[sflag:s8] =	ssyncset.done $0x0  }
0x40: {  	s23 =	sadd.s32 s4, s11;
	s11 =	smov.u32 s17;
	[sflag:s8] =	ssyncadd.s32 $0xFFFFC000  }
0x41: {  	p3 =	seq.s32 s31, $0x1A;
	s17 =	smov.u32 s31;
	_ =	strace $0x90000069  }
0x42: {  	s17 =	simm.s32 @p3 $0x0;
	s31 =	sld [smem:$0x7FD]  }
0x43: {  	p6 =	sne.s32 s12, $0x1;
	p0 =	sne.s32 s21, $0x1A;
	p3 =	sne.s32 s11, s17  }
0x44: {  	p5 =	por !p6, !p3;
	p6 =	seq.s32 s21, $0x1;
	s21 =	simm.s32 $0x1  }
0x45: {  	s21 =	simm.s32 @!p0 $0x0;
	p0 =	seq.s32 s31, $0x1  }
.Ltmp0:
0x46: {  	s30 =	sld [smem:$0x7FC];
	(pc) =	sbr.rel @p0 .LBB2_2-.Ltmp0, $4  }
0x47: {  	_ = 	snop  }
0x48: {  	p4 =	seq.s32 s12, $0x1A  }
0x49: {  	p1 =	por p2, p2;
	p2 =	por p4, p4;
	p4 =	seq.s32 s30, $0x1  }
0x4a: {  	p6 =	por p6, p4  }
0x4b: {  	_ =	strace @p6 $0x8000006A;
	s23 =	sshll.u32 @p6 s23, $0xB  }
0x4c: {  	s18 =	rddreg [dreg:$0x4];
	s23 =	sand.u32 @p6 $0x1FFFF800, s23  }
0x4d: {  	s20 =	sadd.s32 @p6 $0x3, s20;
	s18 =	sadd.s32 @p6 s18, s23;
	s23 =	simm.s32 @p6 $0x0  }
0x4e: {  	[hbm4b:s18+s23] =	stream.linear.scatter @p6 [tilespmem:s22], [sflag:s20], $0x4000, $0x200038;
	[tilespmem:$0x8100] =	vst v63  }
0x4f: {  	p0 =	por !p5, !p5;
	_ =	strace @p6 $0x9000006A  }
0x50: {  	s15 =	sadd.s32 @!p1 $0x3, s15;
	s17 =	sadd.s32 @p0 s4, s17;
	_ =	strace @!p1 $0x8000006B  }
0x51: {  	s14 =	sand.u32 @p0 $0x1, s14;
	s17 =	sshll.u32 @p0 s17, $0x4;
	_ =	swait.ge @!p1 [sflag:s15], $0x4000  }
0x52: {  	s18 =	simm.s32 $0x1;
	s20 =	sshll.u32 @p0 s14, $0x7;
	[sflag:s15] =	ssyncset.done @!p1 $0x0  }
0x53: {  	s14 =	sadd.s32 @p0 $0x1, s14;
	s18 =	simm.s32 @!p6 $0x0;
	[sflag:s15] =	ssyncadd.s32 @!p1 $0xFFFFC000  }
0x54: {  	s19 =	sadd.s32 s18, s19;
	s15 =	sand.u32 @p0 $0x1FFFFFF0, s17;
	_ =	strace @!p1 $0x9000006B  }
0x55: {  	s17 =	simm.s32 @p0 $0x0;
	s15 =	sadd.s32 @p0 s3, s15;
	_ =	strace @p0 $0x80000067  }
0x56: {  	[tilespmem:s20], [sflag:s14] =	stream.linear.gather @p0 [hbm4b:s15+s17], $0x80, $0x200038;
	[tilespmem:$0x8100] =	vst v63  }
0x57: {  	s25 =	sand.u32 $0x1, s19;
	_ =	strace @p0 $0x90000067  }
0x58: {  	s14 =	sadd.s32 $0x1, s25;
	_ =	strace $0x80000068  }
0x59: {  	_ =	swait.ge [sflag:s14], $0x80  }
0x5a: {  	[sflag:s14] =	ssyncset.done $0x0  }
0x5b: {  	[sflag:s14] =	ssyncadd.s32 $0xFFFFFF80  }
0x5c: {  	s26 =	sadd.s32 s18, s16;
	_ =	strace $0x90000068  }
0x5d: {  	s14 =	sand.u32 $0x1, s26;
	_ =	strace $0x80000069  }
0x5e: {  	s30 =	sshll.u32 s19, $0x7;
	s31 =	sshll.u32 s14, $0xE;
	s28 =	rddreg [dreg:$0x3]  }
0x5f: {  	s17 =	sand.u32 $0x80, s30;
	s18 =	sor.u32 $0x100, s31;
	s29 =	rddreg [dreg:$0x2]  }
0x60: {  	[tilespmem:s18], [sflag:$0x5] =	stream.indirect.gather [hbm4b:s29+s28], $0x80, s17, s28, $0x2000b8;
	[tilespmem:$0x8100] =	vst v63  }
0x61: {  	_ =	swait.ge [sflag:s8], $0x4000  }
0x62: {  	[sflag:s8] =	ssyncset.done $0x0  }
0x63: {  	p5 =	por p3, p3;
	p6 =	seq.s32 s12, $0x1;
	[sflag:s8] =	ssyncadd.s32 $0xFFFFC000  }
0x64: {  	s11 =	sadd.s32 s4, s11;
	p0 =	por p6, p5;
	_ =	strace $0x90000069  }
0x65: {  	s11 =	sshll.u32 @p0 s11, $0xB;
	_ =	strace @p0 $0x8000006A  }
0x66: {  	s13 =	sadd.s32 s21, s13;
	s11 =	sand.u32 @p0 $0x1FFFF800, s11;
	s12 =	rddreg [dreg:$0x4]  }
0x67: {  	s14 =	sadd.s32 @p0 $0x3, s14;
	s11 =	sadd.s32 @p0 s12, s11;
	s12 =	simm.s32 @p0 $0x0  }
0x68: {  	[hbm4b:s11+s12] =	stream.linear.scatter @p0 [tilespmem:s18], [sflag:s14], $0x4000, $0x200038;
	[tilespmem:$0x8100] =	vst v63  }
0x69: {  	p1 =	por p2, p2;
	s11 =	sand.u32 @!p2 $0x1, s13;
	_ =	strace @p0 $0x9000006A  }
0x6a: {  	s11 =	sadd.s32 @!p1 $0x3, s11;
	_ =	strace @!p1 $0x8000006B  }
0x6b: {  	_ =	swait.ge @!p1 [sflag:s11], $0x4000  }
0x6c: {  	[sflag:s11] =	ssyncset.done @!p1 $0x0  }
0x6d: {  	s10 =	sadd.s32 $0x1, s10;
	[sflag:s11] =	ssyncadd.s32 @!p1 $0xFFFFC000  }
0x6e: {  	p0 =	sne.s32 s10, s6;
	_ =	strace @!p1 $0x9000006B  }
.Ltmp1:
0x6f: {  	_ =	strace $0x8000006C;
	(pc) =	sbr.rel @p0 .LBB2_1-.Ltmp1, $4  }
0x70: {  	_ =	swait.ge [sflag:s9], $0x4000  }
0x71: {  	[sflag:s9] =	ssyncset.done $0x0  }
0x72: {  	[sflag:s9] =	ssyncadd.s32 $0xFFFFC000  }
0x73: {  	_ =	strace $0x9000006C  }
0x74: {  	_ =	sfence.sel $0x180000  }
0x75: {  	[bflag:$0x0] =	sbarrier.arrive $0xFFFF  }
0x76: {  	p0 =	sne.s32 s2, $0x0;
	_ =	strace $0x90000065  }
0x77: {  	s0 =	sadd.s32 @!p0 $0x100000, s0;
	[bflag:$0x2] =	sbarrier.arrive $0xFFFF  }
0x78: {  	[sflag:s0] =	ssyncadd.tile.s32 @!p0 $0x1;
	_ =	shalt  }
.Lfunc_end2:
_tile_overlayer_lowered:
.L_overlay_start_2:
0x79: {  	(tag) =	ssettag $0x2  }
0x7a: {  	s0 =	rddreg [dreg:$0x0];
	s2 =	stileid.u32  }
0x7b: {  	s1 =	rddreg [dreg:$0x1];
	p0 =	sne.s32 s2, $0x0  }
0x7c: {  	s3 =	rddreg [dreg:$0x2];
	[bflag:$0x3] =	sbarrier.arrive $0xFFFF;
	s2 =	simm.s32 @!p0 $0x1C01  }
0x7d: {  	[timem:s3], [sflag:s2] =	dma.local @!p0 [hbm:s0], s1  }
0x7e: {  	s0 =	simm.s32 @!p0 $0x1  }
0x7f: {  	_ =	swait.ge @!p0 [sflag:s0], s1  }
0x80: {  	s1 =	ssub.s32 @!p0 $0x0, s1;
	[sflag:s0] =	ssyncset.done @!p0 $0x0  }
0x81: {  	[sflag:s0] =	ssyncadd.s32 @!p0 s1  }
0x82: {  	[bflag:$0x3] =	sbarrier.arrive $0xFFFF  }
0x83: {  	_ =	shalt  }

// kernel: kernel.15.cloned.1.call-start
scs
__scs_entry_jumppad:
0x0: {  	(pc) =	sbr.rel $0x88, $3  }
0x1: {  	(tag) =	ssettag $0x0;
	lr =	simm.s32 $0x1  }
0x2: {  	[smem:$0x3F8D] =	sst lr;
	_ =	strace $0xD0000000  }
0x3: {  	_ = 	snop  }
0x4: {  	_ = 	snop  }
0x5: {  	_ = 	snop  }
0x6: {  	_ = 	snop  }
0x7: {  	_ = 	snop  }
__scs_overlays_trampoline_lowered:
0x8: {  	[smem:$0x3F9C] =	sst s0  }
0x9: {  	[smem:$0x3F9D] =	sst s1  }
0xa: {  	[smem:$0x3F9E] =	sst s2  }
0xb: {  	[smem:$0x3F9F] =	sst s3  }
0xc: {  	[smem:$0x3FA0] =	sst s4  }
0xd: {  	[smem:$0x3FA1] =	sst s5  }
0xe: {  	[smem:$0x3FA2] =	sst s6  }
0xf: {  	[smem:$0x3FA3] =	sst s7  }
0x10: {  	[smem:$0x3FA4] =	sst s8  }
0x11: {  	[smem:$0x3FA5] =	sst s9;
	s0 =	simm.s32 @!p0 $0x0  }
0x12: {  	s1 =	sld [smem:$0x3F8B];
	s0 =	simm.s32 @p0 $0x1  }
0x13: {  	[smem:$0x3FA6] =	sst s0;
	s0 =	simm.s32 @!p1 $0x0  }
0x14: {  	s2 =	sld [smem:$0x3F8A];
	s0 =	simm.s32 @p1 $0x1  }
0x15: {  	[smem:$0x3FA7] =	sst s0;
	s0 =	simm.s32 @!p2 $0x0  }
0x16: {  	s3 =	sld [smem:$0x3FDB];
	s0 =	simm.s32 @p2 $0x1  }
0x17: {  	s4 =	simm.s32 $0x1BF5;
	[smem:$0x3FA9] =	sst s0  }
0x18: {  	s0 =	sld [smem:$0x3F8C];
	_ =	swait.ge [sflag:s4], $0x0  }
0x19: {  	s7 =	sld [smem:$0x3F8D]  }
0x1a: {  	s8 =	sadd.s32 $0xFFFFE003, lr  }
0x1b: {  	s9 =	sadd.s32 $0xFFFFFEF7, lr;
	s5 =	simm.s32 $0xFFFFFFFF;
	p2 =	slt.u32 s8, $0xFFFFF086  }
0x1c: {  	p1 =	slt.u32 s9, $0xF7A;
	s5 =	simm.s32 @!p2 $0x0  }
0x1d: {  	s5 =	simm.s32 @p1 $0x1;
	p0 =	seq.s32 s7, s2  }
0x1e: {  	s7 =	smul.u32 @!p0 $0xF7A, s2;
	p2 =	seq.s32 @!p0 s5, $0x0  }
0x1f: {  	s9 =	smul.u32 $0xF7A, s1;
	s8 =	simm.s32 @!p0 $0x1BF5;
	p2 =	por !p2, p0  }
0x20: {  	[sflag:s8] =	ssyncset.s32 @!p0 $0xFFFFF086;
	s6 =	sadd.s32 @!p0 s3, s7;
	s7 =	simm.s32 @!p0 $0x108  }
0x21: {  	s3 =	sadd.s32 s3, s9;
	s6 =	sadd.s32 @!p0 $0x88, s6;
	s7 =	simm.s32 @p2 $0x1082  }
0x22: {  	[simem:s7], [sflag:s8] =	dma.local @!p0 [hbm:s6], $0xF7A  }
0x23: {  	s9 =	sor.u32 $0xD0000000, s2;
	s6 =	simm.s32 $0x108;
	_ =	swait.ge @!p0 [sflag:s8], $0x0  }
0x24: {  	s3 =	sadd.s32 $0x88, s3;
	s6 =	simm.s32 @!p1 $0x1082;
	[sflag:s4] =	ssyncset.s32 $0xFFFFF086  }
0x25: {  	[simem:s6], [sflag:s4] =	dma.local [hbm:s3], $0xF7A  }
0x26: {  	[smem:$0x3F8D] =	sst s1;
	(tag) =	ssettag s2;
	_ =	strace s9  }
0x27: {  	s1 =	sld [smem:$0x3F9D]  }
0x28: {  	s2 =	sld [smem:$0x3F9E]  }
0x29: {  	s4 =	sld [smem:$0x3FA0]  }
0x2a: {  	p0 =	seq.s32 s5, $0x0;
	s5 =	sld [smem:$0x3FA1]  }
0x2b: {  	s6 =	sld [smem:$0x3FA2]  }
0x2c: {  	s7 =	sld [smem:$0x3FA3]  }
0x2d: {  	s3 =	simm.s32 $0x108;
	s8 =	sld [smem:$0x3FA4]  }
0x2e: {  	s3 =	simm.s32 @!p0 $0x1082;
	s9 =	sld [smem:$0x3FA5]  }
0x2f: {  	lr =	sadd.s32 s0, s3;
	s0 =	sld [smem:$0x3F9C]  }
0x30: {  	s3 =	sld [smem:$0x3F9F]  }
0x31: {  	[smem:$0x3FA8] =	sst s10  }
0x32: {  	s10 =	sld [smem:$0x3FA6];
	_ =	sdelay $0x3  }
0x33: {  	p0 =	seq.s32 s10, $0x1;
	s10 =	sld [smem:$0x3FA8];
	_ =	sdelay $0x3  }
0x34: {  	[smem:$0x3FA8] =	sst s10  }
0x35: {  	s10 =	sld [smem:$0x3FA7];
	_ =	sdelay $0x3  }
0x36: {  	p1 =	seq.s32 s10, $0x1;
	s10 =	sld [smem:$0x3FA8];
	_ =	sdelay $0x3  }
0x37: {  	[smem:$0x3FA8] =	sst s10  }
0x38: {  	s10 =	sld [smem:$0x3FA9]  }
0x39: {  	_ = 	snop;
	(pc) =	sbr.ind lr, $3  }
0x3a: {  	_ = 	snop  }
0x3b: {  	_ = 	snop  }
0x3c: {  	p2 =	seq.s32 s10, $0x1;
	s10 =	sld [smem:$0x3FA8]  }
0x3d: {  	_ =	shalt  }
0x3e: {  	_ =	shalt  }
0x3f: {  	_ =	shalt  }
0x40: {  	_ =	shalt  }
0x41: {  	_ =	shalt  }
0x42: {  	_ =	shalt  }
0x43: {  	_ =	shalt  }
0x44: {  	_ =	shalt  }
0x45: {  	_ =	shalt  }
0x46: {  	_ =	shalt  }
0x47: {  	_ =	shalt  }
0x48: {  	_ =	shalt  }
0x49: {  	_ =	shalt  }
0x4a: {  	_ =	shalt  }
0x4b: {  	_ =	shalt  }
0x4c: {  	_ =	shalt  }
0x4d: {  	_ =	shalt  }
0x4e: {  	_ =	shalt  }
0x4f: {  	_ =	shalt  }
0x50: {  	_ =	shalt  }
0x51: {  	_ =	shalt  }
0x52: {  	_ =	shalt  }
0x53: {  	_ =	shalt  }
0x54: {  	_ =	shalt  }
0x55: {  	_ =	shalt  }
0x56: {  	_ =	shalt  }
0x57: {  	_ =	shalt  }
0x58: {  	_ =	shalt  }
0x59: {  	_ =	shalt  }
0x5a: {  	_ =	shalt  }
0x5b: {  	_ =	shalt  }
0x5c: {  	_ =	shalt  }
0x5d: {  	_ =	shalt  }
0x5e: {  	_ =	shalt  }
0x5f: {  	_ =	shalt  }
0x60: {  	_ =	shalt  }
0x61: {  	_ =	shalt  }
0x62: {  	_ =	shalt  }
0x63: {  	_ =	shalt  }
0x64: {  	_ =	shalt  }
0x65: {  	_ =	shalt  }
0x66: {  	_ =	shalt  }
0x67: {  	_ =	shalt  }
0x68: {  	_ =	shalt  }
0x69: {  	_ =	shalt  }
0x6a: {  	_ =	shalt  }
0x6b: {  	_ =	shalt  }
0x6c: {  	_ =	shalt  }
0x6d: {  	_ =	shalt  }
0x6e: {  	_ =	shalt  }
0x6f: {  	_ =	shalt  }
0x70: {  	_ =	shalt  }
0x71: {  	_ =	shalt  }
0x72: {  	_ =	shalt  }
0x73: {  	_ =	shalt  }
0x74: {  	_ =	shalt  }
0x75: {  	_ =	shalt  }
0x76: {  	_ =	shalt  }
0x77: {  	_ =	shalt  }
0x78: {  	_ =	shalt  }
0x79: {  	_ =	shalt  }
0x7a: {  	_ =	shalt  }
0x7b: {  	_ =	shalt  }
0x7c: {  	_ =	shalt  }
0x7d: {  	_ =	shalt  }
0x7e: {  	_ =	shalt  }
0x7f: {  	_ =	shalt  }
0x80: {  	_ =	shalt  }
0x81: {  	_ =	shalt  }
0x82: {  	_ =	shalt  }
0x83: {  	_ =	shalt  }
0x84: {  	_ =	shalt  }
0x85: {  	_ =	shalt  }
0x86: {  	_ =	shalt  }
0x87: {  	_ =	shalt  }
.Lfunc_end0:
.L_simem_size_0:
called_computation.1_lowered:
.L_overlay_start_0:
0x88: {  	s2 =	sld [smem:$0x3FD9]  }
0x89: {  	s3 =	sld [smem:$0x3FFE];
	_ =	sdelay $0x1  }
0x8a: {  	s1 =	srdreg.scid  }
0x8b: {  	s0 =	sand.u32 $0x1, s1  }
0x8c: {  	s17 =	sshll.u32 s0, $0xA;
	s2 =	sadd.s32 s3, s2  }
0x8d: {  	s2 =	sadd.s32 s2, s17  }
0x8e: {  	[smem:$0x3FB4] =	sst s2  }
0x8f: {  	_ = 	snop  }
0x90: {  	(tm) =	ssettm $0x1  }
0x91: {  	s18 =	sld [smem:$0x3FFB];
	_ =	sdelay $0x3  }
0x92: {  	_ =	strace s18  }
0x93: {  	s2 =	sld [smem:$0x3FFC];
	_ =	sdelay $0x3  }
0x94: {  	_ =	strace s2  }
0x95: {  	s2 =	sld [smem:$0x3FFD];
	_ =	sdelay $0x3  }
0x96: {  	_ =	strace s2  }
0x97: {  	_ =	strace $0x8FFFFFFF  }
0x98: {  	s19 =	sld [smem:$0x3FDB];
	_ =	sdelay $0x1  }
0x99: {  	s20 =	simm.s32 $_scs_section_size  }
0x9a: {  	s4 =	simm.s32 $_size__tile_overlayer_lowered;
	s5 =	simm.s32 $_tile_overlayer_lowered  }
0x9b: {  	s6 =	simm.s32 $0x1BFF;
	s21 =	sshll.u32 s5, $0x1;
	s3 =	sadd.s32 s20, s19  }
0x9c: {  	s22 =	simm.s32 $0x0;
	s4 =	sshll.u32 s4, $0x1;
	s5 =	sadd.s32 s21, s3  }
0x9d: {  	[timem:s22], [sflag:s6] =	dma.local [hbm:s5], s4  }
0x9e: {  	_ =	swait.ge [sflag:s6], s4  }
0x9f: {  	s4 =	ssub.s32 $0x0, s4;
	[sflag:s6] =	ssyncset.done $0x0  }
0xa0: {  	[sflag:s6] =	ssyncadd.s32 s4;
	_ =	sdelay $0x1  }
0xa1: {  	s23 =	simm.s32 $0x1B8B  }
0xa2: {  	_ =	swait.ge [sflag:s23], $0x1  }
0xa3: {  	[sflag:s23] =	ssyncset.done $0x0  }
0xa4: {  	[sflag:s23] =	ssyncadd.s32 $0xFFFFFFFF  }
0xa5: {  	s4 =	sld [smem:$0x0]  }
0xa6: {  	s5 =	sand.u32 $0xFFFFFFFE, s1  }
0xa7: {  	p0 =	sne.s32 s1, s5  }
0xa8: {  	s5 =	sshll.u32 @p0 s5, $0xE  }
0xa9: {  	s5 =	sadd.s32 @p0 $0x11B8D, s5;
	s6 =	sshll.u32 @p0 s4, $0x11  }
0xaa: {  	s5 =	sor.u32 @p0 s6, s5  }
0xab: {  	[sflag:s5] =	ssyncadd.remote.s32 @p0 $0x1;
	_ =	sdelay $0x1  }
0xac: {  	s5 =	simm.s32 @p0 $0x1B8D  }
0xad: {  	_ =	swait.eq @p0 [sflag:s5], $0x1  }
0xae: {  	[sflag:s5] =	ssyncadd.s32 @p0 $0xFFFFFFFF  }
0xaf: {  	s6 =	sshll.u32 @!p0 s1, $0xE  }
0xb0: {  	s6 =	sor.u32 @!p0 $0x4000, s6;
	s5 =	simm.s32 @!p0 $0x1B8D  }
0xb1: {  	s4 =	sshll.u32 @!p0 s4, $0x11;
	s6 =	sadd.s32 @!p0 $0x11B8D, s6;
	_ =	swait.eq @!p0 [sflag:s5], $0x1  }
0xb2: {  	s4 =	sor.u32 @!p0 s4, s6;
	[sflag:s5] =	ssyncadd.s32 @!p0 $0xFFFFFFFF  }
0xb3: {  	s25 =	simm.s32 $0x1B8E;
	s24 =	sld [smem:$0x3FFE];
	[sflag:s4] =	ssyncadd.remote.s32 @!p0 $0x1  }
0xb4: {  	s26 =	simm.s32 $execute0_lowered;
	[smem:$0x3FD2] =	sst s25  }
0xb5: {  	s5 =	sshll.u32 s26, $0x1;
	_ =	strace $0x8000005A;
	[dreg:$0x1] =	wrdreg $0xFFFFFFFF  }
0xb6: {  	s28 =	simm.s32 $_size_execute0_lowered;
	s3 =	sadd.s32 s3, s5;
	[dreg:$0x0] =	wrdreg $0x0  }
0xb7: {  	s5 =	sshll.u32 s28, $0x1;
	[dreg:$0x2] =	wrdreg s3  }
0xb8: {  	[dreg:$0x3] =	wrdreg s5  }
0xb9: {  	[dreg:$0x4] =	wrdreg $0xC0  }
0xba: {  	_ =	task [dreg:s22], $0x5FFFF  }
0xbb: {  	[dreg:$0x1] =	wrdreg $0xFFFFFFFF  }
0xbc: {  	[dreg:$0x0] =	wrdreg $0x60  }
0xbd: {  	[dreg:$0x2] =	wrdreg s24  }
0xbe: {  	[dreg:$0x3] =	wrdreg $0xA  }
0xbf: {  	_ =	task.clear_ibuf [dreg:s22], $0x4FFFF;
	_ =	strace $0x9000005A  }
0xc0: {  	s29 =	simm.s32 $0xA;
	_ =	strace $0x80000063  }
0xc1: {  	_ =	swait.ge [sflag:s29], $0x1  }
0xc2: {  	[sflag:s29] =	ssyncadd.s32 $0xFFFFFFFF  }
0xc3: {  	_ =	strace $0x90000063  }
0xc4: {  	_ =	sfence  }
0xc5: {  	s30 =	sld [smem:$0x0];
	_ =	sdelay $0x2  }
0xc6: {  	s31 =	sshll.u32 s1, $0xD;
	s1 =	sshrl.u32 s1, $0x2  }
0xc7: {  	s4 =	sand.u32 $0x4000, s31;
	s1 =	sadd.s32 s1, s30  }
0xc8: {  	s0 =	sor.u32 s4, s0;
	s1 =	sshll.u32 s1, $0x11  }
0xc9: {  	s0 =	sor.u32 s1, s0  }
0xca: {  	s0 =	sadd.s32 $0x8F2B, s0  }
0xcb: {  	[sflag:s0] =	ssyncadd.remote.s32 $0x1  }
0xcc: {  	_ =	sfence.sel $0xFFFF  }
0xcd: {  	[dreg:$0x0] =	wrdreg $0xFFFFFFFF;
	(pc) =	sbr.abs _section_cstart, $3  }
0xce: {  	[dreg:$0x1] =	wrdreg $0xFFFFFFFF  }
0xcf: {  	_ =	task.clear_ibuf [dreg:s22], $0x2FFFF;
	_ =	strace $0x9FFFFFFF  }
0xd0: {  	(tm) =	ssettm $0x7FFFFFFF  }
0xd1: {  	_ =	shalt  }
tec
execute0_lowered:
.L_overlay_start_1:
0x0: {  	(tag) =	ssettag $0x1  }
0x1: {  	s3 =	rddreg [dreg:$0x0]  }
0x2: {  	s0 =	rddreg [dreg:$0x1];
	s1 =	simm.s32 $0x0;
	s2 =	srdreg.scid  }
0x3: {  	s31 =	simm.s32 $0x80;
	s9 =	simm.s32 $0x4;
	s10 =	simm.s32 $0x0  }
0x4: {  	[smem:$0x7FF] =	sst s1;
	s4 =	sand.u32 $0x1, s2;
	s5 =	sadd.s32 $0x1E400, s3  }
0x5: {  	s2 =	stileid.u32;
	s29 =	sadd.s32 $0xD5E400, s3;
	s3 =	sadd.s32 $0x11400, s3  }
0x6: {  	_ =	strace $0x8000005B;
	s6 =	sshll.u32 s4, $0x4;
	[dreg:$0x2] =	wrdreg s5  }
0x7: {  	s4 =	ssub.s32 $0x2, s4;
	[dreg:$0x4] =	wrdreg s29;
	s28 =	sor.u32 s2, s6  }
0x8: {  	[dreg:$0x3] =	wrdreg s31;
	s7 =	sshrl.u32 s4, $0x1;
	s8 =	smul.u32 $0x1A0, s28  }
0x9: {  	s30 =	ssub.s32 s4, s7;
	s4 =	smul.u32 $0x1A, s28;
	s7 =	simm.s32 $0x1  }
0xa: {  	s6 =	smax.u32 s30, $0x1;
	s5 =	sadd.s32 s3, s8;
	s8 =	simm.s32 $0x5  }
.LBB2_1:
0xb: {  	_ =	strace $0x8000005C;
	s11 =	simm.s32 $0x1;
	p0 =	por $0x0, $0x0  }
0xc: {  	[tilespmem:s1], [sflag:$0x1] =	stream.linear.gather [hbm4b:s5+s1], $0x80, $0x200038;
	[tilespmem:$0x8100] =	vst v63  }
0xd: {  	s11 =	simm.s32 @p0 $0x0  }
0xe: {  	p4 =	por $0x1, $0x1;
	s20 =	sand.u32 $0x1, s1;
	p1 =	sne.s32 s11, $0x0  }
0xf: {  	p2 =	por $0x1, $0x1;
	s18 =	simm.s32 $0x18;
	p0 =	por !p4, !p1  }
0x10: {  	s16 =	simm.s32 $0x0;
	p5 =	por $0x0, $0x0;
	p0 =	por !p0, !p0  }
0x11: {  	s23 =	sadd.s32 $0x0, s4;
	s30 =	sadd.s32 $0x1, s20;
	s12 =	sadd.s32 @p0 s4, s11  }
0x12: {  	_ =	strace $0x9000005C;
	s13 =	sand.u32 @p0 $0x1, s7;
	s12 =	sshll.u32 @p0 s12, $0x4  }
0x13: {  	_ =	strace @p0 $0x8000005D;
	s15 =	simm.s32 @p0 $0x0;
	s12 =	sand.u32 @p0 $0x1FFFFFF0, s12  }
0x14: {  	s14 =	sshll.u32 @p0 s13, $0x7;
	s13 =	sadd.s32 @p0 $0x1, s13;
	s12 =	sadd.s32 @p0 s3, s12  }
0x15: {  	[tilespmem:s14], [sflag:s13] =	stream.linear.gather @p0 [hbm4b:s12+s15], $0x80, $0x200038;
	[tilespmem:$0x8100] =	vst v63  }
0x16: {  	p3 =	por p2, p2;
	s21 =	sshll.u32 s20, $0xE;
	_ =	strace @p0 $0x9000005D  }
0x17: {  	s16 =	sand.u32 $0x80, s16;
	p2 =	por p5, p5;
	_ =	strace $0x8000005E  }
0x18: {  	s17 =	sadd.s32 $0x1, s11;
	s22 =	sor.u32 $0x100, s21;
	_ =	swait.ge [sflag:s30], $0x80  }
0x19: {  	s21 =	simm.s32 $0x1;
	p6 =	por p1, p1;
	[sflag:s30] =	ssyncset.done $0x0  }
0x1a: {  	p1 =	por p3, p3;
	p4 =	por $0x1, $0x1;
	[sflag:s30] =	ssyncadd.s32 $0xFFFFFF80  }
0x1b: {  	s12 =	simm.s32 $0x19;
	s15 =	sand.u32 @!p3 $0x1, s1;
	_ =	strace $0x9000005E  }
0x1c: {  	s13 =	simm.s32 $0x1;
	p3 =	seq.s32 s17, $0x1A;
	_ =	strace $0x8000005F  }
0x1d: {  	s13 =	simm.s32 @!p0 $0x0;
	s17 =	simm.s32 @p3 $0x0;
	s19 =	rddreg [dreg:$0x3]  }
0x1e: {  	p0 =	por $0x0, $0x0;
	s14 =	sadd.s32 $0x1, s13;
	s31 =	rddreg [dreg:$0x2]  }
0x1f: {  	[tilespmem:s22], [sflag:$0x5] =	stream.indirect.gather [hbm4b:s31+s19], $0x80, s16, s19, $0x2000b8;
	[tilespmem:$0x8100] =	vst v63  }
0x20: {  	p3 =	sne.s32 s11, s17;
	s21 =	simm.s32 @!p0 $0x0;
	_ =	swait.ge [sflag:s8], $0x4000  }
0x21: {  	p5 =	por !p4, !p3;
	p4 =	por $0x0, $0x0;
	[sflag:s8] =	ssyncset.done $0x0  }
0x22: {  	s13 =	simm.s32 $0x0;
	p6 =	por p4, p6;
	[sflag:s8] =	ssyncadd.s32 $0xFFFFC000  }
0x23: {  	s16 =	simm.s32 $0x0;
	s19 =	simm.s32 $0x0;
	_ =	strace $0x9000005F  }
.LBB2_2:
0x24: {  	_ =	strace @p6 $0x80000060;
	s13 =	sadd.s32 s21, s13;
	s21 =	smov.u32 s12  }
0x25: {  	s12 =	smov.u32 s18;
	s18 =	sadd.s32 $0xFFFFFFFF, s18;
	p0 =	por p3, p3  }
0x26: {  	s28 =	sshll.u32 @p6 s23, $0xB;
	s20 =	sadd.s32 @p6 $0x3, s20;
	s24 =	simm.s32 @!p0 $0x0  }
0x27: {  	s25 =	rddreg [dreg:$0x4];
	s28 =	sand.u32 @p6 $0x1FFFF800, s28;
	s24 =	simm.s32 @p0 $0x1  }
0x28: {  	s25 =	sadd.s32 @p6 s25, s28;
	s28 =	simm.s32 @p6 $0x0;
	p0 =	sne.s32 s18, $0x0  }
0x29: {  	[hbm4b:s25+s28] =	stream.linear.scatter @p6 [tilespmem:s22], [sflag:s20], $0x4000, $0x200038;
	[tilespmem:$0x8100] =	vst v63  }
0x2a: {  	s20 =	sadd.s32 @!p1 $0x3, s15;
	s15 =	simm.s32 @!p0 $0x0  }
0x2b: {  	s26 =	simm.s32 $0x1;
	[smem:$0x7FC] =	sst s24;
	s15 =	simm.s32 @p0 $0x1  }
0x2c: {  	s26 =	simm.s32 @!p6 $0x0;
	_ =	strace @p6 $0x90000060;
	[smem:$0x7FD] =	sst s15  }
0x2d: {  	p5 =	por !p5, !p5;
	s19 =	sadd.s32 s26, s19;
	_ =	strace @!p1 $0x80000061  }
0x2e: {  	s24 =	sand.u32 @!p2 $0x1, s13;
	s22 =	sand.u32 @p5 $0x1, s14;
	_ =	swait.ge @!p1 [sflag:s20], $0x4000  }
0x2f: {  	s15 =	smov.u32 s24;
	s24 =	sadd.s32 @p5 s4, s17;
	[sflag:s20] =	ssyncset.done @!p1 $0x0  }
0x30: {  	s25 =	sshll.u32 @p5 s22, $0x7;
	s24 =	sshll.u32 @p5 s24, $0x4;
	[sflag:s20] =	ssyncadd.s32 @!p1 $0xFFFFC000  }
0x31: {  	s20 =	sadd.s32 @p5 $0x1, s22;
	s22 =	sand.u32 @p5 $0x1FFFFFF0, s24;
	_ =	strace @!p1 $0x90000061  }
0x32: {  	s24 =	simm.s32 @p5 $0x0;
	s22 =	sadd.s32 @p5 s3, s22;
	_ =	strace @p5 $0x8000005D  }
0x33: {  	[tilespmem:s25], [sflag:s20] =	stream.linear.gather @p5 [hbm4b:s22+s24], $0x80, $0x200038;
	[tilespmem:$0x8100] =	vst v63  }
0x34: {  	s16 =	sadd.s32 s26, s16;
	s26 =	sand.u32 $0x1, s19;
	_ =	strace @p5 $0x9000005D  }
0x35: {  	s24 =	sadd.s32 $0x1, s26;
	_ =	strace $0x8000005E  }
0x36: {  	_ =	swait.ge [sflag:s24], $0x80  }
0x37: {  	[sflag:s24] =	ssyncset.done $0x0  }
0x38: {  	s20 =	simm.s32 $0x1;
	[sflag:s24] =	ssyncadd.s32 $0xFFFFFF80  }
0x39: {  	s20 =	simm.s32 @!p5 $0x0;
	_ =	strace $0x9000005E  }
0x3a: {  	s14 =	sadd.s32 s20, s14;
	s20 =	sand.u32 $0x1, s16;
	_ =	strace $0x8000005F  }
0x3b: {  	s29 =	sshll.u32 s19, $0x7;
	s25 =	sshll.u32 s20, $0xE;
	s26 =	rddreg [dreg:$0x3]  }
0x3c: {  	s29 =	sand.u32 $0x80, s29;
	s22 =	sor.u32 $0x100, s25;
	s30 =	rddreg [dreg:$0x2]  }
0x3d: {  	[tilespmem:s22], [sflag:$0x5] =	stream.indirect.gather [hbm4b:s30+s26], $0x80, s29, s26, $0x2000b8;
	[tilespmem:$0x8100] =	vst v63  }
0x3e: {  	_ =	swait.ge [sflag:s8], $0x4000  }
0x3f: {  	s31 =	sadd.s32 $0x1, s17;
	[sflag:s8] =	ssyncset.done $0x0  }
0x40: {  	s23 =	sadd.s32 s4, s11;
	s11 =	smov.u32 s17;
	[sflag:s8] =	ssyncadd.s32 $0xFFFFC000  }
0x41: {  	p3 =	seq.s32 s31, $0x1A;
	s17 =	smov.u32 s31;
	_ =	strace $0x9000005F  }
0x42: {  	s17 =	simm.s32 @p3 $0x0;
	s31 =	sld [smem:$0x7FD]  }
0x43: {  	p6 =	sne.s32 s12, $0x1;
	p0 =	sne.s32 s21, $0x1A;
	p3 =	sne.s32 s11, s17  }
0x44: {  	p5 =	por !p6, !p3;
	p6 =	seq.s32 s21, $0x1;
	s21 =	simm.s32 $0x1  }
0x45: {  	s21 =	simm.s32 @!p0 $0x0;
	p0 =	seq.s32 s31, $0x1  }
.Ltmp0:
0x46: {  	s30 =	sld [smem:$0x7FC];
	(pc) =	sbr.rel @p0 .LBB2_2-.Ltmp0, $4  }
0x47: {  	_ = 	snop  }
0x48: {  	p4 =	seq.s32 s12, $0x1A  }
0x49: {  	p1 =	por p2, p2;
	p2 =	por p4, p4;
	p4 =	seq.s32 s30, $0x1  }
0x4a: {  	p6 =	por p6, p4  }
0x4b: {  	_ =	strace @p6 $0x80000060;
	s23 =	sshll.u32 @p6 s23, $0xB  }
0x4c: {  	s18 =	rddreg [dreg:$0x4];
	s23 =	sand.u32 @p6 $0x1FFFF800, s23  }
0x4d: {  	s20 =	sadd.s32 @p6 $0x3, s20;
	s18 =	sadd.s32 @p6 s18, s23;
	s23 =	simm.s32 @p6 $0x0  }
0x4e: {  	[hbm4b:s18+s23] =	stream.linear.scatter @p6 [tilespmem:s22], [sflag:s20], $0x4000, $0x200038;
	[tilespmem:$0x8100] =	vst v63  }
0x4f: {  	p0 =	por !p5, !p5;
	_ =	strace @p6 $0x90000060  }
0x50: {  	s15 =	sadd.s32 @!p1 $0x3, s15;
	s17 =	sadd.s32 @p0 s4, s17;
	_ =	strace @!p1 $0x80000061  }
0x51: {  	s14 =	sand.u32 @p0 $0x1, s14;
	s17 =	sshll.u32 @p0 s17, $0x4;
	_ =	swait.ge @!p1 [sflag:s15], $0x4000  }
0x52: {  	s18 =	simm.s32 $0x1;
	s20 =	sshll.u32 @p0 s14, $0x7;
	[sflag:s15] =	ssyncset.done @!p1 $0x0  }
0x53: {  	s14 =	sadd.s32 @p0 $0x1, s14;
	s18 =	simm.s32 @!p6 $0x0;
	[sflag:s15] =	ssyncadd.s32 @!p1 $0xFFFFC000  }
0x54: {  	s19 =	sadd.s32 s18, s19;
	s15 =	sand.u32 @p0 $0x1FFFFFF0, s17;
	_ =	strace @!p1 $0x90000061  }
0x55: {  	s17 =	simm.s32 @p0 $0x0;
	s15 =	sadd.s32 @p0 s3, s15;
	_ =	strace @p0 $0x8000005D  }
0x56: {  	[tilespmem:s20], [sflag:s14] =	stream.linear.gather @p0 [hbm4b:s15+s17], $0x80, $0x200038;
	[tilespmem:$0x8100] =	vst v63  }
0x57: {  	s25 =	sand.u32 $0x1, s19;
	_ =	strace @p0 $0x9000005D  }
0x58: {  	s14 =	sadd.s32 $0x1, s25;
	_ =	strace $0x8000005E  }
0x59: {  	_ =	swait.ge [sflag:s14], $0x80  }
0x5a: {  	[sflag:s14] =	ssyncset.done $0x0  }
0x5b: {  	[sflag:s14] =	ssyncadd.s32 $0xFFFFFF80  }
0x5c: {  	s26 =	sadd.s32 s18, s16;
	_ =	strace $0x9000005E  }
0x5d: {  	s14 =	sand.u32 $0x1, s26;
	_ =	strace $0x8000005F  }
0x5e: {  	s30 =	sshll.u32 s19, $0x7;
	s31 =	sshll.u32 s14, $0xE;
	s28 =	rddreg [dreg:$0x3]  }
0x5f: {  	s17 =	sand.u32 $0x80, s30;
	s18 =	sor.u32 $0x100, s31;
	s29 =	rddreg [dreg:$0x2]  }
0x60: {  	[tilespmem:s18], [sflag:$0x5] =	stream.indirect.gather [hbm4b:s29+s28], $0x80, s17, s28, $0x2000b8;
	[tilespmem:$0x8100] =	vst v63  }
0x61: {  	_ =	swait.ge [sflag:s8], $0x4000  }
0x62: {  	[sflag:s8] =	ssyncset.done $0x0  }
0x63: {  	p5 =	por p3, p3;
	p6 =	seq.s32 s12, $0x1;
	[sflag:s8] =	ssyncadd.s32 $0xFFFFC000  }
0x64: {  	s11 =	sadd.s32 s4, s11;
	p0 =	por p6, p5;
	_ =	strace $0x9000005F  }
0x65: {  	s11 =	sshll.u32 @p0 s11, $0xB;
	_ =	strace @p0 $0x80000060  }
0x66: {  	s13 =	sadd.s32 s21, s13;
	s11 =	sand.u32 @p0 $0x1FFFF800, s11;
	s12 =	rddreg [dreg:$0x4]  }
0x67: {  	s14 =	sadd.s32 @p0 $0x3, s14;
	s11 =	sadd.s32 @p0 s12, s11;
	s12 =	simm.s32 @p0 $0x0  }
0x68: {  	[hbm4b:s11+s12] =	stream.linear.scatter @p0 [tilespmem:s18], [sflag:s14], $0x4000, $0x200038;
	[tilespmem:$0x8100] =	vst v63  }
0x69: {  	p1 =	por p2, p2;
	s11 =	sand.u32 @!p2 $0x1, s13;
	_ =	strace @p0 $0x90000060  }
0x6a: {  	s11 =	sadd.s32 @!p1 $0x3, s11;
	_ =	strace @!p1 $0x80000061  }
0x6b: {  	_ =	swait.ge @!p1 [sflag:s11], $0x4000  }
0x6c: {  	[sflag:s11] =	ssyncset.done @!p1 $0x0  }
0x6d: {  	s10 =	sadd.s32 $0x1, s10;
	[sflag:s11] =	ssyncadd.s32 @!p1 $0xFFFFC000  }
0x6e: {  	p0 =	sne.s32 s10, s6;
	_ =	strace @!p1 $0x90000061  }
.Ltmp1:
0x6f: {  	_ =	strace $0x80000062;
	(pc) =	sbr.rel @p0 .LBB2_1-.Ltmp1, $4  }
0x70: {  	_ =	swait.ge [sflag:s9], $0x4000  }
0x71: {  	[sflag:s9] =	ssyncset.done $0x0  }
0x72: {  	[sflag:s9] =	ssyncadd.s32 $0xFFFFC000  }
0x73: {  	_ =	strace $0x90000062  }
0x74: {  	_ =	sfence.sel $0x180000  }
0x75: {  	[bflag:$0x0] =	sbarrier.arrive $0xFFFF  }
0x76: {  	p0 =	sne.s32 s2, $0x0;
	_ =	strace $0x9000005B  }
0x77: {  	s0 =	sadd.s32 @!p0 $0x100000, s0;
	[bflag:$0x2] =	sbarrier.arrive $0xFFFF  }
0x78: {  	[sflag:s0] =	ssyncadd.tile.s32 @!p0 $0x1;
	_ =	shalt  }
.Lfunc_end2:
_tile_overlayer_lowered:
.L_overlay_start_2:
0x79: {  	(tag) =	ssettag $0x2  }
0x7a: {  	s0 =	rddreg [dreg:$0x0];
	s2 =	stileid.u32  }
0x7b: {  	s1 =	rddreg [dreg:$0x1];
	p0 =	sne.s32 s2, $0x0  }
0x7c: {  	s3 =	rddreg [dreg:$0x2];
	[bflag:$0x3] =	sbarrier.arrive $0xFFFF;
	s2 =	simm.s32 @!p0 $0x1C01  }
0x7d: {  	[timem:s3], [sflag:s2] =	dma.local @!p0 [hbm:s0], s1  }
0x7e: {  	s0 =	simm.s32 @!p0 $0x1  }
0x7f: {  	_ =	swait.ge @!p0 [sflag:s0], s1  }
0x80: {  	s1 =	ssub.s32 @!p0 $0x0, s1;
	[sflag:s0] =	ssyncset.done @!p0 $0x0  }
0x81: {  	[sflag:s0] =	ssyncadd.s32 @!p0 s1  }
0x82: {  	[bflag:$0x3] =	sbarrier.arrive $0xFFFF  }
0x83: {  	_ =	shalt  }

// kernel: kernel.18.cloned.1.call-start
scs
__scs_entry_jumppad:
0x0: {  	(pc) =	sbr.rel $0x88, $3  }
0x1: {  	(tag) =	ssettag $0x0;
	lr =	simm.s32 $0x1  }
0x2: {  	[smem:$0x3F8D] =	sst lr;
	_ =	strace $0xD0000000  }
0x3: {  	_ = 	snop  }
0x4: {  	_ = 	snop  }
0x5: {  	_ = 	snop  }
0x6: {  	_ = 	snop  }
0x7: {  	_ = 	snop  }
__scs_overlays_trampoline_lowered:
0x8: {  	[smem:$0x3F9C] =	sst s0  }
0x9: {  	[smem:$0x3F9D] =	sst s1  }
0xa: {  	[smem:$0x3F9E] =	sst s2  }
0xb: {  	[smem:$0x3F9F] =	sst s3  }
0xc: {  	[smem:$0x3FA0] =	sst s4  }
0xd: {  	[smem:$0x3FA1] =	sst s5  }
0xe: {  	[smem:$0x3FA2] =	sst s6  }
0xf: {  	[smem:$0x3FA3] =	sst s7  }
0x10: {  	[smem:$0x3FA4] =	sst s8  }
0x11: {  	[smem:$0x3FA5] =	sst s9;
	s0 =	simm.s32 @!p0 $0x0  }
0x12: {  	s1 =	sld [smem:$0x3F8B];
	s0 =	simm.s32 @p0 $0x1  }
0x13: {  	[smem:$0x3FA6] =	sst s0;
	s0 =	simm.s32 @!p1 $0x0  }
0x14: {  	s2 =	sld [smem:$0x3F8A];
	s0 =	simm.s32 @p1 $0x1  }
0x15: {  	[smem:$0x3FA7] =	sst s0;
	s0 =	simm.s32 @!p2 $0x0  }
0x16: {  	s3 =	sld [smem:$0x3FDB];
	s0 =	simm.s32 @p2 $0x1  }
0x17: {  	s4 =	simm.s32 $0x1BF5;
	[smem:$0x3FA9] =	sst s0  }
0x18: {  	s0 =	sld [smem:$0x3F8C];
	_ =	swait.ge [sflag:s4], $0x0  }
0x19: {  	s7 =	sld [smem:$0x3F8D]  }
0x1a: {  	s8 =	sadd.s32 $0xFFFFE003, lr  }
0x1b: {  	s9 =	sadd.s32 $0xFFFFFEF7, lr;
	s5 =	simm.s32 $0xFFFFFFFF;
	p2 =	slt.u32 s8, $0xFFFFF086  }
0x1c: {  	p1 =	slt.u32 s9, $0xF7A;
	s5 =	simm.s32 @!p2 $0x0  }
0x1d: {  	s5 =	simm.s32 @p1 $0x1;
	p0 =	seq.s32 s7, s2  }
0x1e: {  	s7 =	smul.u32 @!p0 $0xF7A, s2;
	p2 =	seq.s32 @!p0 s5, $0x0  }
0x1f: {  	s9 =	smul.u32 $0xF7A, s1;
	s8 =	simm.s32 @!p0 $0x1BF5;
	p2 =	por !p2, p0  }
0x20: {  	[sflag:s8] =	ssyncset.s32 @!p0 $0xFFFFF086;
	s6 =	sadd.s32 @!p0 s3, s7;
	s7 =	simm.s32 @!p0 $0x108  }
0x21: {  	s3 =	sadd.s32 s3, s9;
	s6 =	sadd.s32 @!p0 $0x88, s6;
	s7 =	simm.s32 @p2 $0x1082  }
0x22: {  	[simem:s7], [sflag:s8] =	dma.local @!p0 [hbm:s6], $0xF7A  }
0x23: {  	s9 =	sor.u32 $0xD0000000, s2;
	s6 =	simm.s32 $0x108;
	_ =	swait.ge @!p0 [sflag:s8], $0x0  }
0x24: {  	s3 =	sadd.s32 $0x88, s3;
	s6 =	simm.s32 @!p1 $0x1082;
	[sflag:s4] =	ssyncset.s32 $0xFFFFF086  }
0x25: {  	[simem:s6], [sflag:s4] =	dma.local [hbm:s3], $0xF7A  }
0x26: {  	[smem:$0x3F8D] =	sst s1;
	(tag) =	ssettag s2;
	_ =	strace s9  }
0x27: {  	s1 =	sld [smem:$0x3F9D]  }
0x28: {  	s2 =	sld [smem:$0x3F9E]  }
0x29: {  	s4 =	sld [smem:$0x3FA0]  }
0x2a: {  	p0 =	seq.s32 s5, $0x0;
	s5 =	sld [smem:$0x3FA1]  }
0x2b: {  	s6 =	sld [smem:$0x3FA2]  }
0x2c: {  	s7 =	sld [smem:$0x3FA3]  }
0x2d: {  	s3 =	simm.s32 $0x108;
	s8 =	sld [smem:$0x3FA4]  }
0x2e: {  	s3 =	simm.s32 @!p0 $0x1082;
	s9 =	sld [smem:$0x3FA5]  }
0x2f: {  	lr =	sadd.s32 s0, s3;
	s0 =	sld [smem:$0x3F9C]  }
0x30: {  	s3 =	sld [smem:$0x3F9F]  }
0x31: {  	[smem:$0x3FA8] =	sst s10  }
0x32: {  	s10 =	sld [smem:$0x3FA6];
	_ =	sdelay $0x3  }
0x33: {  	p0 =	seq.s32 s10, $0x1;
	s10 =	sld [smem:$0x3FA8];
	_ =	sdelay $0x3  }
0x34: {  	[smem:$0x3FA8] =	sst s10  }
0x35: {  	s10 =	sld [smem:$0x3FA7];
	_ =	sdelay $0x3  }
0x36: {  	p1 =	seq.s32 s10, $0x1;
	s10 =	sld [smem:$0x3FA8];
	_ =	sdelay $0x3  }
0x37: {  	[smem:$0x3FA8] =	sst s10  }
0x38: {  	s10 =	sld [smem:$0x3FA9]  }
0x39: {  	_ = 	snop;
	(pc) =	sbr.ind lr, $3  }
0x3a: {  	_ = 	snop  }
0x3b: {  	_ = 	snop  }
0x3c: {  	p2 =	seq.s32 s10, $0x1;
	s10 =	sld [smem:$0x3FA8]  }
0x3d: {  	_ =	shalt  }
0x3e: {  	_ =	shalt  }
0x3f: {  	_ =	shalt  }
0x40: {  	_ =	shalt  }
0x41: {  	_ =	shalt  }
0x42: {  	_ =	shalt  }
0x43: {  	_ =	shalt  }
0x44: {  	_ =	shalt  }
0x45: {  	_ =	shalt  }
0x46: {  	_ =	shalt  }
0x47: {  	_ =	shalt  }
0x48: {  	_ =	shalt  }
0x49: {  	_ =	shalt  }
0x4a: {  	_ =	shalt  }
0x4b: {  	_ =	shalt  }
0x4c: {  	_ =	shalt  }
0x4d: {  	_ =	shalt  }
0x4e: {  	_ =	shalt  }
0x4f: {  	_ =	shalt  }
0x50: {  	_ =	shalt  }
0x51: {  	_ =	shalt  }
0x52: {  	_ =	shalt  }
0x53: {  	_ =	shalt  }
0x54: {  	_ =	shalt  }
0x55: {  	_ =	shalt  }
0x56: {  	_ =	shalt  }
0x57: {  	_ =	shalt  }
0x58: {  	_ =	shalt  }
0x59: {  	_ =	shalt  }
0x5a: {  	_ =	shalt  }
0x5b: {  	_ =	shalt  }
0x5c: {  	_ =	shalt  }
0x5d: {  	_ =	shalt  }
0x5e: {  	_ =	shalt  }
0x5f: {  	_ =	shalt  }
0x60: {  	_ =	shalt  }
0x61: {  	_ =	shalt  }
0x62: {  	_ =	shalt  }
0x63: {  	_ =	shalt  }
0x64: {  	_ =	shalt  }
0x65: {  	_ =	shalt  }
0x66: {  	_ =	shalt  }
0x67: {  	_ =	shalt  }
0x68: {  	_ =	shalt  }
0x69: {  	_ =	shalt  }
0x6a: {  	_ =	shalt  }
0x6b: {  	_ =	shalt  }
0x6c: {  	_ =	shalt  }
0x6d: {  	_ =	shalt  }
0x6e: {  	_ =	shalt  }
0x6f: {  	_ =	shalt  }
0x70: {  	_ =	shalt  }
0x71: {  	_ =	shalt  }
0x72: {  	_ =	shalt  }
0x73: {  	_ =	shalt  }
0x74: {  	_ =	shalt  }
0x75: {  	_ =	shalt  }
0x76: {  	_ =	shalt  }
0x77: {  	_ =	shalt  }
0x78: {  	_ =	shalt  }
0x79: {  	_ =	shalt  }
0x7a: {  	_ =	shalt  }
0x7b: {  	_ =	shalt  }
0x7c: {  	_ =	shalt  }
0x7d: {  	_ =	shalt  }
0x7e: {  	_ =	shalt  }
0x7f: {  	_ =	shalt  }
0x80: {  	_ =	shalt  }
0x81: {  	_ =	shalt  }
0x82: {  	_ =	shalt  }
0x83: {  	_ =	shalt  }
0x84: {  	_ =	shalt  }
0x85: {  	_ =	shalt  }
0x86: {  	_ =	shalt  }
0x87: {  	_ =	shalt  }
.Lfunc_end0:
.L_simem_size_0:
called_computation.2_lowered:
.L_overlay_start_0:
0x88: {  	s2 =	sld [smem:$0x3FD9]  }
0x89: {  	s3 =	sld [smem:$0x3FFE];
	_ =	sdelay $0x1  }
0x8a: {  	s1 =	srdreg.scid  }
0x8b: {  	s0 =	sand.u32 $0x1, s1  }
0x8c: {  	s17 =	sshll.u32 s0, $0xA;
	s2 =	sadd.s32 s3, s2  }
0x8d: {  	s2 =	sadd.s32 s2, s17  }
0x8e: {  	[smem:$0x3FB4] =	sst s2  }
0x8f: {  	_ = 	snop  }
0x90: {  	(tm) =	ssettm $0x1  }
0x91: {  	s18 =	sld [smem:$0x3FFB];
	_ =	sdelay $0x3  }
0x92: {  	_ =	strace s18  }
0x93: {  	s2 =	sld [smem:$0x3FFC];
	_ =	sdelay $0x3  }
0x94: {  	_ =	strace s2  }
0x95: {  	s2 =	sld [smem:$0x3FFD];
	_ =	sdelay $0x3  }
0x96: {  	_ =	strace s2  }
0x97: {  	_ =	strace $0x8FFFFFFF  }
0x98: {  	s19 =	sld [smem:$0x3FDB];
	_ =	sdelay $0x1  }
0x99: {  	s20 =	simm.s32 $_scs_section_size  }
0x9a: {  	s4 =	simm.s32 $_size__tile_overlayer_lowered;
	s5 =	simm.s32 $_tile_overlayer_lowered  }
0x9b: {  	s6 =	simm.s32 $0x1BFF;
	s21 =	sshll.u32 s5, $0x1;
	s3 =	sadd.s32 s20, s19  }
0x9c: {  	s22 =	simm.s32 $0x0;
	s4 =	sshll.u32 s4, $0x1;
	s5 =	sadd.s32 s21, s3  }
0x9d: {  	[timem:s22], [sflag:s6] =	dma.local [hbm:s5], s4  }
0x9e: {  	_ =	swait.ge [sflag:s6], s4  }
0x9f: {  	s4 =	ssub.s32 $0x0, s4;
	[sflag:s6] =	ssyncset.done $0x0  }
0xa0: {  	[sflag:s6] =	ssyncadd.s32 s4;
	_ =	sdelay $0x1  }
0xa1: {  	s23 =	simm.s32 $0x1B8B  }
0xa2: {  	_ =	swait.ge [sflag:s23], $0x1  }
0xa3: {  	[sflag:s23] =	ssyncset.done $0x0  }
0xa4: {  	[sflag:s23] =	ssyncadd.s32 $0xFFFFFFFF  }
0xa5: {  	s4 =	sld [smem:$0x0]  }
0xa6: {  	s5 =	sand.u32 $0xFFFFFFFE, s1  }
0xa7: {  	p0 =	sne.s32 s1, s5  }
0xa8: {  	s5 =	sshll.u32 @p0 s5, $0xE  }
0xa9: {  	s5 =	sadd.s32 @p0 $0x11B8D, s5;
	s6 =	sshll.u32 @p0 s4, $0x11  }
0xaa: {  	s5 =	sor.u32 @p0 s6, s5  }
0xab: {  	[sflag:s5] =	ssyncadd.remote.s32 @p0 $0x1;
	_ =	sdelay $0x1  }
0xac: {  	s5 =	simm.s32 @p0 $0x1B8D  }
0xad: {  	_ =	swait.eq @p0 [sflag:s5], $0x1  }
0xae: {  	[sflag:s5] =	ssyncadd.s32 @p0 $0xFFFFFFFF  }
0xaf: {  	s6 =	sshll.u32 @!p0 s1, $0xE  }
0xb0: {  	s6 =	sor.u32 @!p0 $0x4000, s6;
	s5 =	simm.s32 @!p0 $0x1B8D  }
0xb1: {  	s4 =	sshll.u32 @!p0 s4, $0x11;
	s6 =	sadd.s32 @!p0 $0x11B8D, s6;
	_ =	swait.eq @!p0 [sflag:s5], $0x1  }
0xb2: {  	s4 =	sor.u32 @!p0 s4, s6;
	[sflag:s5] =	ssyncadd.s32 @!p0 $0xFFFFFFFF  }
0xb3: {  	s25 =	simm.s32 $0x1B8E;
	s24 =	sld [smem:$0x3FFE];
	[sflag:s4] =	ssyncadd.remote.s32 @!p0 $0x1  }
0xb4: {  	s26 =	simm.s32 $execute0_lowered;
	[smem:$0x3FD2] =	sst s25  }
0xb5: {  	s5 =	sshll.u32 s26, $0x1;
	_ =	strace $0x80000050;
	[dreg:$0x1] =	wrdreg $0xFFFFFFFF  }
0xb6: {  	s28 =	simm.s32 $_size_execute0_lowered;
	s3 =	sadd.s32 s3, s5;
	[dreg:$0x0] =	wrdreg $0x0  }
0xb7: {  	s5 =	sshll.u32 s28, $0x1;
	[dreg:$0x2] =	wrdreg s3  }
0xb8: {  	[dreg:$0x3] =	wrdreg s5  }
0xb9: {  	[dreg:$0x4] =	wrdreg $0xC0  }
0xba: {  	_ =	task [dreg:s22], $0x5FFFF  }
0xbb: {  	[dreg:$0x1] =	wrdreg $0xFFFFFFFF  }
0xbc: {  	[dreg:$0x0] =	wrdreg $0x60  }
0xbd: {  	[dreg:$0x2] =	wrdreg s24  }
0xbe: {  	[dreg:$0x3] =	wrdreg $0xB  }
0xbf: {  	_ =	task.clear_ibuf [dreg:s22], $0x4FFFF;
	_ =	strace $0x90000050  }
0xc0: {  	s29 =	simm.s32 $0xB;
	_ =	strace $0x80000059  }
0xc1: {  	_ =	swait.ge [sflag:s29], $0x1  }
0xc2: {  	[sflag:s29] =	ssyncadd.s32 $0xFFFFFFFF  }
0xc3: {  	_ =	strace $0x90000059  }
0xc4: {  	_ =	sfence  }
0xc5: {  	s30 =	sld [smem:$0x0];
	_ =	sdelay $0x2  }
0xc6: {  	s31 =	sshll.u32 s1, $0xD;
	s1 =	sshrl.u32 s1, $0x2  }
0xc7: {  	s4 =	sand.u32 $0x4000, s31;
	s1 =	sadd.s32 s1, s30  }
0xc8: {  	s0 =	sor.u32 s4, s0;
	s1 =	sshll.u32 s1, $0x11  }
0xc9: {  	s0 =	sor.u32 s1, s0  }
0xca: {  	s0 =	sadd.s32 $0x8F2B, s0  }
0xcb: {  	[sflag:s0] =	ssyncadd.remote.s32 $0x1  }
0xcc: {  	_ =	sfence.sel $0xFFFF  }
0xcd: {  	[dreg:$0x0] =	wrdreg $0xFFFFFFFF;
	(pc) =	sbr.abs _section_cstart, $3  }
0xce: {  	[dreg:$0x1] =	wrdreg $0xFFFFFFFF  }
0xcf: {  	_ =	task.clear_ibuf [dreg:s22], $0x2FFFF;
	_ =	strace $0x9FFFFFFF  }
0xd0: {  	(tm) =	ssettm $0x7FFFFFFF  }
0xd1: {  	_ =	shalt  }
tec
execute0_lowered:
.L_overlay_start_1:
0x0: {  	(tag) =	ssettag $0x1  }
0x1: {  	s3 =	rddreg [dreg:$0x0]  }
0x2: {  	s0 =	rddreg [dreg:$0x1];
	s1 =	simm.s32 $0x0;
	s2 =	srdreg.scid  }
0x3: {  	s31 =	simm.s32 $0x80;
	s9 =	simm.s32 $0x4;
	s10 =	simm.s32 $0x0  }
0x4: {  	[smem:$0x7FF] =	sst s1;
	s4 =	sand.u32 $0x1, s2;
	s5 =	sadd.s32 $0x1E400, s3  }
0x5: {  	s2 =	stileid.u32;
	s29 =	sadd.s32 $0xBBE400, s3;
	s3 =	sadd.s32 $0xAC00, s3  }
0x6: {  	_ =	strace $0x80000051;
	s6 =	sshll.u32 s4, $0x4;
	[dreg:$0x2] =	wrdreg s5  }
0x7: {  	s4 =	ssub.s32 $0x2, s4;
	[dreg:$0x4] =	wrdreg s29;
	s28 =	sor.u32 s2, s6  }
0x8: {  	[dreg:$0x3] =	wrdreg s31;
	s7 =	sshrl.u32 s4, $0x1;
	s8 =	smul.u32 $0x1A0, s28  }
0x9: {  	s30 =	ssub.s32 s4, s7;
	s4 =	smul.u32 $0x1A, s28;
	s7 =	simm.s32 $0x1  }
0xa: {  	s6 =	smax.u32 s30, $0x1;
	s5 =	sadd.s32 s3, s8;
	s8 =	simm.s32 $0x5  }
.LBB2_1:
0xb: {  	_ =	strace $0x80000052;
	s11 =	simm.s32 $0x1;
	p0 =	por $0x0, $0x0  }
0xc: {  	[tilespmem:s1], [sflag:$0x1] =	stream.linear.gather [hbm4b:s5+s1], $0x80, $0x200038;
	[tilespmem:$0x8100] =	vst v63  }
0xd: {  	s11 =	simm.s32 @p0 $0x0  }
0xe: {  	p4 =	por $0x1, $0x1;
	s20 =	sand.u32 $0x1, s1;
	p1 =	sne.s32 s11, $0x0  }
0xf: {  	p2 =	por $0x1, $0x1;
	s18 =	simm.s32 $0x18;
	p0 =	por !p4, !p1  }
0x10: {  	s16 =	simm.s32 $0x0;
	p5 =	por $0x0, $0x0;
	p0 =	por !p0, !p0  }
0x11: {  	s23 =	sadd.s32 $0x0, s4;
	s30 =	sadd.s32 $0x1, s20;
	s12 =	sadd.s32 @p0 s4, s11  }
0x12: {  	_ =	strace $0x90000052;
	s13 =	sand.u32 @p0 $0x1, s7;
	s12 =	sshll.u32 @p0 s12, $0x4  }
0x13: {  	_ =	strace @p0 $0x80000053;
	s15 =	simm.s32 @p0 $0x0;
	s12 =	sand.u32 @p0 $0x1FFFFFF0, s12  }
0x14: {  	s14 =	sshll.u32 @p0 s13, $0x7;
	s13 =	sadd.s32 @p0 $0x1, s13;
	s12 =	sadd.s32 @p0 s3, s12  }
0x15: {  	[tilespmem:s14], [sflag:s13] =	stream.linear.gather @p0 [hbm4b:s12+s15], $0x80, $0x200038;
	[tilespmem:$0x8100] =	vst v63  }
0x16: {  	p3 =	por p2, p2;
	s21 =	sshll.u32 s20, $0xE;
	_ =	strace @p0 $0x90000053  }
0x17: {  	s16 =	sand.u32 $0x80, s16;
	p2 =	por p5, p5;
	_ =	strace $0x80000054  }
0x18: {  	s17 =	sadd.s32 $0x1, s11;
	s22 =	sor.u32 $0x100, s21;
	_ =	swait.ge [sflag:s30], $0x80  }
0x19: {  	s21 =	simm.s32 $0x1;
	p6 =	por p1, p1;
	[sflag:s30] =	ssyncset.done $0x0  }
0x1a: {  	p1 =	por p3, p3;
	p4 =	por $0x1, $0x1;
	[sflag:s30] =	ssyncadd.s32 $0xFFFFFF80  }
0x1b: {  	s12 =	simm.s32 $0x19;
	s15 =	sand.u32 @!p3 $0x1, s1;
	_ =	strace $0x90000054  }
0x1c: {  	s13 =	simm.s32 $0x1;
	p3 =	seq.s32 s17, $0x1A;
	_ =	strace $0x80000055  }
0x1d: {  	s13 =	simm.s32 @!p0 $0x0;
	s17 =	simm.s32 @p3 $0x0;
	s19 =	rddreg [dreg:$0x3]  }
0x1e: {  	p0 =	por $0x0, $0x0;
	s14 =	sadd.s32 $0x1, s13;
	s31 =	rddreg [dreg:$0x2]  }
0x1f: {  	[tilespmem:s22], [sflag:$0x5] =	stream.indirect.gather [hbm4b:s31+s19], $0x80, s16, s19, $0x2000b8;
	[tilespmem:$0x8100] =	vst v63  }
0x20: {  	p3 =	sne.s32 s11, s17;
	s21 =	simm.s32 @!p0 $0x0;
	_ =	swait.ge [sflag:s8], $0x4000  }
0x21: {  	p5 =	por !p4, !p3;
	p4 =	por $0x0, $0x0;
	[sflag:s8] =	ssyncset.done $0x0  }
0x22: {  	s13 =	simm.s32 $0x0;
	p6 =	por p4, p6;
	[sflag:s8] =	ssyncadd.s32 $0xFFFFC000  }
0x23: {  	s16 =	simm.s32 $0x0;
	s19 =	simm.s32 $0x0;
	_ =	strace $0x90000055  }
.LBB2_2:
0x24: {  	_ =	strace @p6 $0x80000056;
	s13 =	sadd.s32 s21, s13;
	s21 =	smov.u32 s12  }
0x25: {  	s12 =	smov.u32 s18;
	s18 =	sadd.s32 $0xFFFFFFFF, s18;
	p0 =	por p3, p3  }
0x26: {  	s28 =	sshll.u32 @p6 s23, $0xB;
	s20 =	sadd.s32 @p6 $0x3, s20;
	s24 =	simm.s32 @!p0 $0x0  }
0x27: {  	s25 =	rddreg [dreg:$0x4];
	s28 =	sand.u32 @p6 $0x1FFFF800, s28;
	s24 =	simm.s32 @p0 $0x1  }
0x28: {  	s25 =	sadd.s32 @p6 s25, s28;
	s28 =	simm.s32 @p6 $0x0;
	p0 =	sne.s32 s18, $0x0  }
0x29: {  	[hbm4b:s25+s28] =	stream.linear.scatter @p6 [tilespmem:s22], [sflag:s20], $0x4000, $0x200038;
	[tilespmem:$0x8100] =	vst v63  }
0x2a: {  	s20 =	sadd.s32 @!p1 $0x3, s15;
	s15 =	simm.s32 @!p0 $0x0  }
0x2b: {  	s26 =	simm.s32 $0x1;
	[smem:$0x7FC] =	sst s24;
	s15 =	simm.s32 @p0 $0x1  }
0x2c: {  	s26 =	simm.s32 @!p6 $0x0;
	_ =	strace @p6 $0x90000056;
	[smem:$0x7FD] =	sst s15  }
0x2d: {  	p5 =	por !p5, !p5;
	s19 =	sadd.s32 s26, s19;
	_ =	strace @!p1 $0x80000057  }
0x2e: {  	s24 =	sand.u32 @!p2 $0x1, s13;
	s22 =	sand.u32 @p5 $0x1, s14;
	_ =	swait.ge @!p1 [sflag:s20], $0x4000  }
0x2f: {  	s15 =	smov.u32 s24;
	s24 =	sadd.s32 @p5 s4, s17;
	[sflag:s20] =	ssyncset.done @!p1 $0x0  }
0x30: {  	s25 =	sshll.u32 @p5 s22, $0x7;
	s24 =	sshll.u32 @p5 s24, $0x4;
	[sflag:s20] =	ssyncadd.s32 @!p1 $0xFFFFC000  }
0x31: {  	s20 =	sadd.s32 @p5 $0x1, s22;
	s22 =	sand.u32 @p5 $0x1FFFFFF0, s24;
	_ =	strace @!p1 $0x90000057  }
0x32: {  	s24 =	simm.s32 @p5 $0x0;
	s22 =	sadd.s32 @p5 s3, s22;
	_ =	strace @p5 $0x80000053  }
0x33: {  	[tilespmem:s25], [sflag:s20] =	stream.linear.gather @p5 [hbm4b:s22+s24], $0x80, $0x200038;
	[tilespmem:$0x8100] =	vst v63  }
0x34: {  	s16 =	sadd.s32 s26, s16;
	s26 =	sand.u32 $0x1, s19;
	_ =	strace @p5 $0x90000053  }
0x35: {  	s24 =	sadd.s32 $0x1, s26;
	_ =	strace $0x80000054  }
0x36: {  	_ =	swait.ge [sflag:s24], $0x80  }
0x37: {  	[sflag:s24] =	ssyncset.done $0x0  }
0x38: {  	s20 =	simm.s32 $0x1;
	[sflag:s24] =	ssyncadd.s32 $0xFFFFFF80  }
0x39: {  	s20 =	simm.s32 @!p5 $0x0;
	_ =	strace $0x90000054  }
0x3a: {  	s14 =	sadd.s32 s20, s14;
	s20 =	sand.u32 $0x1, s16;
	_ =	strace $0x80000055  }
0x3b: {  	s29 =	sshll.u32 s19, $0x7;
	s25 =	sshll.u32 s20, $0xE;
	s26 =	rddreg [dreg:$0x3]  }
0x3c: {  	s29 =	sand.u32 $0x80, s29;
	s22 =	sor.u32 $0x100, s25;
	s30 =	rddreg [dreg:$0x2]  }
0x3d: {  	[tilespmem:s22], [sflag:$0x5] =	stream.indirect.gather [hbm4b:s30+s26], $0x80, s29, s26, $0x2000b8;
	[tilespmem:$0x8100] =	vst v63  }
0x3e: {  	_ =	swait.ge [sflag:s8], $0x4000  }
0x3f: {  	s31 =	sadd.s32 $0x1, s17;
	[sflag:s8] =	ssyncset.done $0x0  }
0x40: {  	s23 =	sadd.s32 s4, s11;
	s11 =	smov.u32 s17;
	[sflag:s8] =	ssyncadd.s32 $0xFFFFC000  }
0x41: {  	p3 =	seq.s32 s31, $0x1A;
	s17 =	smov.u32 s31;
	_ =	strace $0x90000055  }
0x42: {  	s17 =	simm.s32 @p3 $0x0;
	s31 =	sld [smem:$0x7FD]  }
0x43: {  	p6 =	sne.s32 s12, $0x1;
	p0 =	sne.s32 s21, $0x1A;
	p3 =	sne.s32 s11, s17  }
0x44: {  	p5 =	por !p6, !p3;
	p6 =	seq.s32 s21, $0x1;
	s21 =	simm.s32 $0x1  }
0x45: {  	s21 =	simm.s32 @!p0 $0x0;
	p0 =	seq.s32 s31, $0x1  }
.Ltmp0:
0x46: {  	s30 =	sld [smem:$0x7FC];
	(pc) =	sbr.rel @p0 .LBB2_2-.Ltmp0, $4  }
0x47: {  	_ = 	snop  }
0x48: {  	p4 =	seq.s32 s12, $0x1A  }
0x49: {  	p1 =	por p2, p2;
	p2 =	por p4, p4;
	p4 =	seq.s32 s30, $0x1  }
0x4a: {  	p6 =	por p6, p4  }
0x4b: {  	_ =	strace @p6 $0x80000056;
	s23 =	sshll.u32 @p6 s23, $0xB  }
0x4c: {  	s18 =	rddreg [dreg:$0x4];
	s23 =	sand.u32 @p6 $0x1FFFF800, s23  }
0x4d: {  	s20 =	sadd.s32 @p6 $0x3, s20;
	s18 =	sadd.s32 @p6 s18, s23;
	s23 =	simm.s32 @p6 $0x0  }
0x4e: {  	[hbm4b:s18+s23] =	stream.linear.scatter @p6 [tilespmem:s22], [sflag:s20], $0x4000, $0x200038;
	[tilespmem:$0x8100] =	vst v63  }
0x4f: {  	p0 =	por !p5, !p5;
	_ =	strace @p6 $0x90000056  }
0x50: {  	s15 =	sadd.s32 @!p1 $0x3, s15;
	s17 =	sadd.s32 @p0 s4, s17;
	_ =	strace @!p1 $0x80000057  }
0x51: {  	s14 =	sand.u32 @p0 $0x1, s14;
	s17 =	sshll.u32 @p0 s17, $0x4;
	_ =	swait.ge @!p1 [sflag:s15], $0x4000  }
0x52: {  	s18 =	simm.s32 $0x1;
	s20 =	sshll.u32 @p0 s14, $0x7;
	[sflag:s15] =	ssyncset.done @!p1 $0x0  }
0x53: {  	s14 =	sadd.s32 @p0 $0x1, s14;
	s18 =	simm.s32 @!p6 $0x0;
	[sflag:s15] =	ssyncadd.s32 @!p1 $0xFFFFC000  }
0x54: {  	s19 =	sadd.s32 s18, s19;
	s15 =	sand.u32 @p0 $0x1FFFFFF0, s17;
	_ =	strace @!p1 $0x90000057  }
0x55: {  	s17 =	simm.s32 @p0 $0x0;
	s15 =	sadd.s32 @p0 s3, s15;
	_ =	strace @p0 $0x80000053  }
0x56: {  	[tilespmem:s20], [sflag:s14] =	stream.linear.gather @p0 [hbm4b:s15+s17], $0x80, $0x200038;
	[tilespmem:$0x8100] =	vst v63  }
0x57: {  	s25 =	sand.u32 $0x1, s19;
	_ =	strace @p0 $0x90000053  }
0x58: {  	s14 =	sadd.s32 $0x1, s25;
	_ =	strace $0x80000054  }
0x59: {  	_ =	swait.ge [sflag:s14], $0x80  }
0x5a: {  	[sflag:s14] =	ssyncset.done $0x0  }
0x5b: {  	[sflag:s14] =	ssyncadd.s32 $0xFFFFFF80  }
0x5c: {  	s26 =	sadd.s32 s18, s16;
	_ =	strace $0x90000054  }
0x5d: {  	s14 =	sand.u32 $0x1, s26;
	_ =	strace $0x80000055  }
0x5e: {  	s30 =	sshll.u32 s19, $0x7;
	s31 =	sshll.u32 s14, $0xE;
	s28 =	rddreg [dreg:$0x3]  }
0x5f: {  	s17 =	sand.u32 $0x80, s30;
	s18 =	sor.u32 $0x100, s31;
	s29 =	rddreg [dreg:$0x2]  }
0x60: {  	[tilespmem:s18], [sflag:$0x5] =	stream.indirect.gather [hbm4b:s29+s28], $0x80, s17, s28, $0x2000b8;
	[tilespmem:$0x8100] =	vst v63  }
0x61: {  	_ =	swait.ge [sflag:s8], $0x4000  }
0x62: {  	[sflag:s8] =	ssyncset.done $0x0  }
0x63: {  	p5 =	por p3, p3;
	p6 =	seq.s32 s12, $0x1;
	[sflag:s8] =	ssyncadd.s32 $0xFFFFC000  }
0x64: {  	s11 =	sadd.s32 s4, s11;
	p0 =	por p6, p5;
	_ =	strace $0x90000055  }
0x65: {  	s11 =	sshll.u32 @p0 s11, $0xB;
	_ =	strace @p0 $0x80000056  }
0x66: {  	s13 =	sadd.s32 s21, s13;
	s11 =	sand.u32 @p0 $0x1FFFF800, s11;
	s12 =	rddreg [dreg:$0x4]  }
0x67: {  	s14 =	sadd.s32 @p0 $0x3, s14;
	s11 =	sadd.s32 @p0 s12, s11;
	s12 =	simm.s32 @p0 $0x0  }
0x68: {  	[hbm4b:s11+s12] =	stream.linear.scatter @p0 [tilespmem:s18], [sflag:s14], $0x4000, $0x200038;
	[tilespmem:$0x8100] =	vst v63  }
0x69: {  	p1 =	por p2, p2;
	s11 =	sand.u32 @!p2 $0x1, s13;
	_ =	strace @p0 $0x90000056  }
0x6a: {  	s11 =	sadd.s32 @!p1 $0x3, s11;
	_ =	strace @!p1 $0x80000057  }
0x6b: {  	_ =	swait.ge @!p1 [sflag:s11], $0x4000  }
0x6c: {  	[sflag:s11] =	ssyncset.done @!p1 $0x0  }
0x6d: {  	s10 =	sadd.s32 $0x1, s10;
	[sflag:s11] =	ssyncadd.s32 @!p1 $0xFFFFC000  }
0x6e: {  	p0 =	sne.s32 s10, s6;
	_ =	strace @!p1 $0x90000057  }
.Ltmp1:
0x6f: {  	_ =	strace $0x80000058;
	(pc) =	sbr.rel @p0 .LBB2_1-.Ltmp1, $4  }
0x70: {  	_ =	swait.ge [sflag:s9], $0x4000  }
0x71: {  	[sflag:s9] =	ssyncset.done $0x0  }
0x72: {  	[sflag:s9] =	ssyncadd.s32 $0xFFFFC000  }
0x73: {  	_ =	strace $0x90000058  }
0x74: {  	_ =	sfence.sel $0x180000  }
0x75: {  	[bflag:$0x0] =	sbarrier.arrive $0xFFFF  }
0x76: {  	p0 =	sne.s32 s2, $0x0;
	_ =	strace $0x90000051  }
0x77: {  	s0 =	sadd.s32 @!p0 $0x100000, s0;
	[bflag:$0x2] =	sbarrier.arrive $0xFFFF  }
0x78: {  	[sflag:s0] =	ssyncadd.tile.s32 @!p0 $0x1;
	_ =	shalt  }
.Lfunc_end2:
_tile_overlayer_lowered:
.L_overlay_start_2:
0x79: {  	(tag) =	ssettag $0x2  }
0x7a: {  	s0 =	rddreg [dreg:$0x0];
	s2 =	stileid.u32  }
0x7b: {  	s1 =	rddreg [dreg:$0x1];
	p0 =	sne.s32 s2, $0x0  }
0x7c: {  	s3 =	rddreg [dreg:$0x2];
	[bflag:$0x3] =	sbarrier.arrive $0xFFFF;
	s2 =	simm.s32 @!p0 $0x1C01  }
0x7d: {  	[timem:s3], [sflag:s2] =	dma.local @!p0 [hbm:s0], s1  }
0x7e: {  	s0 =	simm.s32 @!p0 $0x1  }
0x7f: {  	_ =	swait.ge @!p0 [sflag:s0], s1  }
0x80: {  	s1 =	ssub.s32 @!p0 $0x0, s1;
	[sflag:s0] =	ssyncset.done @!p0 $0x0  }
0x81: {  	[sflag:s0] =	ssyncadd.s32 @!p0 s1  }
0x82: {  	[bflag:$0x3] =	sbarrier.arrive $0xFFFF  }
0x83: {  	_ =	shalt  }

// kernel: kernel.21.cloned.1.call-start
scs
__scs_entry_jumppad:
0x0: {  	(pc) =	sbr.rel $0x88, $3  }
0x1: {  	(tag) =	ssettag $0x0;
	lr =	simm.s32 $0x1  }
0x2: {  	[smem:$0x3F8D] =	sst lr;
	_ =	strace $0xD0000000  }
0x3: {  	_ = 	snop  }
0x4: {  	_ = 	snop  }
0x5: {  	_ = 	snop  }
0x6: {  	_ = 	snop  }
0x7: {  	_ = 	snop  }
__scs_overlays_trampoline_lowered:
0x8: {  	[smem:$0x3F9C] =	sst s0  }
0x9: {  	[smem:$0x3F9D] =	sst s1  }
0xa: {  	[smem:$0x3F9E] =	sst s2  }
0xb: {  	[smem:$0x3F9F] =	sst s3  }
0xc: {  	[smem:$0x3FA0] =	sst s4  }
0xd: {  	[smem:$0x3FA1] =	sst s5  }
0xe: {  	[smem:$0x3FA2] =	sst s6  }
0xf: {  	[smem:$0x3FA3] =	sst s7  }
0x10: {  	[smem:$0x3FA4] =	sst s8  }
0x11: {  	[smem:$0x3FA5] =	sst s9;
	s0 =	simm.s32 @!p0 $0x0  }
0x12: {  	s1 =	sld [smem:$0x3F8B];
	s0 =	simm.s32 @p0 $0x1  }
0x13: {  	[smem:$0x3FA6] =	sst s0;
	s0 =	simm.s32 @!p1 $0x0  }
0x14: {  	s2 =	sld [smem:$0x3F8A];
	s0 =	simm.s32 @p1 $0x1  }
0x15: {  	[smem:$0x3FA7] =	sst s0;
	s0 =	simm.s32 @!p2 $0x0  }
0x16: {  	s3 =	sld [smem:$0x3FDB];
	s0 =	simm.s32 @p2 $0x1  }
0x17: {  	s4 =	simm.s32 $0x1BF5;
	[smem:$0x3FA9] =	sst s0  }
0x18: {  	s0 =	sld [smem:$0x3F8C];
	_ =	swait.ge [sflag:s4], $0x0  }
0x19: {  	s7 =	sld [smem:$0x3F8D]  }
0x1a: {  	s8 =	sadd.s32 $0xFFFFE003, lr  }
0x1b: {  	s9 =	sadd.s32 $0xFFFFFEF7, lr;
	s5 =	simm.s32 $0xFFFFFFFF;
	p2 =	slt.u32 s8, $0xFFFFF086  }
0x1c: {  	p1 =	slt.u32 s9, $0xF7A;
	s5 =	simm.s32 @!p2 $0x0  }
0x1d: {  	s5 =	simm.s32 @p1 $0x1;
	p0 =	seq.s32 s7, s2  }
0x1e: {  	s7 =	smul.u32 @!p0 $0xF7A, s2;
	p2 =	seq.s32 @!p0 s5, $0x0  }
0x1f: {  	s9 =	smul.u32 $0xF7A, s1;
	s8 =	simm.s32 @!p0 $0x1BF5;
	p2 =	por !p2, p0  }
0x20: {  	[sflag:s8] =	ssyncset.s32 @!p0 $0xFFFFF086;
	s6 =	sadd.s32 @!p0 s3, s7;
	s7 =	simm.s32 @!p0 $0x108  }
0x21: {  	s3 =	sadd.s32 s3, s9;
	s6 =	sadd.s32 @!p0 $0x88, s6;
	s7 =	simm.s32 @p2 $0x1082  }
0x22: {  	[simem:s7], [sflag:s8] =	dma.local @!p0 [hbm:s6], $0xF7A  }
0x23: {  	s9 =	sor.u32 $0xD0000000, s2;
	s6 =	simm.s32 $0x108;
	_ =	swait.ge @!p0 [sflag:s8], $0x0  }
0x24: {  	s3 =	sadd.s32 $0x88, s3;
	s6 =	simm.s32 @!p1 $0x1082;
	[sflag:s4] =	ssyncset.s32 $0xFFFFF086  }
0x25: {  	[simem:s6], [sflag:s4] =	dma.local [hbm:s3], $0xF7A  }
0x26: {  	[smem:$0x3F8D] =	sst s1;
	(tag) =	ssettag s2;
	_ =	strace s9  }
0x27: {  	s1 =	sld [smem:$0x3F9D]  }
0x28: {  	s2 =	sld [smem:$0x3F9E]  }
0x29: {  	s4 =	sld [smem:$0x3FA0]  }
0x2a: {  	p0 =	seq.s32 s5, $0x0;
	s5 =	sld [smem:$0x3FA1]  }
0x2b: {  	s6 =	sld [smem:$0x3FA2]  }
0x2c: {  	s7 =	sld [smem:$0x3FA3]  }
0x2d: {  	s3 =	simm.s32 $0x108;
	s8 =	sld [smem:$0x3FA4]  }
0x2e: {  	s3 =	simm.s32 @!p0 $0x1082;
	s9 =	sld [smem:$0x3FA5]  }
0x2f: {  	lr =	sadd.s32 s0, s3;
	s0 =	sld [smem:$0x3F9C]  }
0x30: {  	s3 =	sld [smem:$0x3F9F]  }
0x31: {  	[smem:$0x3FA8] =	sst s10  }
0x32: {  	s10 =	sld [smem:$0x3FA6];
	_ =	sdelay $0x3  }
0x33: {  	p0 =	seq.s32 s10, $0x1;
	s10 =	sld [smem:$0x3FA8];
	_ =	sdelay $0x3  }
0x34: {  	[smem:$0x3FA8] =	sst s10  }
0x35: {  	s10 =	sld [smem:$0x3FA7];
	_ =	sdelay $0x3  }
0x36: {  	p1 =	seq.s32 s10, $0x1;
	s10 =	sld [smem:$0x3FA8];
	_ =	sdelay $0x3  }
0x37: {  	[smem:$0x3FA8] =	sst s10  }
0x38: {  	s10 =	sld [smem:$0x3FA9]  }
0x39: {  	_ = 	snop;
	(pc) =	sbr.ind lr, $3  }
0x3a: {  	_ = 	snop  }
0x3b: {  	_ = 	snop  }
0x3c: {  	p2 =	seq.s32 s10, $0x1;
	s10 =	sld [smem:$0x3FA8]  }
0x3d: {  	_ =	shalt  }
0x3e: {  	_ =	shalt  }
0x3f: {  	_ =	shalt  }
0x40: {  	_ =	shalt  }
0x41: {  	_ =	shalt  }
0x42: {  	_ =	shalt  }
0x43: {  	_ =	shalt  }
0x44: {  	_ =	shalt  }
0x45: {  	_ =	shalt  }
0x46: {  	_ =	shalt  }
0x47: {  	_ =	shalt  }
0x48: {  	_ =	shalt  }
0x49: {  	_ =	shalt  }
0x4a: {  	_ =	shalt  }
0x4b: {  	_ =	shalt  }
0x4c: {  	_ =	shalt  }
0x4d: {  	_ =	shalt  }
0x4e: {  	_ =	shalt  }
0x4f: {  	_ =	shalt  }
0x50: {  	_ =	shalt  }
0x51: {  	_ =	shalt  }
0x52: {  	_ =	shalt  }
0x53: {  	_ =	shalt  }
0x54: {  	_ =	shalt  }
0x55: {  	_ =	shalt  }
0x56: {  	_ =	shalt  }
0x57: {  	_ =	shalt  }
0x58: {  	_ =	shalt  }
0x59: {  	_ =	shalt  }
0x5a: {  	_ =	shalt  }
0x5b: {  	_ =	shalt  }
0x5c: {  	_ =	shalt  }
0x5d: {  	_ =	shalt  }
0x5e: {  	_ =	shalt  }
0x5f: {  	_ =	shalt  }
0x60: {  	_ =	shalt  }
0x61: {  	_ =	shalt  }
0x62: {  	_ =	shalt  }
0x63: {  	_ =	shalt  }
0x64: {  	_ =	shalt  }
0x65: {  	_ =	shalt  }
0x66: {  	_ =	shalt  }
0x67: {  	_ =	shalt  }
0x68: {  	_ =	shalt  }
0x69: {  	_ =	shalt  }
0x6a: {  	_ =	shalt  }
0x6b: {  	_ =	shalt  }
0x6c: {  	_ =	shalt  }
0x6d: {  	_ =	shalt  }
0x6e: {  	_ =	shalt  }
0x6f: {  	_ =	shalt  }
0x70: {  	_ =	shalt  }
0x71: {  	_ =	shalt  }
0x72: {  	_ =	shalt  }
0x73: {  	_ =	shalt  }
0x74: {  	_ =	shalt  }
0x75: {  	_ =	shalt  }
0x76: {  	_ =	shalt  }
0x77: {  	_ =	shalt  }
0x78: {  	_ =	shalt  }
0x79: {  	_ =	shalt  }
0x7a: {  	_ =	shalt  }
0x7b: {  	_ =	shalt  }
0x7c: {  	_ =	shalt  }
0x7d: {  	_ =	shalt  }
0x7e: {  	_ =	shalt  }
0x7f: {  	_ =	shalt  }
0x80: {  	_ =	shalt  }
0x81: {  	_ =	shalt  }
0x82: {  	_ =	shalt  }
0x83: {  	_ =	shalt  }
0x84: {  	_ =	shalt  }
0x85: {  	_ =	shalt  }
0x86: {  	_ =	shalt  }
0x87: {  	_ =	shalt  }
.Lfunc_end0:
.L_simem_size_0:
called_computation.3_lowered:
.L_overlay_start_0:
0x88: {  	s2 =	sld [smem:$0x3FD9]  }
0x89: {  	s3 =	sld [smem:$0x3FFE];
	_ =	sdelay $0x1  }
0x8a: {  	s1 =	srdreg.scid  }
0x8b: {  	s0 =	sand.u32 $0x1, s1  }
0x8c: {  	s16 =	sshll.u32 s0, $0xA;
	s2 =	sadd.s32 s3, s2  }
0x8d: {  	s2 =	sadd.s32 s2, s16  }
0x8e: {  	[smem:$0x3FB4] =	sst s2  }
0x8f: {  	_ = 	snop  }
0x90: {  	(tm) =	ssettm $0x1  }
0x91: {  	s17 =	sld [smem:$0x3FFB];
	_ =	sdelay $0x3  }
0x92: {  	_ =	strace s17  }
0x93: {  	s2 =	sld [smem:$0x3FFC];
	_ =	sdelay $0x3  }
0x94: {  	_ =	strace s2  }
0x95: {  	s2 =	sld [smem:$0x3FFD];
	_ =	sdelay $0x3  }
0x96: {  	_ =	strace s2  }
0x97: {  	_ =	strace $0x8FFFFFFF  }
0x98: {  	s18 =	sld [smem:$0x3FDB];
	_ =	sdelay $0x1  }
0x99: {  	s19 =	simm.s32 $_scs_section_size  }
0x9a: {  	s4 =	simm.s32 $_size__tile_overlayer_lowered;
	s5 =	simm.s32 $_tile_overlayer_lowered  }
0x9b: {  	s22 =	simm.s32 $0x1BFF;
	s21 =	sshll.u32 s5, $0x1;
	s2 =	sadd.s32 s19, s18  }
0x9c: {  	s6 =	simm.s32 $0x0;
	s20 =	sshll.u32 s4, $0x1;
	s4 =	sadd.s32 s21, s2  }
0x9d: {  	[timem:s6], [sflag:s22] =	dma.local [hbm:s4], s20  }
0x9e: {  	_ =	swait.ge [sflag:s22], s20  }
0x9f: {  	s3 =	ssub.s32 $0x0, s20;
	[sflag:s22] =	ssyncset.done $0x0  }
0xa0: {  	[sflag:s22] =	ssyncadd.s32 s3;
	_ =	sdelay $0x1  }
0xa1: {  	s23 =	simm.s32 $0x1B8B  }
0xa2: {  	_ =	swait.ge [sflag:s23], $0x1  }
0xa3: {  	[sflag:s23] =	ssyncset.done $0x0  }
0xa4: {  	s25 =	simm.s32 $0x1B8E;
	s24 =	sld [smem:$0x3FFE];
	[sflag:s23] =	ssyncadd.s32 $0xFFFFFFFF  }
0xa5: {  	s26 =	simm.s32 $execute0_lowered;
	[smem:$0x3FD2] =	sst s25  }
0xa6: {  	s4 =	sshll.u32 s26, $0x1;
	_ =	strace $0x80000046;
	[dreg:$0x1] =	wrdreg $0xFFFFFFFF  }
0xa7: {  	s28 =	simm.s32 $_size_execute0_lowered;
	s2 =	sadd.s32 s2, s4;
	[dreg:$0x0] =	wrdreg $0x0  }
0xa8: {  	s4 =	sshll.u32 s28, $0x1;
	[dreg:$0x2] =	wrdreg s2  }
0xa9: {  	[dreg:$0x3] =	wrdreg s4  }
0xaa: {  	[dreg:$0x4] =	wrdreg $0xC0  }
0xab: {  	_ =	task [dreg:s6], $0x5FFFF  }
0xac: {  	[dreg:$0x1] =	wrdreg $0xFFFFFFFF  }
0xad: {  	[dreg:$0x0] =	wrdreg $0x60  }
0xae: {  	[dreg:$0x2] =	wrdreg s24  }
0xaf: {  	[dreg:$0x3] =	wrdreg $0xC  }
0xb0: {  	_ =	task.clear_ibuf [dreg:s6], $0x4FFFF;
	_ =	strace $0x90000046  }
0xb1: {  	s29 =	simm.s32 $0xC;
	_ =	strace $0x8000004F  }
0xb2: {  	_ =	swait.ge [sflag:s29], $0x1  }
0xb3: {  	[sflag:s29] =	ssyncadd.s32 $0xFFFFFFFF  }
0xb4: {  	_ =	strace $0x9000004F  }
0xb5: {  	_ =	sfence  }
0xb6: {  	s30 =	sld [smem:$0x0];
	_ =	sdelay $0x2  }
0xb7: {  	s31 =	sshll.u32 s1, $0xD;
	s1 =	sshrl.u32 s1, $0x2  }
0xb8: {  	s3 =	sand.u32 $0x4000, s31;
	s1 =	sadd.s32 s1, s30  }
0xb9: {  	s0 =	sor.u32 s3, s0;
	s1 =	sshll.u32 s1, $0x11  }
0xba: {  	s0 =	sor.u32 s1, s0  }
0xbb: {  	s0 =	sadd.s32 $0x8F2B, s0  }
0xbc: {  	[sflag:s0] =	ssyncadd.remote.s32 $0x1  }
0xbd: {  	_ =	sfence.sel $0xFFFF  }
0xbe: {  	[dreg:$0x0] =	wrdreg $0xFFFFFFFF;
	(pc) =	sbr.abs _section_cstart, $3  }
0xbf: {  	[dreg:$0x1] =	wrdreg $0xFFFFFFFF  }
0xc0: {  	_ =	task.clear_ibuf [dreg:s6], $0x2FFFF;
	_ =	strace $0x9FFFFFFF  }
0xc1: {  	(tm) =	ssettm $0x7FFFFFFF  }
tec
execute0_lowered:
.L_overlay_start_1:
0x0: {  	(tag) =	ssettag $0x1  }
0x1: {  	s3 =	rddreg [dreg:$0x0]  }
0x2: {  	s0 =	rddreg [dreg:$0x1];
	s1 =	simm.s32 $0x0;
	s2 =	srdreg.scid  }
0x3: {  	s31 =	simm.s32 $0x80;
	s9 =	simm.s32 $0x4;
	s10 =	simm.s32 $0x0  }
0x4: {  	[smem:$0x7FF] =	sst s1;
	s4 =	sand.u32 $0x1, s2;
	s5 =	sadd.s32 $0x1E400, s3  }
0x5: {  	s2 =	stileid.u32;
	s29 =	sadd.s32 $0xA1E400, s3;
	s3 =	sadd.s32 $0x4400, s3  }
0x6: {  	_ =	strace $0x80000047;
	s6 =	sshll.u32 s4, $0x4;
	[dreg:$0x2] =	wrdreg s5  }
0x7: {  	s4 =	ssub.s32 $0x2, s4;
	[dreg:$0x4] =	wrdreg s29;
	s28 =	sor.u32 s2, s6  }
0x8: {  	[dreg:$0x3] =	wrdreg s31;
	s7 =	sshrl.u32 s4, $0x1;
	s8 =	smul.u32 $0x1A0, s28  }
0x9: {  	s30 =	ssub.s32 s4, s7;
	s4 =	smul.u32 $0x1A, s28;
	s7 =	simm.s32 $0x1  }
0xa: {  	s6 =	smax.u32 s30, $0x1;
	s5 =	sadd.s32 s3, s8;
	s8 =	simm.s32 $0x5  }
.LBB2_1:
0xb: {  	_ =	strace $0x80000048;
	s11 =	simm.s32 $0x1;
	p0 =	por $0x0, $0x0  }
0xc: {  	[tilespmem:s1], [sflag:$0x1] =	stream.linear.gather [hbm4b:s5+s1], $0x80, $0x200038;
	[tilespmem:$0x8100] =	vst v63  }
0xd: {  	s11 =	simm.s32 @p0 $0x0  }
0xe: {  	p4 =	por $0x1, $0x1;
	s20 =	sand.u32 $0x1, s1;
	p1 =	sne.s32 s11, $0x0  }
0xf: {  	p2 =	por $0x1, $0x1;
	s18 =	simm.s32 $0x18;
	p0 =	por !p4, !p1  }
0x10: {  	s16 =	simm.s32 $0x0;
	p5 =	por $0x0, $0x0;
	p0 =	por !p0, !p0  }
0x11: {  	s23 =	sadd.s32 $0x0, s4;
	s30 =	sadd.s32 $0x1, s20;
	s12 =	sadd.s32 @p0 s4, s11  }
0x12: {  	_ =	strace $0x90000048;
	s13 =	sand.u32 @p0 $0x1, s7;
	s12 =	sshll.u32 @p0 s12, $0x4  }
0x13: {  	_ =	strace @p0 $0x80000049;
	s15 =	simm.s32 @p0 $0x0;
	s12 =	sand.u32 @p0 $0x1FFFFFF0, s12  }
0x14: {  	s14 =	sshll.u32 @p0 s13, $0x7;
	s13 =	sadd.s32 @p0 $0x1, s13;
	s12 =	sadd.s32 @p0 s3, s12  }
0x15: {  	[tilespmem:s14], [sflag:s13] =	stream.linear.gather @p0 [hbm4b:s12+s15], $0x80, $0x200038;
	[tilespmem:$0x8100] =	vst v63  }
0x16: {  	p3 =	por p2, p2;
	s21 =	sshll.u32 s20, $0xE;
	_ =	strace @p0 $0x90000049  }
0x17: {  	s16 =	sand.u32 $0x80, s16;
	p2 =	por p5, p5;
	_ =	strace $0x8000004A  }
0x18: {  	s17 =	sadd.s32 $0x1, s11;
	s22 =	sor.u32 $0x100, s21;
	_ =	swait.ge [sflag:s30], $0x80  }
0x19: {  	s21 =	simm.s32 $0x1;
	p6 =	por p1, p1;
	[sflag:s30] =	ssyncset.done $0x0  }
0x1a: {  	p1 =	por p3, p3;
	p4 =	por $0x1, $0x1;
	[sflag:s30] =	ssyncadd.s32 $0xFFFFFF80  }
0x1b: {  	s12 =	simm.s32 $0x19;
	s15 =	sand.u32 @!p3 $0x1, s1;
	_ =	strace $0x9000004A  }
0x1c: {  	s13 =	simm.s32 $0x1;
	p3 =	seq.s32 s17, $0x1A;
	_ =	strace $0x8000004B  }
0x1d: {  	s13 =	simm.s32 @!p0 $0x0;
	s17 =	simm.s32 @p3 $0x0;
	s19 =	rddreg [dreg:$0x3]  }
0x1e: {  	p0 =	por $0x0, $0x0;
	s14 =	sadd.s32 $0x1, s13;
	s31 =	rddreg [dreg:$0x2]  }
0x1f: {  	[tilespmem:s22], [sflag:$0x5] =	stream.indirect.gather [hbm4b:s31+s19], $0x80, s16, s19, $0x2000b8;
	[tilespmem:$0x8100] =	vst v63  }
0x20: {  	p3 =	sne.s32 s11, s17;
	s21 =	simm.s32 @!p0 $0x0;
	_ =	swait.ge [sflag:s8], $0x4000  }
0x21: {  	p5 =	por !p4, !p3;
	p4 =	por $0x0, $0x0;
	[sflag:s8] =	ssyncset.done $0x0  }
0x22: {  	s13 =	simm.s32 $0x0;
	p6 =	por p4, p6;
	[sflag:s8] =	ssyncadd.s32 $0xFFFFC000  }
0x23: {  	s16 =	simm.s32 $0x0;
	s19 =	simm.s32 $0x0;
	_ =	strace $0x9000004B  }
.LBB2_2:
0x24: {  	_ =	strace @p6 $0x8000004C;
	s13 =	sadd.s32 s21, s13;
	s21 =	smov.u32 s12  }
0x25: {  	s12 =	smov.u32 s18;
	s18 =	sadd.s32 $0xFFFFFFFF, s18;
	p0 =	por p3, p3  }
0x26: {  	s28 =	sshll.u32 @p6 s23, $0xB;
	s20 =	sadd.s32 @p6 $0x3, s20;
	s24 =	simm.s32 @!p0 $0x0  }
0x27: {  	s25 =	rddreg [dreg:$0x4];
	s28 =	sand.u32 @p6 $0x1FFFF800, s28;
	s24 =	simm.s32 @p0 $0x1  }
0x28: {  	s25 =	sadd.s32 @p6 s25, s28;
	s28 =	simm.s32 @p6 $0x0;
	p0 =	sne.s32 s18, $0x0  }
0x29: {  	[hbm4b:s25+s28] =	stream.linear.scatter @p6 [tilespmem:s22], [sflag:s20], $0x4000, $0x200038;
	[tilespmem:$0x8100] =	vst v63  }
0x2a: {  	s20 =	sadd.s32 @!p1 $0x3, s15;
	s15 =	simm.s32 @!p0 $0x0  }
0x2b: {  	s26 =	simm.s32 $0x1;
	[smem:$0x7FC] =	sst s24;
	s15 =	simm.s32 @p0 $0x1  }
0x2c: {  	s26 =	simm.s32 @!p6 $0x0;
	_ =	strace @p6 $0x9000004C;
	[smem:$0x7FD] =	sst s15  }
0x2d: {  	p5 =	por !p5, !p5;
	s19 =	sadd.s32 s26, s19;
	_ =	strace @!p1 $0x8000004D  }
0x2e: {  	s24 =	sand.u32 @!p2 $0x1, s13;
	s22 =	sand.u32 @p5 $0x1, s14;
	_ =	swait.ge @!p1 [sflag:s20], $0x4000  }
0x2f: {  	s15 =	smov.u32 s24;
	s24 =	sadd.s32 @p5 s4, s17;
	[sflag:s20] =	ssyncset.done @!p1 $0x0  }
0x30: {  	s25 =	sshll.u32 @p5 s22, $0x7;
	s24 =	sshll.u32 @p5 s24, $0x4;
	[sflag:s20] =	ssyncadd.s32 @!p1 $0xFFFFC000  }
0x31: {  	s20 =	sadd.s32 @p5 $0x1, s22;
	s22 =	sand.u32 @p5 $0x1FFFFFF0, s24;
	_ =	strace @!p1 $0x9000004D  }
0x32: {  	s24 =	simm.s32 @p5 $0x0;
	s22 =	sadd.s32 @p5 s3, s22;
	_ =	strace @p5 $0x80000049  }
0x33: {  	[tilespmem:s25], [sflag:s20] =	stream.linear.gather @p5 [hbm4b:s22+s24], $0x80, $0x200038;
	[tilespmem:$0x8100] =	vst v63  }
0x34: {  	s16 =	sadd.s32 s26, s16;
	s26 =	sand.u32 $0x1, s19;
	_ =	strace @p5 $0x90000049  }
0x35: {  	s24 =	sadd.s32 $0x1, s26;
	_ =	strace $0x8000004A  }
0x36: {  	_ =	swait.ge [sflag:s24], $0x80  }
0x37: {  	[sflag:s24] =	ssyncset.done $0x0  }
0x38: {  	s20 =	simm.s32 $0x1;
	[sflag:s24] =	ssyncadd.s32 $0xFFFFFF80  }
0x39: {  	s20 =	simm.s32 @!p5 $0x0;
	_ =	strace $0x9000004A  }
0x3a: {  	s14 =	sadd.s32 s20, s14;
	s20 =	sand.u32 $0x1, s16;
	_ =	strace $0x8000004B  }
0x3b: {  	s29 =	sshll.u32 s19, $0x7;
	s25 =	sshll.u32 s20, $0xE;
	s26 =	rddreg [dreg:$0x3]  }
0x3c: {  	s29 =	sand.u32 $0x80, s29;
	s22 =	sor.u32 $0x100, s25;
	s30 =	rddreg [dreg:$0x2]  }
0x3d: {  	[tilespmem:s22], [sflag:$0x5] =	stream.indirect.gather [hbm4b:s30+s26], $0x80, s29, s26, $0x2000b8;
	[tilespmem:$0x8100] =	vst v63  }
0x3e: {  	_ =	swait.ge [sflag:s8], $0x4000  }
0x3f: {  	s31 =	sadd.s32 $0x1, s17;
	[sflag:s8] =	ssyncset.done $0x0  }
0x40: {  	s23 =	sadd.s32 s4, s11;
	s11 =	smov.u32 s17;
	[sflag:s8] =	ssyncadd.s32 $0xFFFFC000  }
0x41: {  	p3 =	seq.s32 s31, $0x1A;
	s17 =	smov.u32 s31;
	_ =	strace $0x9000004B  }
0x42: {  	s17 =	simm.s32 @p3 $0x0;
	s31 =	sld [smem:$0x7FD]  }
0x43: {  	p6 =	sne.s32 s12, $0x1;
	p0 =	sne.s32 s21, $0x1A;
	p3 =	sne.s32 s11, s17  }
0x44: {  	p5 =	por !p6, !p3;
	p6 =	seq.s32 s21, $0x1;
	s21 =	simm.s32 $0x1  }
0x45: {  	s21 =	simm.s32 @!p0 $0x0;
	p0 =	seq.s32 s31, $0x1  }
.Ltmp0:
0x46: {  	s30 =	sld [smem:$0x7FC];
	(pc) =	sbr.rel @p0 .LBB2_2-.Ltmp0, $4  }
0x47: {  	_ = 	snop  }
0x48: {  	p4 =	seq.s32 s12, $0x1A  }
0x49: {  	p1 =	por p2, p2;
	p2 =	por p4, p4;
	p4 =	seq.s32 s30, $0x1  }
0x4a: {  	p6 =	por p6, p4  }
0x4b: {  	_ =	strace @p6 $0x8000004C;
	s23 =	sshll.u32 @p6 s23, $0xB  }
0x4c: {  	s18 =	rddreg [dreg:$0x4];
	s23 =	sand.u32 @p6 $0x1FFFF800, s23  }
0x4d: {  	s20 =	sadd.s32 @p6 $0x3, s20;
	s18 =	sadd.s32 @p6 s18, s23;
	s23 =	simm.s32 @p6 $0x0  }
0x4e: {  	[hbm4b:s18+s23] =	stream.linear.scatter @p6 [tilespmem:s22], [sflag:s20], $0x4000, $0x200038;
	[tilespmem:$0x8100] =	vst v63  }
0x4f: {  	p0 =	por !p5, !p5;
	_ =	strace @p6 $0x9000004C  }
0x50: {  	s15 =	sadd.s32 @!p1 $0x3, s15;
	s17 =	sadd.s32 @p0 s4, s17;
	_ =	strace @!p1 $0x8000004D  }
0x51: {  	s14 =	sand.u32 @p0 $0x1, s14;
	s17 =	sshll.u32 @p0 s17, $0x4;
	_ =	swait.ge @!p1 [sflag:s15], $0x4000  }
0x52: {  	s18 =	simm.s32 $0x1;
	s20 =	sshll.u32 @p0 s14, $0x7;
	[sflag:s15] =	ssyncset.done @!p1 $0x0  }
0x53: {  	s14 =	sadd.s32 @p0 $0x1, s14;
	s18 =	simm.s32 @!p6 $0x0;
	[sflag:s15] =	ssyncadd.s32 @!p1 $0xFFFFC000  }
0x54: {  	s19 =	sadd.s32 s18, s19;
	s15 =	sand.u32 @p0 $0x1FFFFFF0, s17;
	_ =	strace @!p1 $0x9000004D  }
0x55: {  	s17 =	simm.s32 @p0 $0x0;
	s15 =	sadd.s32 @p0 s3, s15;
	_ =	strace @p0 $0x80000049  }
0x56: {  	[tilespmem:s20], [sflag:s14] =	stream.linear.gather @p0 [hbm4b:s15+s17], $0x80, $0x200038;
	[tilespmem:$0x8100] =	vst v63  }
0x57: {  	s25 =	sand.u32 $0x1, s19;
	_ =	strace @p0 $0x90000049  }
0x58: {  	s14 =	sadd.s32 $0x1, s25;
	_ =	strace $0x8000004A  }
0x59: {  	_ =	swait.ge [sflag:s14], $0x80  }
0x5a: {  	[sflag:s14] =	ssyncset.done $0x0  }
0x5b: {  	[sflag:s14] =	ssyncadd.s32 $0xFFFFFF80  }
0x5c: {  	s26 =	sadd.s32 s18, s16;
	_ =	strace $0x9000004A  }
0x5d: {  	s14 =	sand.u32 $0x1, s26;
	_ =	strace $0x8000004B  }
0x5e: {  	s30 =	sshll.u32 s19, $0x7;
	s31 =	sshll.u32 s14, $0xE;
	s28 =	rddreg [dreg:$0x3]  }
0x5f: {  	s17 =	sand.u32 $0x80, s30;
	s18 =	sor.u32 $0x100, s31;
	s29 =	rddreg [dreg:$0x2]  }
0x60: {  	[tilespmem:s18], [sflag:$0x5] =	stream.indirect.gather [hbm4b:s29+s28], $0x80, s17, s28, $0x2000b8;
	[tilespmem:$0x8100] =	vst v63  }
0x61: {  	_ =	swait.ge [sflag:s8], $0x4000  }
0x62: {  	[sflag:s8] =	ssyncset.done $0x0  }
0x63: {  	p5 =	por p3, p3;
	p6 =	seq.s32 s12, $0x1;
	[sflag:s8] =	ssyncadd.s32 $0xFFFFC000  }
0x64: {  	s11 =	sadd.s32 s4, s11;
	p0 =	por p6, p5;
	_ =	strace $0x9000004B  }
0x65: {  	s11 =	sshll.u32 @p0 s11, $0xB;
	_ =	strace @p0 $0x8000004C  }
0x66: {  	s13 =	sadd.s32 s21, s13;
	s11 =	sand.u32 @p0 $0x1FFFF800, s11;
	s12 =	rddreg [dreg:$0x4]  }
0x67: {  	s14 =	sadd.s32 @p0 $0x3, s14;
	s11 =	sadd.s32 @p0 s12, s11;
	s12 =	simm.s32 @p0 $0x0  }
0x68: {  	[hbm4b:s11+s12] =	stream.linear.scatter @p0 [tilespmem:s18], [sflag:s14], $0x4000, $0x200038;
	[tilespmem:$0x8100] =	vst v63  }
0x69: {  	p1 =	por p2, p2;
	s11 =	sand.u32 @!p2 $0x1, s13;
	_ =	strace @p0 $0x9000004C  }
0x6a: {  	s11 =	sadd.s32 @!p1 $0x3, s11;
	_ =	strace @!p1 $0x8000004D  }
0x6b: {  	_ =	swait.ge @!p1 [sflag:s11], $0x4000  }
0x6c: {  	[sflag:s11] =	ssyncset.done @!p1 $0x0  }
0x6d: {  	s10 =	sadd.s32 $0x1, s10;
	[sflag:s11] =	ssyncadd.s32 @!p1 $0xFFFFC000  }
0x6e: {  	p0 =	sne.s32 s10, s6;
	_ =	strace @!p1 $0x9000004D  }
.Ltmp1:
0x6f: {  	_ =	strace $0x8000004E;
	(pc) =	sbr.rel @p0 .LBB2_1-.Ltmp1, $4  }
0x70: {  	_ =	swait.ge [sflag:s9], $0x4000  }
0x71: {  	[sflag:s9] =	ssyncset.done $0x0  }
0x72: {  	[sflag:s9] =	ssyncadd.s32 $0xFFFFC000  }
0x73: {  	_ =	strace $0x9000004E  }
0x74: {  	_ =	sfence.sel $0x180000  }
0x75: {  	[bflag:$0x0] =	sbarrier.arrive $0xFFFF  }
0x76: {  	p0 =	sne.s32 s2, $0x0;
	_ =	strace $0x90000047  }
0x77: {  	s0 =	sadd.s32 @!p0 $0x100000, s0;
	[bflag:$0x2] =	sbarrier.arrive $0xFFFF  }
0x78: {  	[sflag:s0] =	ssyncadd.tile.s32 @!p0 $0x1;
	_ =	shalt  }
.Lfunc_end2:
_tile_overlayer_lowered:
.L_overlay_start_2:
0x79: {  	(tag) =	ssettag $0x2  }
0x7a: {  	s0 =	rddreg [dreg:$0x0];
	s2 =	stileid.u32  }
0x7b: {  	s1 =	rddreg [dreg:$0x1];
	p0 =	sne.s32 s2, $0x0  }
0x7c: {  	s3 =	rddreg [dreg:$0x2];
	[bflag:$0x3] =	sbarrier.arrive $0xFFFF;
	s2 =	simm.s32 @!p0 $0x1C01  }
0x7d: {  	[timem:s3], [sflag:s2] =	dma.local @!p0 [hbm:s0], s1  }
0x7e: {  	s0 =	simm.s32 @!p0 $0x1  }
0x7f: {  	_ =	swait.ge @!p0 [sflag:s0], s1  }
0x80: {  	s1 =	ssub.s32 @!p0 $0x0, s1;
	[sflag:s0] =	ssyncset.done @!p0 $0x0  }
0x81: {  	[sflag:s0] =	ssyncadd.s32 @!p0 s1  }
0x82: {  	[bflag:$0x3] =	sbarrier.arrive $0xFFFF  }
0x83: {  	_ =	shalt  }

</sc_bundles>
